<compile_context>
chip_gen: v7x
topology: tpu7x:2x2x1
jax: 0.10.2.dev20260603
libtpu: 0.0.44.dev20260713+nightly
codegen_flags: <defaults>
</compile_context>

<pallas_src>
import functools

import jax
import jax.numpy as jnp
from jax import lax
from jax.experimental import pallas as pl
from jax.experimental.pallas import tpu as pltpu
from jax.experimental.pallas import tpu_sc as plsc

N_NODES = 10000
N_AGENTS = 1000
N_EDGES = 320000
D = 128
H1 = 256
NC = 2
NS = 16
NW = NC * NS
EPW = N_EDGES // NW
BLK = 512
CAP = 10240
RCH = 64
NBW = CAP // BLK
MAXB = NW * NBW


def _relu(v):
    return jnp.maximum(v, 0.0)



def _stage1_body(x_ref, wm1_ref, bm1_ref, xws_ref, xwd_ref):
    x = x_ref[...]
    xws_ref[...] = jnp.dot(x, wm1_ref[:D, :], preferred_element_type=jnp.float32)
    xwd_ref[...] = (
        jnp.dot(x_ref[:N_AGENTS, :], wm1_ref[D:, :], preferred_element_type=jnp.float32)
        + bm1_ref[...]
    )


def _stage1(x, wm1, bm1r):
    return pl.pallas_call(
        _stage1_body,
        out_shape=[
            jax.ShapeDtypeStruct((N_NODES, H1), jnp.float32),
            jax.ShapeDtypeStruct((N_AGENTS, H1), jnp.float32),
        ],
    )(x, wm1, bm1r)



def _sc_body(ei_hbm, xws_hbm, xwd_hbm,
             pres_hbm, pred_hbm, dstc_hbm, cnt_hbm,
             src_v, dst_v, csrc_v, cdst_v, bufa, bufb, bufa2, bufb2, cvec, sema, semb, semoa, semob):
    wid = lax.axis_index("s") * NC + lax.axis_index("c")
    ebase = wid * EPW
    pltpu.sync_copy(ei_hbm.at[pl.ds(ebase, EPW)], src_v)
    pltpu.sync_copy(ei_hbm.at[pl.ds(N_EDGES + ebase, EPW)], dst_v)

    one16 = jnp.ones((16,), jnp.int32)
    zer16 = jnp.zeros((16,), jnp.int32)

    def cbody(i, cnt):
        b0 = i * 64
        cur = cnt
        for g in range(4):
            s = src_v[pl.ds(b0 + g * 16, 16)]
            dv = dst_v[pl.ds(b0 + g * 16, 16)]
            m = dv < N_AGENTS
            csum = plsc.cumsum(jnp.where(m, one16, zer16))
            pos = cur + csum - 1
            plsc.store_scatter(csrc_v, [pos], s, mask=m)
            plsc.store_scatter(cdst_v, [pos], dv, mask=m)
            cur = cur + csum[15]
        return cur

    cnt = lax.fori_loop(0, EPW // 64, cbody, jnp.int32(0))
    for b0 in range(EPW - EPW % 64, EPW, 16):
        s = src_v[pl.ds(b0, 16)]
        dv = dst_v[pl.ds(b0, 16)]
        m = dv < N_AGENTS
        csum = plsc.cumsum(jnp.where(m, one16, zer16))
        pos = cnt + csum - 1
        plsc.store_scatter(csrc_v, [pos], s, mask=m)
        plsc.store_scatter(cdst_v, [pos], dv, mask=m)
        cnt = cnt + csum[15]

    for t in range(RCH // 16):
        csrc_v[pl.ds(cnt + t * 16, 16)] = zer16
        cdst_v[pl.ds(cnt + t * 16, 16)] = zer16

    cvec[...] = zer16 + cnt
    pltpu.sync_copy(cvec, cnt_hbm.at[wid])

    obase = wid * CAP
    ncg = (cnt + (RCH - 1)) // RCH

    def g_issue(c, ba, bb, semg):
        off = c * RCH
        pltpu.async_copy(xws_hbm.at[csrc_v.at[pl.ds(off, RCH)]], ba, semg)
        pltpu.async_copy(xwd_hbm.at[cdst_v.at[pl.ds(off, RCH)]], bb, semg)

    def g_wait(ba, bb, semg):
        pltpu.make_async_copy(xws_hbm.at[pl.ds(0, RCH)], ba, semg).wait()
        pltpu.make_async_copy(xws_hbm.at[pl.ds(0, RCH)], bb, semg).wait()

    def o_issue(c, ba, bb, semo):
        off = c * RCH
        pltpu.async_copy(ba, pres_hbm.at[pl.ds(obase + off, RCH)], semo)
        pltpu.async_copy(bb, pred_hbm.at[pl.ds(obase + off, RCH)], semo)
        pltpu.async_copy(
            cdst_v.at[pl.ds(off, RCH)],
            dstc_hbm.at[(obase + off) // BLK, 0, pl.ds((obase + off) % BLK, RCH)],
            semo,
        )

    def o_wait(ba, bb, semo):
        pltpu.make_async_copy(ba, pres_hbm.at[pl.ds(obase, RCH)], semo).wait()
        pltpu.make_async_copy(bb, pred_hbm.at[pl.ds(obase, RCH)], semo).wait()
        pltpu.make_async_copy(
            cdst_v.at[pl.ds(0, RCH)],
            dstc_hbm.at[obase // BLK, 0, pl.ds(0, RCH)],
            semo,
        ).wait()

    @pl.when(ncg > 0)
    def _():
        g_issue(jnp.int32(0), bufa, bufb, sema)

    @pl.when(ncg > 1)
    def _():
        g_issue(jnp.int32(1), bufa2, bufb2, semb)

    def pbody(p, carry):
        c0 = 2 * p
        g_wait(bufa, bufb, sema)
        o_issue(c0, bufa, bufb, semoa)

        @pl.when(c0 + 1 < ncg)
        def _():
            g_wait(bufa2, bufb2, semb)
            o_issue(c0 + 1, bufa2, bufb2, semob)

        @pl.when(c0 + 2 < ncg)
        def _():
            o_wait(bufa, bufb, semoa)
            g_issue(c0 + 2, bufa, bufb, sema)

        @pl.when(c0 + 3 < ncg)
        def _():
            o_wait(bufa2, bufb2, semob)
            g_issue(c0 + 3, bufa2, bufb2, semb)

        return carry

    lax.fori_loop(0, (ncg + 1) // 2, pbody, 0)

    last_even = lax.rem(ncg - 1, 2) == 0

    @pl.when((ncg >= 1) & last_even)
    def _():
        o_wait(bufa, bufb, semoa)

    @pl.when(ncg >= 2)
    def _():
        o_wait(bufa2, bufb2, semob)

        @pl.when(jnp.logical_not(last_even))
        def _():
            o_wait(bufa, bufb, semoa)


def _stage2(edge_index, xws, xwd):
    mesh = plsc.VectorSubcoreMesh(core_axis_name="c", subcore_axis_name="s")
    f = functools.partial(
        pl.kernel,
        mesh=mesh,
        out_type=[
            jax.ShapeDtypeStruct((NW * CAP, H1), jnp.float32),
            jax.ShapeDtypeStruct((NW * CAP, H1), jnp.float32),
            jax.ShapeDtypeStruct((MAXB, 1, BLK), jnp.int32),
            jax.ShapeDtypeStruct((NW, 16), jnp.int32),
        ],
        scratch_types=[
            pltpu.VMEM((EPW,), jnp.int32),
            pltpu.VMEM((EPW,), jnp.int32),
            pltpu.VMEM((CAP,), jnp.int32),
            pltpu.VMEM((CAP,), jnp.int32),
            pltpu.VMEM((RCH, H1), jnp.float32),
            pltpu.VMEM((RCH, H1), jnp.float32),
            pltpu.VMEM((RCH, H1), jnp.float32),
            pltpu.VMEM((RCH, H1), jnp.float32),
            pltpu.VMEM((16,), jnp.int32),
            pltpu.SemaphoreType.DMA,
            pltpu.SemaphoreType.DMA,
            pltpu.SemaphoreType.DMA,
            pltpu.SemaphoreType.DMA,
        ],
        compiler_params=pltpu.CompilerParams(needs_layout_passes=False),
    )(_sc_body)
    return f(edge_index, xws, xwd)



def _critic_body(cnt_s, pres_hbm, pred_hbm, dstc_hbm,
                 x_ref, act_ref,
                 wm2_ref, bm2_ref, wm3_ref, bm3_ref,
                 wa1_ref, ba1_ref, wa2_ref, ba2_ref,
                 wu1_ref, bu1_ref, wu2_ref, bu2_ref, wu3_ref, bu3_ref,
                 wact_ref, bact_ref, wh1_ref, bh1_ref, wh2_ref, bh2_ref,
                 wq_ref, bq_ref,
                 out_ref,
                 sbuf, dbuf, dstv, aggr, rows_s, drow_s, vlim_s, sem):
    aggr[...] = jnp.zeros_like(aggr)

    def touter(t, idx):
        cnt = cnt_s[t, 0]
        nb = (cnt + (BLK - 1)) // BLK

        def binner(b, idx2):
            rows_s[idx2] = t * CAP + b * BLK
            drow_s[idx2] = t * NBW + b
            vlim_s[idx2] = cnt - b * BLK
            return idx2 + 1

        return lax.fori_loop(0, nb, binner, idx)

    total = lax.fori_loop(0, NW, touter, jnp.int32(0))

    def issue(k):
        s = lax.rem(k, 2)
        row0 = pl.multiple_of(rows_s[k], BLK)
        dr = drow_s[k]
        pltpu.make_async_copy(pres_hbm.at[pl.ds(row0, BLK)], sbuf.at[s], sem.at[s, 0]).start()
        pltpu.make_async_copy(pred_hbm.at[pl.ds(row0, BLK)], dbuf.at[s], sem.at[s, 1]).start()
        pltpu.make_async_copy(dstc_hbm.at[dr], dstv.at[s], sem.at[s, 2]).start()

    def wait(k):
        s = lax.rem(k, 2)
        pltpu.make_async_copy(pres_hbm.at[pl.ds(0, BLK)], sbuf.at[s], sem.at[s, 0]).wait()
        pltpu.make_async_copy(pred_hbm.at[pl.ds(0, BLK)], dbuf.at[s], sem.at[s, 1]).wait()
        pltpu.make_async_copy(dstc_hbm.at[0], dstv.at[s], sem.at[s, 2]).wait()

    @pl.when(total > 0)
    def _():
        issue(jnp.int32(0))

    def kbody(k, carry):
        @pl.when(k + 1 < total)
        def _():
            issue(k + 1)

        wait(k)
        s = lax.rem(k, 2)
        vlim = vlim_s[k]
        rows = lax.broadcasted_iota(jnp.int32, (BLK, 1), 0)
        m1 = jnp.where(rows < vlim, _relu(sbuf[s] + dbuf[s]), 0.0)
        m2 = _relu(jnp.dot(m1, wm2_ref[...], preferred_element_type=jnp.float32)
                   + bm2_ref[...])
        m3 = (jnp.dot(m2, wm3_ref[...], preferred_element_type=jnp.float32)
              + bm3_ref[...])
        cols = lax.broadcasted_iota(jnp.int32, (1, BLK), 1)
        dsel = jnp.where(cols < vlim, dstv[s], N_AGENTS)
        oh = (lax.broadcasted_iota(jnp.int32, (N_AGENTS, BLK), 0) == dsel
              ).astype(jnp.float32)
        m3h = m3.astype(jnp.bfloat16).astype(jnp.float32)
        m3l = m3 - m3h
        aggr[...] = (aggr[...]
                     + jnp.dot(oh, m3h, preferred_element_type=jnp.float32)
                     + jnp.dot(oh, m3l, preferred_element_type=jnp.float32))
        return carry

    lax.fori_loop(0, total, kbody, 0)

    ag = aggr[...]
    a = _relu(jnp.dot(ag, wa1_ref[...], preferred_element_type=jnp.float32) + ba1_ref[...])
    a = _relu(jnp.dot(a, wa2_ref[...], preferred_element_type=jnp.float32) + ba2_ref[...])
    h = _relu(jnp.dot(x_ref[...], wu1_ref[:D, :], preferred_element_type=jnp.float32)
              + jnp.dot(a, wu1_ref[D:, :], preferred_element_type=jnp.float32)
              + bu1_ref[...])
    h = _relu(jnp.dot(h, wu2_ref[...], preferred_element_type=jnp.float32) + bu2_ref[...])
    h = jnp.dot(h, wu3_ref[...], preferred_element_type=jnp.float32) + bu3_ref[...]
    ap = _relu(jnp.dot(act_ref[...], wact_ref[...], preferred_element_type=jnp.float32)
               + bact_ref[...])
    z = _relu(jnp.dot(h, wh1_ref[:D, :], preferred_element_type=jnp.float32)
              + jnp.dot(ap, wh1_ref[D:, :], preferred_element_type=jnp.float32)
              + bh1_ref[...])
    z = _relu(jnp.dot(z, wh2_ref[...], preferred_element_type=jnp.float32) + bh2_ref[...])
    zb = z.astype(jnp.bfloat16).astype(jnp.float32)
    wqb = wq_ref[...].astype(jnp.bfloat16).astype(jnp.float32)
    q = jnp.sum(zb * wqb, axis=1, keepdims=True) + bq_ref[...]
    out_ref[...] = q


def _stage3(counts, pres, pred, dstc2, x, actions, weights):
    in_specs = [pl.BlockSpec(memory_space=pltpu.SMEM),
                pl.BlockSpec(memory_space=pl.ANY),
                pl.BlockSpec(memory_space=pl.ANY),
                pl.BlockSpec(memory_space=pl.ANY),
                pl.BlockSpec(memory_space=pltpu.VMEM)]
    in_specs += [pl.BlockSpec(memory_space=pltpu.VMEM)] * (1 + len(weights))
    return pl.pallas_call(
        _critic_body,
        out_shape=jax.ShapeDtypeStruct((N_AGENTS, 1), jnp.float32),
        in_specs=in_specs,
        out_specs=pl.BlockSpec(memory_space=pltpu.VMEM),
        scratch_shapes=[
            pltpu.VMEM((2, BLK, H1), jnp.float32),
            pltpu.VMEM((2, BLK, H1), jnp.float32),
            pltpu.VMEM((2, 1, BLK), jnp.int32),
            pltpu.VMEM((N_AGENTS, D), jnp.float32),
            pltpu.SMEM((MAXB,), jnp.int32),
            pltpu.SMEM((MAXB,), jnp.int32),
            pltpu.SMEM((MAXB,), jnp.int32),
            pltpu.SemaphoreType.DMA((2, 3)),
        ],
    )(counts, pres, pred, dstc2, x, actions, *weights)



def kernel(x, edge_index, actions,
           Wm1, bm1, Wm2, bm2, Wm3, bm3,
           Wa1, ba1, Wa2, ba2,
           Wu1, bu1, Wu2, bu2, Wu3, bu3,
           Wact, bact, Wh1, bh1, Wh2, bh2, Wq, bq):
    xws, xwd = _stage1(x, Wm1, bm1.reshape(1, -1))
    pres, pred, dstc2, counts = _stage2(edge_index.reshape(-1), xws, xwd)
    weights = (Wm2, bm2.reshape(1, -1), Wm3, bm3.reshape(1, -1),
               Wa1, ba1.reshape(1, -1), Wa2, ba2.reshape(1, -1),
               Wu1, bu1.reshape(1, -1), Wu2, bu2.reshape(1, -1),
               Wu3, bu3.reshape(1, -1),
               Wact, bact.reshape(1, -1),
               Wh1, bh1.reshape(1, -1), Wh2, bh2.reshape(1, -1),
               Wq.reshape(1, -1), bq.reshape(1, 1))
    out = _stage3(counts, pres, pred, dstc2, x[:N_AGENTS], actions, weights)
    return out.reshape(N_AGENTS)

# --- scband reference (transcript-rebuilt; emitter-appended) ---
"""Pipeline reference for scband-critic-with-gnn-90391881711792 (READ-ONLY COPY).

The authoritative reference and input builder live on the scoring server;
editing this copy changes nothing except your own understanding.
"""

import jax, jax.numpy as jnp
import numpy as np

N_NODES = 10000
N_EDGES = 320000
D_FEAT = 128
N_AGENTS = 1000
ACT_DIM = 8
MSG_DIM = 128
OUT_DIM = 128


def _w(key, shape, scale=0.05):
    return jax.random.normal(key, shape, dtype=jnp.float32) * scale


def setup_inputs(seed: int = 0) -> dict:
    key = jax.random.key(seed)
    ks = jax.random.split(key, 32)
    inp = {}
    inp["x"] = jax.random.normal(ks[0], (N_NODES, D_FEAT), dtype=jnp.float32)
    inp["edge_index"] = jax.random.randint(ks[1], (2, N_EDGES), 0, N_NODES, dtype=jnp.int32)
    inp["actions"] = jax.random.normal(ks[2], (N_AGENTS, ACT_DIM), dtype=jnp.float32)
    # GNN message MLP: (2*D_FEAT) -> 256 -> 256 -> MSG_DIM
    inp["Wm1"] = _w(ks[3], (2 * D_FEAT, 256)); inp["bm1"] = jnp.zeros((256,), jnp.float32)
    inp["Wm2"] = _w(ks[4], (256, 256));        inp["bm2"] = jnp.zeros((256,), jnp.float32)
    inp["Wm3"] = _w(ks[5], (256, MSG_DIM));    inp["bm3"] = jnp.zeros((MSG_DIM,), jnp.float32)
    # GNN aggregation MLP: MSG_DIM -> 128 -> 128
    inp["Wa1"] = _w(ks[6], (MSG_DIM, 128));    inp["ba1"] = jnp.zeros((128,), jnp.float32)
    inp["Wa2"] = _w(ks[7], (128, 128));        inp["ba2"] = jnp.zeros((128,), jnp.float32)
    # GNN update MLP: (D_FEAT + 128) -> 256 -> 256 -> OUT_DIM
    inp["Wu1"] = _w(ks[8], (D_FEAT + 128, 256)); inp["bu1"] = jnp.zeros((256,), jnp.float32)
    inp["Wu2"] = _w(ks[9], (256, 256));          inp["bu2"] = jnp.zeros((256,), jnp.float32)
    inp["Wu3"] = _w(ks[10], (256, OUT_DIM));     inp["bu3"] = jnp.zeros((OUT_DIM,), jnp.float32)
    # action path Dense: ACT_DIM -> 128
    inp["Wact"] = _w(ks[11], (ACT_DIM, 128));  inp["bact"] = jnp.zeros((128,), jnp.float32)
    # critic hidden Dense layers: 256 -> 256 -> 256
    inp["Wh1"] = _w(ks[12], (OUT_DIM + 128, 256)); inp["bh1"] = jnp.zeros((256,), jnp.float32)
    inp["Wh2"] = _w(ks[13], (256, 256));           inp["bh2"] = jnp.zeros((256,), jnp.float32)
    # final q head: 256 -> 1
    inp["Wq"] = _w(ks[14], (256, 1));          inp["bq"] = jnp.zeros((1,), jnp.float32)
    return inp


def reference(x, edge_index, actions,
              Wm1, bm1, Wm2, bm2, Wm3, bm3,
              Wa1, ba1, Wa2, ba2,
              Wu1, bu1, Wu2, bu2, Wu3, bu3,
              Wact, bact, Wh1, bh1, Wh2, bh2, Wq, bq):
    relu = jax.nn.relu
    src = edge_index[0]
    dst = edge_index[1]
    # --- GNN layer (n_layers=1): message -> aggregate -> update ---
    x_src = jnp.take(x, src, axis=0)
    x_dst = jnp.take(x, dst, axis=0)
    m = jnp.concatenate([x_src, x_dst], axis=-1)
    m = relu(m @ Wm1 + bm1)
    m = relu(m @ Wm2 + bm2)
    m = m @ Wm3 + bm3  # [E, MSG_DIM]
    aggr = jax.ops.segment_sum(m, dst, num_segments=N_NODES)  # [N, MSG_DIM]
    a = relu(aggr @ Wa1 + ba1)
    a = relu(a @ Wa2 + ba2)
    h = jnp.concatenate([x, a], axis=-1)
    h = relu(h @ Wu1 + bu1)
    h = relu(h @ Wu2 + bu2)
    h = h @ Wu3 + bu3  # [N, OUT_DIM]
    # extract agent-node features (node_type=0 -> first n_agents nodes)
    state_features = h[:N_AGENTS]
    # --- action path ---
    ap = relu(actions @ Wact + bact)
    # --- critic head ---
    z = jnp.concatenate([state_features, ap], axis=-1)
    z = relu(z @ Wh1 + bh1)
    z = relu(z @ Wh2 + bh2)
    q = z @ Wq + bq  # [n_agents, 1]
    return jnp.squeeze(q, axis=-1)

if __name__ == "__main__":
    import jax
    _d = setup_inputs()
    print(jax.jit(kernel)(*tuple(_d.values())))

</pallas_src>

<mosaic_0001>
#map = affine_map<(d0, d1) -> (0)>
#map1 = affine_map<(d0, d1) -> (0, 0)>
#map2 = affine_map<(d0, d1) -> (0, 0, 0)>
module attributes {stable_mosaic.version = 14 : i64} {
  func.func @_sc_body(%arg0: i32, %arg1: i32, %arg2: memref<640000xi32, #tpu.memory_space<hbm>>, %arg3: memref<10000x256xf32, #tpu.memory_space<hbm>>, %arg4: memref<1000x256xf32, #tpu.memory_space<hbm>>, %arg5: memref<327680x256xf32, #tpu.memory_space<hbm>>, %arg6: memref<327680x256xf32, #tpu.memory_space<hbm>>, %arg7: memref<640x1x512xi32, #tpu.memory_space<hbm>>, %arg8: memref<32x16xi32, #tpu.memory_space<hbm>>, %arg9: memref<10000xi32, #tpu.memory_space<vmem>>, %arg10: memref<10000xi32, #tpu.memory_space<vmem>>, %arg11: memref<10240xi32, #tpu.memory_space<vmem>>, %arg12: memref<10240xi32, #tpu.memory_space<vmem>>, %arg13: memref<64x256xf32, #tpu.memory_space<vmem>>, %arg14: memref<64x256xf32, #tpu.memory_space<vmem>>, %arg15: memref<64x256xf32, #tpu.memory_space<vmem>>, %arg16: memref<64x256xf32, #tpu.memory_space<vmem>>, %arg17: memref<16xi32, #tpu.memory_space<vmem>>, %arg18: memref<!tpu.dma_semaphore, #tpu.memory_space<semaphore_mem>>, %arg19: memref<!tpu.dma_semaphore, #tpu.memory_space<semaphore_mem>>, %arg20: memref<!tpu.dma_semaphore, #tpu.memory_space<semaphore_mem>>, %arg21: memref<!tpu.dma_semaphore, #tpu.memory_space<semaphore_mem>>) attributes {dimension_semantics = [#tpu.dimension_semantics<core_parallel>, #tpu.dimension_semantics<subcore_parallel>], iteration_bounds = array<i64: 2, 16>, scalar_prefetch = 0 : i64, scratch_operands = 13 : i64, tpu.core_type = #tpu.core_type<sc_vector_subcore>, window_params = [{transform_indices = #map}, {transform_indices = #map1}, {transform_indices = #map1}, {transform_indices = #map1}, {transform_indices = #map1}, {transform_indices = #map2}, {transform_indices = #map1}]} {
    %mul3A = arith.constant 2 : i32
    %mul3A_0 = arith.muli %arg1, %mul3A : i32
    %add3A = arith.addi %mul3A_0, %arg0 : i32
    %mul3A_1 = arith.constant 10000 : i32
    %mul3A_2 = arith.muli %add3A, %mul3A_1 : i32
    "tpu.region"() ({
      %run_scoped3A = tpu.sem_alloc : memref<!tpu.dma_semaphore, #tpu.memory_space<semaphore_mem>>
      %dma_start3A = tpu.memref_slice %arg2[%mul3A_2] : memref<640000xi32, #tpu.memory_space<hbm>> -> memref<10000xi32, #tpu.memory_space<hbm>>
      %dma_start3A_140 = tpu.memref_slice %arg2[%mul3A_2] : memref<640000xi32, #tpu.memory_space<hbm>> -> memref<10000xi32, #tpu.memory_space<hbm>>
      tpu.enqueue_dma source(%dma_start3A_140 : memref<10000xi32, #tpu.memory_space<hbm>>) target(%arg9 : memref<10000xi32, #tpu.memory_space<vmem>>) target_semaphore(%run_scoped3A : memref<!tpu.dma_semaphore, #tpu.memory_space<semaphore_mem>>)
      %dma_wait3A = tpu.memref_slice %arg2[%mul3A_2] : memref<640000xi32, #tpu.memory_space<hbm>> -> memref<10000xi32, #tpu.memory_space<hbm>>
      %dma_wait3A_141 = tpu.memref_slice %arg2[%mul3A_2] : memref<640000xi32, #tpu.memory_space<hbm>> -> memref<10000xi32, #tpu.memory_space<hbm>>
      tpu.wait_dma2 semaphore(%run_scoped3A : memref<!tpu.dma_semaphore, #tpu.memory_space<semaphore_mem>>) src(%dma_wait3A_141 : memref<10000xi32, #tpu.memory_space<hbm>>) dst(%arg9 : memref<10000xi32, #tpu.memory_space<vmem>>)
      tpu.yield
    }) : () -> ()
    %add3A_3 = arith.constant 320000 : i32
    %add3A_4 = arith.addi %add3A_3, %mul3A_2 : i32
    "tpu.region"() ({
      %run_scoped3A = tpu.sem_alloc : memref<!tpu.dma_semaphore, #tpu.memory_space<semaphore_mem>>
      %dma_start3A = tpu.memref_slice %arg2[%add3A_4] : memref<640000xi32, #tpu.memory_space<hbm>> -> memref<10000xi32, #tpu.memory_space<hbm>>
      %dma_start3A_140 = tpu.memref_slice %arg2[%add3A_4] : memref<640000xi32, #tpu.memory_space<hbm>> -> memref<10000xi32, #tpu.memory_space<hbm>>
      tpu.enqueue_dma source(%dma_start3A_140 : memref<10000xi32, #tpu.memory_space<hbm>>) target(%arg10 : memref<10000xi32, #tpu.memory_space<vmem>>) target_semaphore(%run_scoped3A : memref<!tpu.dma_semaphore, #tpu.memory_space<semaphore_mem>>)
      %dma_wait3A = tpu.memref_slice %arg2[%add3A_4] : memref<640000xi32, #tpu.memory_space<hbm>> -> memref<10000xi32, #tpu.memory_space<hbm>>
      %dma_wait3A_141 = tpu.memref_slice %arg2[%add3A_4] : memref<640000xi32, #tpu.memory_space<hbm>> -> memref<10000xi32, #tpu.memory_space<hbm>>
      tpu.wait_dma2 semaphore(%run_scoped3A : memref<!tpu.dma_semaphore, #tpu.memory_space<semaphore_mem>>) src(%dma_wait3A_141 : memref<10000xi32, #tpu.memory_space<hbm>>) dst(%arg10 : memref<10000xi32, #tpu.memory_space<vmem>>)
      tpu.yield
    }) : () -> ()
    %broadcast_in_dim3A = arith.constant 1 : i32
    %broadcast_in_dim3A_5 = vector.broadcast %broadcast_in_dim3A : i32 to vector<16xi32>
    %broadcast_in_dim3A_6 = arith.constant 0 : i32
    %broadcast_in_dim3A_7 = vector.broadcast %broadcast_in_dim3A_6 : i32 to vector<16xi32>
    %scan3A = arith.constant 0 : i32
    %scan3A_8 = arith.constant 0 : i32
    %scan3A_9 = arith.constant 156 : i32
    %scan3A_10 = arith.addi %scan3A_8, %scan3A_9 : i32
    %scan3A_11 = arith.constant 1 : i32
    %scan3A_12 = scf.for %scan3A_140 = %scan3A_8 to %scan3A_10 step %scan3A_11 iter_args(%scan3A_141 = %scan3A) -> (i32)  : i32 {
      %mul3A_142 = arith.constant 64 : i32
      %mul3A_143 = arith.muli %scan3A_140, %mul3A_142 : i32
      %add3A_144 = arith.constant 0 : i32
      %add3A_145 = arith.addi %mul3A_143, %add3A_144 : i32
      %get3A_146 = arith.index_cast %add3A_145 : i32 to index
      %get3A_147 = tpu.vector_load %arg9[%get3A_146] {strides = array<i32>} : memref<10000xi32, #tpu.memory_space<vmem>>, vector<16xi32>,
      %add3A_148 = arith.constant 0 : i32
      %add3A_149 = arith.addi %mul3A_143, %add3A_148 : i32
      %get3A_150 = arith.index_cast %add3A_149 : i32 to index
      %get3A_151 = tpu.vector_load %arg10[%get3A_150] {strides = array<i32>} : memref<10000xi32, #tpu.memory_space<vmem>>, vector<16xi32>,
      %lt3A_152 = arith.constant 1000 : i32
      %lt3A_153 = vector.broadcast %lt3A_152 : i32 to vector<16xi32>
      %lt3A_154 = arith.cmpi slt, %get3A_151, %lt3A_153 : vector<16xi32>
      %select_n3A_155 = arith.select %lt3A_154, %broadcast_in_dim3A_5, %broadcast_in_dim3A_7 : vector<16xi1>, vector<16xi32>
      %broadcast_in_dim3A_156 = arith.constant true
      %broadcast_in_dim3A_157 = vector.broadcast %broadcast_in_dim3A_156 : i1 to vector<16xi1>
      %masked_cumsum3A_158 = tpu.scan <sum>, %select_n3A_155 masked %broadcast_in_dim3A_157 : vector<16xi32>, vector<16xi1> -> vector<16xi32>
      %add3A_159 = vector.broadcast %scan3A_141 : i32 to vector<16xi32>
      %add3A_160 = arith.addi %add3A_159, %masked_cumsum3A_158 : vector<16xi32>
      %sub3A_161 = arith.constant 1 : i32
      %sub3A_162 = vector.broadcast %sub3A_161 : i32 to vector<16xi32>
      %sub3A_163 = arith.subi %add3A_160, %sub3A_162 : vector<16xi32>
      tpu.vector_store_idx %arg11[%sub3A_163], %get3A_147 masked %lt3A_154 : memref<10240xi32, #tpu.memory_space<vmem>>[vector<16xi32>], vector<16xi32>, vector<16xi1>
      tpu.vector_store_idx %arg12[%sub3A_163], %get3A_151 masked %lt3A_154 : memref<10240xi32, #tpu.memory_space<vmem>>[vector<16xi32>], vector<16xi32>, vector<16xi1>
      %slice3A_164 = vector.extract_strided_slice %masked_cumsum3A_158 {offsets = [15], sizes = [1], strides = [1]} : vector<16xi32> to vector<1xi32>
      %squeeze3A_165 = vector.extract %slice3A_164[0] : i32 from vector<1xi32>
      %add3A_166 = arith.addi %scan3A_141, %squeeze3A_165 : i32
      %add3A_167 = arith.constant 16 : i32
      %add3A_168 = arith.addi %mul3A_143, %add3A_167 : i32
      %get3A_169 = arith.index_cast %add3A_168 : i32 to index
      %get3A_170 = tpu.vector_load %arg9[%get3A_169] {strides = array<i32>} : memref<10000xi32, #tpu.memory_space<vmem>>, vector<16xi32>,
      %add3A_171 = arith.constant 16 : i32
      %add3A_172 = arith.addi %mul3A_143, %add3A_171 : i32
      %get3A_173 = arith.index_cast %add3A_172 : i32 to index
      %get3A_174 = tpu.vector_load %arg10[%get3A_173] {strides = array<i32>} : memref<10000xi32, #tpu.memory_space<vmem>>, vector<16xi32>,
      %lt3A_175 = arith.constant 1000 : i32
      %lt3A_176 = vector.broadcast %lt3A_175 : i32 to vector<16xi32>
      %lt3A_177 = arith.cmpi slt, %get3A_174, %lt3A_176 : vector<16xi32>
      %select_n3A_178 = arith.select %lt3A_177, %broadcast_in_dim3A_5, %broadcast_in_dim3A_7 : vector<16xi1>, vector<16xi32>
      %broadcast_in_dim3A_179 = arith.constant true
      %broadcast_in_dim3A_180 = vector.broadcast %broadcast_in_dim3A_179 : i1 to vector<16xi1>
      %masked_cumsum3A_181 = tpu.scan <sum>, %select_n3A_178 masked %broadcast_in_dim3A_180 : vector<16xi32>, vector<16xi1> -> vector<16xi32>
      %add3A_182 = vector.broadcast %add3A_166 : i32 to vector<16xi32>
      %add3A_183 = arith.addi %add3A_182, %masked_cumsum3A_181 : vector<16xi32>
      %sub3A_184 = arith.constant 1 : i32
      %sub3A_185 = vector.broadcast %sub3A_184 : i32 to vector<16xi32>
      %sub3A_186 = arith.subi %add3A_183, %sub3A_185 : vector<16xi32>
      tpu.vector_store_idx %arg11[%sub3A_186], %get3A_170 masked %lt3A_177 : memref<10240xi32, #tpu.memory_space<vmem>>[vector<16xi32>], vector<16xi32>, vector<16xi1>
      tpu.vector_store_idx %arg12[%sub3A_186], %get3A_174 masked %lt3A_177 : memref<10240xi32, #tpu.memory_space<vmem>>[vector<16xi32>], vector<16xi32>, vector<16xi1>
      %slice3A_187 = vector.extract_strided_slice %masked_cumsum3A_181 {offsets = [15], sizes = [1], strides = [1]} : vector<16xi32> to vector<1xi32>
      %squeeze3A_188 = vector.extract %slice3A_187[0] : i32 from vector<1xi32>
      %add3A_189 = arith.addi %add3A_166, %squeeze3A_188 : i32
      %add3A_190 = arith.constant 32 : i32
      %add3A_191 = arith.addi %mul3A_143, %add3A_190 : i32
      %get3A_192 = arith.index_cast %add3A_191 : i32 to index
      %get3A_193 = tpu.vector_load %arg9[%get3A_192] {strides = array<i32>} : memref<10000xi32, #tpu.memory_space<vmem>>, vector<16xi32>,
      %add3A_194 = arith.constant 32 : i32
      %add3A_195 = arith.addi %mul3A_143, %add3A_194 : i32
      %get3A_196 = arith.index_cast %add3A_195 : i32 to index
      %get3A_197 = tpu.vector_load %arg10[%get3A_196] {strides = array<i32>} : memref<10000xi32, #tpu.memory_space<vmem>>, vector<16xi32>,
      %lt3A_198 = arith.constant 1000 : i32
      %lt3A_199 = vector.broadcast %lt3A_198 : i32 to vector<16xi32>
      %lt3A_200 = arith.cmpi slt, %get3A_197, %lt3A_199 : vector<16xi32>
      %select_n3A_201 = arith.select %lt3A_200, %broadcast_in_dim3A_5, %broadcast_in_dim3A_7 : vector<16xi1>, vector<16xi32>
      %broadcast_in_dim3A_202 = arith.constant true
      %broadcast_in_dim3A_203 = vector.broadcast %broadcast_in_dim3A_202 : i1 to vector<16xi1>
      %masked_cumsum3A_204 = tpu.scan <sum>, %select_n3A_201 masked %broadcast_in_dim3A_203 : vector<16xi32>, vector<16xi1> -> vector<16xi32>
      %add3A_205 = vector.broadcast %add3A_189 : i32 to vector<16xi32>
      %add3A_206 = arith.addi %add3A_205, %masked_cumsum3A_204 : vector<16xi32>
      %sub3A_207 = arith.constant 1 : i32
      %sub3A_208 = vector.broadcast %sub3A_207 : i32 to vector<16xi32>
      %sub3A_209 = arith.subi %add3A_206, %sub3A_208 : vector<16xi32>
      tpu.vector_store_idx %arg11[%sub3A_209], %get3A_193 masked %lt3A_200 : memref<10240xi32, #tpu.memory_space<vmem>>[vector<16xi32>], vector<16xi32>, vector<16xi1>
      tpu.vector_store_idx %arg12[%sub3A_209], %get3A_197 masked %lt3A_200 : memref<10240xi32, #tpu.memory_space<vmem>>[vector<16xi32>], vector<16xi32>, vector<16xi1>
      %slice3A_210 = vector.extract_strided_slice %masked_cumsum3A_204 {offsets = [15], sizes = [1], strides = [1]} : vector<16xi32> to vector<1xi32>
      %squeeze3A_211 = vector.extract %slice3A_210[0] : i32 from vector<1xi32>
      %add3A_212 = arith.addi %add3A_189, %squeeze3A_211 : i32
      %add3A_213 = arith.constant 48 : i32
      %add3A_214 = arith.addi %mul3A_143, %add3A_213 : i32
      %get3A_215 = arith.index_cast %add3A_214 : i32 to index
      %get3A_216 = tpu.vector_load %arg9[%get3A_215] {strides = array<i32>} : memref<10000xi32, #tpu.memory_space<vmem>>, vector<16xi32>,
      %add3A_217 = arith.constant 48 : i32
      %add3A_218 = arith.addi %mul3A_143, %add3A_217 : i32
      %get3A_219 = arith.index_cast %add3A_218 : i32 to index
      %get3A_220 = tpu.vector_load %arg10[%get3A_219] {strides = array<i32>} : memref<10000xi32, #tpu.memory_space<vmem>>, vector<16xi32>,
      %lt3A_221 = arith.constant 1000 : i32
      %lt3A_222 = vector.broadcast %lt3A_221 : i32 to vector<16xi32>
      %lt3A_223 = arith.cmpi slt, %get3A_220, %lt3A_222 : vector<16xi32>
      %select_n3A_224 = arith.select %lt3A_223, %broadcast_in_dim3A_5, %broadcast_in_dim3A_7 : vector<16xi1>, vector<16xi32>
      %broadcast_in_dim3A_225 = arith.constant true
      %broadcast_in_dim3A_226 = vector.broadcast %broadcast_in_dim3A_225 : i1 to vector<16xi1>
      %masked_cumsum3A_227 = tpu.scan <sum>, %select_n3A_224 masked %broadcast_in_dim3A_226 : vector<16xi32>, vector<16xi1> -> vector<16xi32>
      %add3A_228 = vector.broadcast %add3A_212 : i32 to vector<16xi32>
      %add3A_229 = arith.addi %add3A_228, %masked_cumsum3A_227 : vector<16xi32>
      %sub3A_230 = arith.constant 1 : i32
      %sub3A_231 = vector.broadcast %sub3A_230 : i32 to vector<16xi32>
      %sub3A_232 = arith.subi %add3A_229, %sub3A_231 : vector<16xi32>
      tpu.vector_store_idx %arg11[%sub3A_232], %get3A_216 masked %lt3A_223 : memref<10240xi32, #tpu.memory_space<vmem>>[vector<16xi32>], vector<16xi32>, vector<16xi1>
      tpu.vector_store_idx %arg12[%sub3A_232], %get3A_220 masked %lt3A_223 : memref<10240xi32, #tpu.memory_space<vmem>>[vector<16xi32>], vector<16xi32>, vector<16xi1>
      %slice3A_233 = vector.extract_strided_slice %masked_cumsum3A_227 {offsets = [15], sizes = [1], strides = [1]} : vector<16xi32> to vector<1xi32>
      %squeeze3A_234 = vector.extract %slice3A_233[0] : i32 from vector<1xi32>
      %add3A_235 = arith.addi %add3A_212, %squeeze3A_234 : i32
      scf.yield %add3A_235 : i32
    }
    %scan3A_13 = arith.constant 156 : i32
    %get3A = arith.constant 9984 : index
    %get3A_14 = tpu.vector_load %arg9[%get3A] {strides = array<i32>} : memref<10000xi32, #tpu.memory_space<vmem>>, vector<16xi32>,
    %get3A_15 = arith.constant 9984 : index
    %get3A_16 = tpu.vector_load %arg10[%get3A_15] {strides = array<i32>} : memref<10000xi32, #tpu.memory_space<vmem>>, vector<16xi32>,
    %lt3A = arith.constant 1000 : i32
    %lt3A_17 = vector.broadcast %lt3A : i32 to vector<16xi32>
    %lt3A_18 = arith.cmpi slt, %get3A_16, %lt3A_17 : vector<16xi32>
    %select_n3A = arith.select %lt3A_18, %broadcast_in_dim3A_5, %broadcast_in_dim3A_7 : vector<16xi1>, vector<16xi32>
    %broadcast_in_dim3A_19 = arith.constant true
    %broadcast_in_dim3A_20 = vector.broadcast %broadcast_in_dim3A_19 : i1 to vector<16xi1>
    %masked_cumsum3A = tpu.scan <sum>, %select_n3A masked %broadcast_in_dim3A_20 : vector<16xi32>, vector<16xi1> -> vector<16xi32>
    %add3A_21 = vector.broadcast %scan3A_12 : i32 to vector<16xi32>
    %add3A_22 = arith.addi %add3A_21, %masked_cumsum3A : vector<16xi32>
    %sub3A = arith.constant 1 : i32
    %sub3A_23 = vector.broadcast %sub3A : i32 to vector<16xi32>
    %sub3A_24 = arith.subi %add3A_22, %sub3A_23 : vector<16xi32>
    tpu.vector_store_idx %arg11[%sub3A_24], %get3A_14 masked %lt3A_18 : memref<10240xi32, #tpu.memory_space<vmem>>[vector<16xi32>], vector<16xi32>, vector<16xi1>
    tpu.vector_store_idx %arg12[%sub3A_24], %get3A_16 masked %lt3A_18 : memref<10240xi32, #tpu.memory_space<vmem>>[vector<16xi32>], vector<16xi32>, vector<16xi1>
    %slice3A = vector.extract_strided_slice %masked_cumsum3A {offsets = [15], sizes = [1], strides = [1]} : vector<16xi32> to vector<1xi32>
    %squeeze3A = vector.extract %slice3A[0] : i32 from vector<1xi32>
    %add3A_25 = arith.addi %scan3A_12, %squeeze3A : i32
    %add3A_26 = arith.constant 0 : i32
    %add3A_27 = arith.addi %add3A_25, %add3A_26 : i32
    %swap3A = arith.index_cast %add3A_27 : i32 to index
    %swap3A_28 = tpu.vector_load %arg11[%swap3A] {strides = array<i32>} : memref<10240xi32, #tpu.memory_space<vmem>>, vector<16xi32>,
    tpu.vector_store %arg11[%swap3A], %broadcast_in_dim3A_7 {strides = array<i32>} : memref<10240xi32, #tpu.memory_space<vmem>>, vector<16xi32>,
    %add3A_29 = arith.constant 0 : i32
    %add3A_30 = arith.addi %add3A_25, %add3A_29 : i32
    %swap3A_31 = arith.index_cast %add3A_30 : i32 to index
    %swap3A_32 = tpu.vector_load %arg12[%swap3A_31] {strides = array<i32>} : memref<10240xi32, #tpu.memory_space<vmem>>, vector<16xi32>,
    tpu.vector_store %arg12[%swap3A_31], %broadcast_in_dim3A_7 {strides = array<i32>} : memref<10240xi32, #tpu.memory_space<vmem>>, vector<16xi32>,
    %add3A_33 = arith.constant 16 : i32
    %add3A_34 = arith.addi %add3A_25, %add3A_33 : i32
    %swap3A_35 = arith.index_cast %add3A_34 : i32 to index
    %swap3A_36 = tpu.vector_load %arg11[%swap3A_35] {strides = array<i32>} : memref<10240xi32, #tpu.memory_space<vmem>>, vector<16xi32>,
    tpu.vector_store %arg11[%swap3A_35], %broadcast_in_dim3A_7 {strides = array<i32>} : memref<10240xi32, #tpu.memory_space<vmem>>, vector<16xi32>,
    %add3A_37 = arith.constant 16 : i32
    %add3A_38 = arith.addi %add3A_25, %add3A_37 : i32
    %swap3A_39 = arith.index_cast %add3A_38 : i32 to index
    %swap3A_40 = tpu.vector_load %arg12[%swap3A_39] {strides = array<i32>} : memref<10240xi32, #tpu.memory_space<vmem>>, vector<16xi32>,
    tpu.vector_store %arg12[%swap3A_39], %broadcast_in_dim3A_7 {strides = array<i32>} : memref<10240xi32, #tpu.memory_space<vmem>>, vector<16xi32>,
    %add3A_41 = arith.constant 32 : i32
    %add3A_42 = arith.addi %add3A_25, %add3A_41 : i32
    %swap3A_43 = arith.index_cast %add3A_42 : i32 to index
    %swap3A_44 = tpu.vector_load %arg11[%swap3A_43] {strides = array<i32>} : memref<10240xi32, #tpu.memory_space<vmem>>, vector<16xi32>,
    tpu.vector_store %arg11[%swap3A_43], %broadcast_in_dim3A_7 {strides = array<i32>} : memref<10240xi32, #tpu.memory_space<vmem>>, vector<16xi32>,
    %add3A_45 = arith.constant 32 : i32
    %add3A_46 = arith.addi %add3A_25, %add3A_45 : i32
    %swap3A_47 = arith.index_cast %add3A_46 : i32 to index
    %swap3A_48 = tpu.vector_load %arg12[%swap3A_47] {strides = array<i32>} : memref<10240xi32, #tpu.memory_space<vmem>>, vector<16xi32>,
    tpu.vector_store %arg12[%swap3A_47], %broadcast_in_dim3A_7 {strides = array<i32>} : memref<10240xi32, #tpu.memory_space<vmem>>, vector<16xi32>,
    %add3A_49 = arith.constant 48 : i32
    %add3A_50 = arith.addi %add3A_25, %add3A_49 : i32
    %swap3A_51 = arith.index_cast %add3A_50 : i32 to index
    %swap3A_52 = tpu.vector_load %arg11[%swap3A_51] {strides = array<i32>} : memref<10240xi32, #tpu.memory_space<vmem>>, vector<16xi32>,
    tpu.vector_store %arg11[%swap3A_51], %broadcast_in_dim3A_7 {strides = array<i32>} : memref<10240xi32, #tpu.memory_space<vmem>>, vector<16xi32>,
    %add3A_53 = arith.constant 48 : i32
    %add3A_54 = arith.addi %add3A_25, %add3A_53 : i32
    %swap3A_55 = arith.index_cast %add3A_54 : i32 to index
    %swap3A_56 = tpu.vector_load %arg12[%swap3A_55] {strides = array<i32>} : memref<10240xi32, #tpu.memory_space<vmem>>, vector<16xi32>,
    tpu.vector_store %arg12[%swap3A_55], %broadcast_in_dim3A_7 {strides = array<i32>} : memref<10240xi32, #tpu.memory_space<vmem>>, vector<16xi32>,
    %add3A_57 = vector.broadcast %add3A_25 : i32 to vector<16xi32>
    %add3A_58 = arith.addi %broadcast_in_dim3A_7, %add3A_57 : vector<16xi32>
    %swap3A_59 = arith.constant 0 : index
    %swap3A_60 = tpu.vector_load %arg17[%swap3A_59] {strides = array<i32>} : memref<16xi32, #tpu.memory_space<vmem>>, vector<16xi32>,
    tpu.vector_store %arg17[%swap3A_59], %add3A_58 {strides = array<i32>} : memref<16xi32, #tpu.memory_space<vmem>>, vector<16xi32>,
    "tpu.region"() ({
      %run_scoped3A = tpu.sem_alloc : memref<!tpu.dma_semaphore, #tpu.memory_space<semaphore_mem>>
      %dma_start3A = arith.constant 0 : i32
      %dma_start3A_140 = tpu.memref_slice %arg8[%add3A, %dma_start3A] : memref<32x16xi32, #tpu.memory_space<hbm>> -> memref<1x16xi32, #tpu.memory_space<hbm>>
      %dma_start3A_141 = tpu.memref_squeeze %dma_start3A_140 : memref<1x16xi32, #tpu.memory_space<hbm>> -> memref<16xi32, #tpu.memory_space<hbm>>
      %dma_start3A_142 = arith.constant 0 : i32
      %dma_start3A_143 = tpu.memref_slice %arg8[%add3A, %dma_start3A_142] : memref<32x16xi32, #tpu.memory_space<hbm>> -> memref<1x16xi32, #tpu.memory_space<hbm>>
      %dma_start3A_144 = tpu.memref_squeeze %dma_start3A_143 : memref<1x16xi32, #tpu.memory_space<hbm>> -> memref<16xi32, #tpu.memory_space<hbm>>
      tpu.enqueue_dma source(%arg17 : memref<16xi32, #tpu.memory_space<vmem>>) target(%dma_start3A_144 : memref<16xi32, #tpu.memory_space<hbm>>) target_semaphore(%run_scoped3A : memref<!tpu.dma_semaphore, #tpu.memory_space<semaphore_mem>>)
      %dma_wait3A = arith.constant 0 : i32
      %dma_wait3A_145 = tpu.memref_slice %arg8[%add3A, %dma_wait3A] : memref<32x16xi32, #tpu.memory_space<hbm>> -> memref<1x16xi32, #tpu.memory_space<hbm>>
      %dma_wait3A_146 = tpu.memref_squeeze %dma_wait3A_145 : memref<1x16xi32, #tpu.memory_space<hbm>> -> memref<16xi32, #tpu.memory_space<hbm>>
      %dma_wait3A_147 = arith.constant 0 : i32
      %dma_wait3A_148 = tpu.memref_slice %arg8[%add3A, %dma_wait3A_147] : memref<32x16xi32, #tpu.memory_space<hbm>> -> memref<1x16xi32, #tpu.memory_space<hbm>>
      %dma_wait3A_149 = tpu.memref_squeeze %dma_wait3A_148 : memref<1x16xi32, #tpu.memory_space<hbm>> -> memref<16xi32, #tpu.memory_space<hbm>>
      tpu.wait_dma2 semaphore(%run_scoped3A : memref<!tpu.dma_semaphore, #tpu.memory_space<semaphore_mem>>) src(%arg17 : memref<16xi32, #tpu.memory_space<vmem>>) dst(%dma_wait3A_149 : memref<16xi32, #tpu.memory_space<hbm>>)
      tpu.yield
    }) : () -> ()
    %mul3A_61 = arith.constant 10240 : i32
    %mul3A_62 = arith.muli %add3A, %mul3A_61 : i32
    %add3A_63 = arith.constant 63 : i32
    %add3A_64 = arith.addi %add3A_25, %add3A_63 : i32
    %jit3A = arith.constant 64 : i32
    %div3A = arith.divsi %add3A_64, %jit3A : i32
    %sign3A = arith.constant 0 : i32
    %sign3A_65 = arith.cmpi sgt, %add3A_64, %sign3A : i32
    %sign3A_66 = arith.extui %sign3A_65 : i1 to i32
    %sign3A_67 = arith.constant 0 : i32
    %sign3A_68 = arith.cmpi slt, %add3A_64, %sign3A_67 : i32
    %sign3A_69 = arith.extui %sign3A_68 : i1 to i32
    %sign3A_70 = arith.subi %sign3A_66, %sign3A_69 : i32
    %sign3A_71 = arith.constant 0 : i32
    %sign3A_72 = arith.cmpi sgt, %jit3A, %sign3A_71 : i32
    %sign3A_73 = arith.extui %sign3A_72 : i1 to i32
    %sign3A_74 = arith.constant 0 : i32
    %sign3A_75 = arith.cmpi slt, %jit3A, %sign3A_74 : i32
    %sign3A_76 = arith.extui %sign3A_75 : i1 to i32
    %sign3A_77 = arith.subi %sign3A_73, %sign3A_76 : i32
    %ne3A = arith.cmpi ne, %sign3A_70, %sign3A_77 : i32
    %rem3A = arith.remsi %add3A_64, %jit3A : i32
    %ne3A_78 = arith.constant 0 : i32
    %ne3A_79 = arith.cmpi ne, %rem3A, %ne3A_78 : i32
    %and3A = arith.andi %ne3A, %ne3A_79 : i1
    %sub3A_80 = arith.constant 1 : i32
    %sub3A_81 = arith.subi %div3A, %sub3A_80 : i32
    %select_n3A_82 = arith.select %and3A, %sub3A_81, %div3A : i32
    %gt3A = arith.constant 0 : i32
    %gt3A_83 = arith.cmpi sgt, %select_n3A_82, %gt3A : i32
    %convert_element_type3A = arith.extui %gt3A_83 : i1 to i32
    %cond3A = arith.constant 0 : i32
    %cond3A_84 = arith.cmpi ne, %convert_element_type3A, %cond3A : i32
    scf.if %cond3A_84 {
      %mul3A_140 = arith.constant 0 : i32
      %mul3A_141 = arith.constant 64 : i32
      %mul3A_142 = arith.muli %mul3A_140, %mul3A_141 : i32
      %dma_start3A = tpu.memref_slice %arg11[%mul3A_142] : memref<10240xi32, #tpu.memory_space<vmem>> -> memref<64xi32, #tpu.memory_space<vmem>>
      %dma_start3A_143 = arith.constant 0 : i32
      %dma_start3A_144 = arith.constant 0 : i32
      %dma_start3A_145 = tpu.memref_slice %arg3[%dma_start3A_143, %dma_start3A_144] : memref<10000x256xf32, #tpu.memory_space<hbm>> -> memref<10000x256xf32, #tpu.memory_space<hbm>>
      tpu.enqueue_indirect_dma source(%dma_start3A_145 : memref<10000x256xf32, #tpu.memory_space<hbm>>) target(%arg13 : memref<64x256xf32, #tpu.memory_space<vmem>>) offsets(%dma_start3A : memref<64xi32, #tpu.memory_space<vmem>>) semaphore(%arg18 : memref<!tpu.dma_semaphore, #tpu.memory_space<semaphore_mem>>)
      %dma_start3A_146 = tpu.memref_slice %arg12[%mul3A_142] : memref<10240xi32, #tpu.memory_space<vmem>> -> memref<64xi32, #tpu.memory_space<vmem>>
      %dma_start3A_147 = arith.constant 0 : i32
      %dma_start3A_148 = arith.constant 0 : i32
      %dma_start3A_149 = tpu.memref_slice %arg4[%dma_start3A_147, %dma_start3A_148] : memref<1000x256xf32, #tpu.memory_space<hbm>> -> memref<1000x256xf32, #tpu.memory_space<hbm>>
      tpu.enqueue_indirect_dma source(%dma_start3A_149 : memref<1000x256xf32, #tpu.memory_space<hbm>>) target(%arg14 : memref<64x256xf32, #tpu.memory_space<vmem>>) offsets(%dma_start3A_146 : memref<64xi32, #tpu.memory_space<vmem>>) semaphore(%arg18 : memref<!tpu.dma_semaphore, #tpu.memory_space<semaphore_mem>>)
    } else {
    }
    %gt3A_85 = arith.constant 1 : i32
    %gt3A_86 = arith.cmpi sgt, %select_n3A_82, %gt3A_85 : i32
    %convert_element_type3A_87 = arith.extui %gt3A_86 : i1 to i32
    %cond3A_88 = arith.constant 0 : i32
    %cond3A_89 = arith.cmpi ne, %convert_element_type3A_87, %cond3A_88 : i32
    scf.if %cond3A_89 {
      %mul3A_140 = arith.constant 1 : i32
      %mul3A_141 = arith.constant 64 : i32
      %mul3A_142 = arith.muli %mul3A_140, %mul3A_141 : i32
      %dma_start3A = tpu.memref_slice %arg11[%mul3A_142] : memref<10240xi32, #tpu.memory_space<vmem>> -> memref<64xi32, #tpu.memory_space<vmem>>
      %dma_start3A_143 = arith.constant 0 : i32
      %dma_start3A_144 = arith.constant 0 : i32
      %dma_start3A_145 = tpu.memref_slice %arg3[%dma_start3A_143, %dma_start3A_144] : memref<10000x256xf32, #tpu.memory_space<hbm>> -> memref<10000x256xf32, #tpu.memory_space<hbm>>
      tpu.enqueue_indirect_dma source(%dma_start3A_145 : memref<10000x256xf32, #tpu.memory_space<hbm>>) target(%arg15 : memref<64x256xf32, #tpu.memory_space<vmem>>) offsets(%dma_start3A : memref<64xi32, #tpu.memory_space<vmem>>) semaphore(%arg19 : memref<!tpu.dma_semaphore, #tpu.memory_space<semaphore_mem>>)
      %dma_start3A_146 = tpu.memref_slice %arg12[%mul3A_142] : memref<10240xi32, #tpu.memory_space<vmem>> -> memref<64xi32, #tpu.memory_space<vmem>>
      %dma_start3A_147 = arith.constant 0 : i32
      %dma_start3A_148 = arith.constant 0 : i32
      %dma_start3A_149 = tpu.memref_slice %arg4[%dma_start3A_147, %dma_start3A_148] : memref<1000x256xf32, #tpu.memory_space<hbm>> -> memref<1000x256xf32, #tpu.memory_space<hbm>>
      tpu.enqueue_indirect_dma source(%dma_start3A_149 : memref<1000x256xf32, #tpu.memory_space<hbm>>) target(%arg16 : memref<64x256xf32, #tpu.memory_space<vmem>>) offsets(%dma_start3A_146 : memref<64xi32, #tpu.memory_space<vmem>>) semaphore(%arg19 : memref<!tpu.dma_semaphore, #tpu.memory_space<semaphore_mem>>)
    } else {
    }
    %add3A_90 = arith.constant 1 : i32
    %add3A_91 = arith.addi %select_n3A_82, %add3A_90 : i32
    %jit3A_92 = arith.constant 2 : i32
    %div3A_93 = arith.divsi %add3A_91, %jit3A_92 : i32
    %sign3A_94 = arith.constant 0 : i32
    %sign3A_95 = arith.cmpi sgt, %add3A_91, %sign3A_94 : i32
    %sign3A_96 = arith.extui %sign3A_95 : i1 to i32
    %sign3A_97 = arith.constant 0 : i32
    %sign3A_98 = arith.cmpi slt, %add3A_91, %sign3A_97 : i32
    %sign3A_99 = arith.extui %sign3A_98 : i1 to i32
    %sign3A_100 = arith.subi %sign3A_96, %sign3A_99 : i32
    %sign3A_101 = arith.constant 0 : i32
    %sign3A_102 = arith.cmpi sgt, %jit3A_92, %sign3A_101 : i32
    %sign3A_103 = arith.extui %sign3A_102 : i1 to i32
    %sign3A_104 = arith.constant 0 : i32
    %sign3A_105 = arith.cmpi slt, %jit3A_92, %sign3A_104 : i32
    %sign3A_106 = arith.extui %sign3A_105 : i1 to i32
    %sign3A_107 = arith.subi %sign3A_103, %sign3A_106 : i32
    %ne3A_108 = arith.cmpi ne, %sign3A_100, %sign3A_107 : i32
    %rem3A_109 = arith.remsi %add3A_91, %jit3A_92 : i32
    %ne3A_110 = arith.constant 0 : i32
    %ne3A_111 = arith.cmpi ne, %rem3A_109, %ne3A_110 : i32
    %and3A_112 = arith.andi %ne3A_108, %ne3A_111 : i1
    %sub3A_113 = arith.constant 1 : i32
    %sub3A_114 = arith.subi %div3A_93, %sub3A_113 : i32
    %select_n3A_115 = arith.select %and3A_112, %sub3A_114, %div3A_93 : i32
    %while3A = arith.constant 0 : i32
    %while3A_116 = arith.constant 0 : i32
    %while3A_117 = arith.subi %select_n3A_115, %while3A_116 : i32
    %while3A_118 = arith.addi %while3A_116, %while3A_117 : i32
    %while3A_119 = arith.constant 1 : i32
    %while3A_120 = arith.divsi %while3A_117, %while3A_119 : i32
    %while3A_121 = arith.muli %while3A_120, %while3A_119 : i32
    %while3A_122 = arith.addi %while3A_116, %while3A_121 : i32
    %while3A_123 = arith.constant 1 : i32
    scf.for %while3A_140 = %while3A_116 to %while3A_122 step %while3A_123  : i32 {
      %mul3A_141 = arith.constant 2 : i32
      %mul3A_142 = arith.muli %mul3A_141, %while3A_140 : i32
      %dma_wait3A = arith.constant 0 : i32
      %dma_wait3A_143 = arith.constant 0 : i32
      %dma_wait3A_144 = tpu.memref_slice %arg3[%dma_wait3A, %dma_wait3A_143] : memref<10000x256xf32, #tpu.memory_space<hbm>> -> memref<64x256xf32, #tpu.memory_space<hbm>>
      %dma_wait3A_145 = arith.constant 0 : i32
      %dma_wait3A_146 = arith.constant 0 : i32
      %dma_wait3A_147 = tpu.memref_slice %arg3[%dma_wait3A_145, %dma_wait3A_146] : memref<10000x256xf32, #tpu.memory_space<hbm>> -> memref<64x256xf32, #tpu.memory_space<hbm>>
      tpu.wait_dma2 semaphore(%arg18 : memref<!tpu.dma_semaphore, #tpu.memory_space<semaphore_mem>>) src(%dma_wait3A_147 : memref<64x256xf32, #tpu.memory_space<hbm>>) dst(%arg13 : memref<64x256xf32, #tpu.memory_space<vmem>>)
      %dma_wait3A_148 = arith.constant 0 : i32
      %dma_wait3A_149 = arith.constant 0 : i32
      %dma_wait3A_150 = tpu.memref_slice %arg3[%dma_wait3A_148, %dma_wait3A_149] : memref<10000x256xf32, #tpu.memory_space<hbm>> -> memref<64x256xf32, #tpu.memory_space<hbm>>
      %dma_wait3A_151 = arith.constant 0 : i32
      %dma_wait3A_152 = arith.constant 0 : i32
      %dma_wait3A_153 = tpu.memref_slice %arg3[%dma_wait3A_151, %dma_wait3A_152] : memref<10000x256xf32, #tpu.memory_space<hbm>> -> memref<64x256xf32, #tpu.memory_space<hbm>>
      tpu.wait_dma2 semaphore(%arg18 : memref<!tpu.dma_semaphore, #tpu.memory_space<semaphore_mem>>) src(%dma_wait3A_153 : memref<64x256xf32, #tpu.memory_space<hbm>>) dst(%arg14 : memref<64x256xf32, #tpu.memory_space<vmem>>)
      %mul3A_154 = arith.constant 64 : i32
      %mul3A_155 = arith.muli %mul3A_142, %mul3A_154 : i32
      %add3A_156 = arith.addi %mul3A_62, %mul3A_155 : i32
      %dma_start3A = arith.constant 0 : i32
      %dma_start3A_157 = tpu.memref_slice %arg5[%add3A_156, %dma_start3A] : memref<327680x256xf32, #tpu.memory_space<hbm>> -> memref<64x256xf32, #tpu.memory_space<hbm>>
      %dma_start3A_158 = arith.constant 0 : i32
      %dma_start3A_159 = tpu.memref_slice %arg5[%add3A_156, %dma_start3A_158] : memref<327680x256xf32, #tpu.memory_space<hbm>> -> memref<64x256xf32, #tpu.memory_space<hbm>>
      tpu.enqueue_dma source(%arg13 : memref<64x256xf32, #tpu.memory_space<vmem>>) target(%dma_start3A_159 : memref<64x256xf32, #tpu.memory_space<hbm>>) target_semaphore(%arg20 : memref<!tpu.dma_semaphore, #tpu.memory_space<semaphore_mem>>)
      %add3A_160 = arith.addi %mul3A_62, %mul3A_155 : i32
      %dma_start3A_161 = arith.constant 0 : i32
      %dma_start3A_162 = tpu.memref_slice %arg6[%add3A_160, %dma_start3A_161] : memref<327680x256xf32, #tpu.memory_space<hbm>> -> memref<64x256xf32, #tpu.memory_space<hbm>>
      %dma_start3A_163 = arith.constant 0 : i32
      %dma_start3A_164 = tpu.memref_slice %arg6[%add3A_160, %dma_start3A_163] : memref<327680x256xf32, #tpu.memory_space<hbm>> -> memref<64x256xf32, #tpu.memory_space<hbm>>
      tpu.enqueue_dma source(%arg14 : memref<64x256xf32, #tpu.memory_space<vmem>>) target(%dma_start3A_164 : memref<64x256xf32, #tpu.memory_space<hbm>>) target_semaphore(%arg20 : memref<!tpu.dma_semaphore, #tpu.memory_space<semaphore_mem>>)
      %add3A_165 = arith.addi %mul3A_62, %mul3A_155 : i32
      %jit3A_166 = arith.constant 512 : i32
      %div3A_167 = arith.divsi %add3A_165, %jit3A_166 : i32
      %sign3A_168 = arith.constant 0 : i32
      %sign3A_169 = arith.cmpi sgt, %add3A_165, %sign3A_168 : i32
      %sign3A_170 = arith.extui %sign3A_169 : i1 to i32
      %sign3A_171 = arith.constant 0 : i32
      %sign3A_172 = arith.cmpi slt, %add3A_165, %sign3A_171 : i32
      %sign3A_173 = arith.extui %sign3A_172 : i1 to i32
      %sign3A_174 = arith.subi %sign3A_170, %sign3A_173 : i32
      %sign3A_175 = arith.constant 0 : i32
      %sign3A_176 = arith.cmpi sgt, %jit3A_166, %sign3A_175 : i32
      %sign3A_177 = arith.extui %sign3A_176 : i1 to i32
      %sign3A_178 = arith.constant 0 : i32
      %sign3A_179 = arith.cmpi slt, %jit3A_166, %sign3A_178 : i32
      %sign3A_180 = arith.extui %sign3A_179 : i1 to i32
      %sign3A_181 = arith.subi %sign3A_177, %sign3A_180 : i32
      %ne3A_182 = arith.cmpi ne, %sign3A_174, %sign3A_181 : i32
      %rem3A_183 = arith.remsi %add3A_165, %jit3A_166 : i32
      %ne3A_184 = arith.constant 0 : i32
      %ne3A_185 = arith.cmpi ne, %rem3A_183, %ne3A_184 : i32
      %and3A_186 = arith.andi %ne3A_182, %ne3A_185 : i1
      %sub3A_187 = arith.constant 1 : i32
      %sub3A_188 = arith.subi %div3A_167, %sub3A_187 : i32
      %select_n3A_189 = arith.select %and3A_186, %sub3A_188, %div3A_167 : i32
      %add3A_190 = arith.addi %mul3A_62, %mul3A_155 : i32
      %jit3A_191 = arith.constant 512 : i32
      %eq3A_192 = arith.constant 0 : i32
      %eq3A_193 = arith.cmpi eq, %jit3A_191, %eq3A_192 : i32
      %jit3A_194 = arith.constant 1 : i32
      %select_n3A_195 = arith.select %eq3A_193, %jit3A_194, %jit3A_191 : i32
      %rem3A_196 = arith.remsi %add3A_190, %select_n3A_195 : i32
      %ne3A_197 = arith.constant 0 : i32
      %ne3A_198 = arith.cmpi ne, %rem3A_196, %ne3A_197 : i32
      %lt3A_199 = arith.constant 0 : i32
      %lt3A_200 = arith.cmpi slt, %rem3A_196, %lt3A_199 : i32
      %lt3A_201 = arith.constant 0 : i32
      %lt3A_202 = arith.cmpi slt, %select_n3A_195, %lt3A_201 : i32
      %ne3A_203 = arith.xori %lt3A_200, %lt3A_202 : i1
      %and3A_204 = arith.andi %ne3A_203, %ne3A_198 : i1
      %add3A_205 = arith.addi %rem3A_196, %select_n3A_195 : i32
      %select_n3A_206 = arith.select %and3A_204, %add3A_205, %rem3A_196 : i32
      %dma_start3A_207 = arith.constant 0 : i32
      %dma_start3A_208 = tpu.memref_slice %arg12[%mul3A_155] : memref<10240xi32, #tpu.memory_space<vmem>> -> memref<64xi32, #tpu.memory_space<vmem>>
      %dma_start3A_209 = tpu.memref_slice %arg7[%select_n3A_189, %dma_start3A_207, %select_n3A_206] : memref<640x1x512xi32, #tpu.memory_space<hbm>> -> memref<1x1x64xi32, #tpu.memory_space<hbm>>
      %dma_start3A_210 = tpu.memref_squeeze %dma_start3A_209 : memref<1x1x64xi32, #tpu.memory_space<hbm>> -> memref<64xi32, #tpu.memory_space<hbm>>
      %dma_start3A_211 = tpu.memref_slice %arg7[%select_n3A_189, %dma_start3A_207, %select_n3A_206] : memref<640x1x512xi32, #tpu.memory_space<hbm>> -> memref<1x1x64xi32, #tpu.memory_space<hbm>>
      %dma_start3A_212 = tpu.memref_squeeze %dma_start3A_211 : memref<1x1x64xi32, #tpu.memory_space<hbm>> -> memref<64xi32, #tpu.memory_space<hbm>>
      %dma_start3A_213 = tpu.memref_slice %arg12[%mul3A_155] : memref<10240xi32, #tpu.memory_space<vmem>> -> memref<64xi32, #tpu.memory_space<vmem>>
      tpu.enqueue_dma source(%dma_start3A_213 : memref<64xi32, #tpu.memory_space<vmem>>) target(%dma_start3A_212 : memref<64xi32, #tpu.memory_space<hbm>>) target_semaphore(%arg20 : memref<!tpu.dma_semaphore, #tpu.memory_space<semaphore_mem>>)
      %add3A_214 = arith.constant 1 : i32
      %add3A_215 = arith.addi %mul3A_142, %add3A_214 : i32
      %lt3A_216 = arith.cmpi slt, %add3A_215, %select_n3A_82 : i32
      %convert_element_type3A_217 = arith.extui %lt3A_216 : i1 to i32
      %cond3A_218 = arith.constant 0 : i32
      %cond3A_219 = arith.cmpi ne, %convert_element_type3A_217, %cond3A_218 : i32
      scf.if %cond3A_219 {
        %dma_wait3A_232 = arith.constant 0 : i32
        %dma_wait3A_233 = arith.constant 0 : i32
        %dma_wait3A_234 = tpu.memref_slice %arg3[%dma_wait3A_232, %dma_wait3A_233] : memref<10000x256xf32, #tpu.memory_space<hbm>> -> memref<64x256xf32, #tpu.memory_space<hbm>>
        %dma_wait3A_235 = arith.constant 0 : i32
        %dma_wait3A_236 = arith.constant 0 : i32
        %dma_wait3A_237 = tpu.memref_slice %arg3[%dma_wait3A_235, %dma_wait3A_236] : memref<10000x256xf32, #tpu.memory_space<hbm>> -> memref<64x256xf32, #tpu.memory_space<hbm>>
        tpu.wait_dma2 semaphore(%arg19 : memref<!tpu.dma_semaphore, #tpu.memory_space<semaphore_mem>>) src(%dma_wait3A_237 : memref<64x256xf32, #tpu.memory_space<hbm>>) dst(%arg15 : memref<64x256xf32, #tpu.memory_space<vmem>>)
        %dma_wait3A_238 = arith.constant 0 : i32
        %dma_wait3A_239 = arith.constant 0 : i32
        %dma_wait3A_240 = tpu.memref_slice %arg3[%dma_wait3A_238, %dma_wait3A_239] : memref<10000x256xf32, #tpu.memory_space<hbm>> -> memref<64x256xf32, #tpu.memory_space<hbm>>
        %dma_wait3A_241 = arith.constant 0 : i32
        %dma_wait3A_242 = arith.constant 0 : i32
        %dma_wait3A_243 = tpu.memref_slice %arg3[%dma_wait3A_241, %dma_wait3A_242] : memref<10000x256xf32, #tpu.memory_space<hbm>> -> memref<64x256xf32, #tpu.memory_space<hbm>>
        tpu.wait_dma2 semaphore(%arg19 : memref<!tpu.dma_semaphore, #tpu.memory_space<semaphore_mem>>) src(%dma_wait3A_243 : memref<64x256xf32, #tpu.memory_space<hbm>>) dst(%arg16 : memref<64x256xf32, #tpu.memory_space<vmem>>)
        %add3A_244 = arith.constant 1 : i32
        %add3A_245 = arith.addi %mul3A_142, %add3A_244 : i32
        %mul3A_246 = arith.constant 64 : i32
        %mul3A_247 = arith.muli %add3A_245, %mul3A_246 : i32
        %add3A_248 = arith.addi %mul3A_62, %mul3A_247 : i32
        %dma_start3A_249 = arith.constant 0 : i32
        %dma_start3A_250 = tpu.memref_slice %arg5[%add3A_248, %dma_start3A_249] : memref<327680x256xf32, #tpu.memory_space<hbm>> -> memref<64x256xf32, #tpu.memory_space<hbm>>
        %dma_start3A_251 = arith.constant 0 : i32
        %dma_start3A_252 = tpu.memref_slice %arg5[%add3A_248, %dma_start3A_251] : memref<327680x256xf32, #tpu.memory_space<hbm>> -> memref<64x256xf32, #tpu.memory_space<hbm>>
        tpu.enqueue_dma source(%arg15 : memref<64x256xf32, #tpu.memory_space<vmem>>) target(%dma_start3A_252 : memref<64x256xf32, #tpu.memory_space<hbm>>) target_semaphore(%arg21 : memref<!tpu.dma_semaphore, #tpu.memory_space<semaphore_mem>>)
        %add3A_253 = arith.addi %mul3A_62, %mul3A_247 : i32
        %dma_start3A_254 = arith.constant 0 : i32
        %dma_start3A_255 = tpu.memref_slice %arg6[%add3A_253, %dma_start3A_254] : memref<327680x256xf32, #tpu.memory_space<hbm>> -> memref<64x256xf32, #tpu.memory_space<hbm>>
        %dma_start3A_256 = arith.constant 0 : i32
        %dma_start3A_257 = tpu.memref_slice %arg6[%add3A_253, %dma_start3A_256] : memref<327680x256xf32, #tpu.memory_space<hbm>> -> memref<64x256xf32, #tpu.memory_space<hbm>>
        tpu.enqueue_dma source(%arg16 : memref<64x256xf32, #tpu.memory_space<vmem>>) target(%dma_start3A_257 : memref<64x256xf32, #tpu.memory_space<hbm>>) target_semaphore(%arg21 : memref<!tpu.dma_semaphore, #tpu.memory_space<semaphore_mem>>)
        %add3A_258 = arith.addi %mul3A_62, %mul3A_247 : i32
        %jit3A_259 = arith.constant 512 : i32
        %div3A_260 = arith.divsi %add3A_258, %jit3A_259 : i32
        %sign3A_261 = arith.constant 0 : i32
        %sign3A_262 = arith.cmpi sgt, %add3A_258, %sign3A_261 : i32
        %sign3A_263 = arith.extui %sign3A_262 : i1 to i32
        %sign3A_264 = arith.constant 0 : i32
        %sign3A_265 = arith.cmpi slt, %add3A_258, %sign3A_264 : i32
        %sign3A_266 = arith.extui %sign3A_265 : i1 to i32
        %sign3A_267 = arith.subi %sign3A_263, %sign3A_266 : i32
        %sign3A_268 = arith.constant 0 : i32
        %sign3A_269 = arith.cmpi sgt, %jit3A_259, %sign3A_268 : i32
        %sign3A_270 = arith.extui %sign3A_269 : i1 to i32
        %sign3A_271 = arith.constant 0 : i32
        %sign3A_272 = arith.cmpi slt, %jit3A_259, %sign3A_271 : i32
        %sign3A_273 = arith.extui %sign3A_272 : i1 to i32
        %sign3A_274 = arith.subi %sign3A_270, %sign3A_273 : i32
        %ne3A_275 = arith.cmpi ne, %sign3A_267, %sign3A_274 : i32
        %rem3A_276 = arith.remsi %add3A_258, %jit3A_259 : i32
        %ne3A_277 = arith.constant 0 : i32
        %ne3A_278 = arith.cmpi ne, %rem3A_276, %ne3A_277 : i32
        %and3A_279 = arith.andi %ne3A_275, %ne3A_278 : i1
        %sub3A_280 = arith.constant 1 : i32
        %sub3A_281 = arith.subi %div3A_260, %sub3A_280 : i32
        %select_n3A_282 = arith.select %and3A_279, %sub3A_281, %div3A_260 : i32
        %add3A_283 = arith.addi %mul3A_62, %mul3A_247 : i32
        %jit3A_284 = arith.constant 512 : i32
        %eq3A_285 = arith.constant 0 : i32
        %eq3A_286 = arith.cmpi eq, %jit3A_284, %eq3A_285 : i32
        %jit3A_287 = arith.constant 1 : i32
        %select_n3A_288 = arith.select %eq3A_286, %jit3A_287, %jit3A_284 : i32
        %rem3A_289 = arith.remsi %add3A_283, %select_n3A_288 : i32
        %ne3A_290 = arith.constant 0 : i32
        %ne3A_291 = arith.cmpi ne, %rem3A_289, %ne3A_290 : i32
        %lt3A_292 = arith.constant 0 : i32
        %lt3A_293 = arith.cmpi slt, %rem3A_289, %lt3A_292 : i32
        %lt3A_294 = arith.constant 0 : i32
        %lt3A_295 = arith.cmpi slt, %select_n3A_288, %lt3A_294 : i32
        %ne3A_296 = arith.xori %lt3A_293, %lt3A_295 : i1
        %and3A_297 = arith.andi %ne3A_296, %ne3A_291 : i1
        %add3A_298 = arith.addi %rem3A_289, %select_n3A_288 : i32
        %select_n3A_299 = arith.select %and3A_297, %add3A_298, %rem3A_289 : i32
        %dma_start3A_300 = arith.constant 0 : i32
        %dma_start3A_301 = tpu.memref_slice %arg12[%mul3A_247] : memref<10240xi32, #tpu.memory_space<vmem>> -> memref<64xi32, #tpu.memory_space<vmem>>
        %dma_start3A_302 = tpu.memref_slice %arg7[%select_n3A_282, %dma_start3A_300, %select_n3A_299] : memref<640x1x512xi32, #tpu.memory_space<hbm>> -> memref<1x1x64xi32, #tpu.memory_space<hbm>>
        %dma_start3A_303 = tpu.memref_squeeze %dma_start3A_302 : memref<1x1x64xi32, #tpu.memory_space<hbm>> -> memref<64xi32, #tpu.memory_space<hbm>>
        %dma_start3A_304 = tpu.memref_slice %arg7[%select_n3A_282, %dma_start3A_300, %select_n3A_299] : memref<640x1x512xi32, #tpu.memory_space<hbm>> -> memref<1x1x64xi32, #tpu.memory_space<hbm>>
        %dma_start3A_305 = tpu.memref_squeeze %dma_start3A_304 : memref<1x1x64xi32, #tpu.memory_space<hbm>> -> memref<64xi32, #tpu.memory_space<hbm>>
        %dma_start3A_306 = tpu.memref_slice %arg12[%mul3A_247] : memref<10240xi32, #tpu.memory_space<vmem>> -> memref<64xi32, #tpu.memory_space<vmem>>
        tpu.enqueue_dma source(%dma_start3A_306 : memref<64xi32, #tpu.memory_space<vmem>>) target(%dma_start3A_305 : memref<64xi32, #tpu.memory_space<hbm>>) target_semaphore(%arg21 : memref<!tpu.dma_semaphore, #tpu.memory_space<semaphore_mem>>)
      } else {
      }
      %add3A_220 = arith.constant 2 : i32
      %add3A_221 = arith.addi %mul3A_142, %add3A_220 : i32
      %lt3A_222 = arith.cmpi slt, %add3A_221, %select_n3A_82 : i32
      %convert_element_type3A_223 = arith.extui %lt3A_222 : i1 to i32
      %cond3A_224 = arith.constant 0 : i32
      %cond3A_225 = arith.cmpi ne, %convert_element_type3A_223, %cond3A_224 : i32
      scf.if %cond3A_225 {
        %dma_wait3A_232 = arith.constant 0 : i32
        %dma_wait3A_233 = tpu.memref_slice %arg5[%mul3A_62, %dma_wait3A_232] : memref<327680x256xf32, #tpu.memory_space<hbm>> -> memref<64x256xf32, #tpu.memory_space<hbm>>
        %dma_wait3A_234 = arith.constant 0 : i32
        %dma_wait3A_235 = tpu.memref_slice %arg5[%mul3A_62, %dma_wait3A_234] : memref<327680x256xf32, #tpu.memory_space<hbm>> -> memref<64x256xf32, #tpu.memory_space<hbm>>
        tpu.wait_dma2 semaphore(%arg20 : memref<!tpu.dma_semaphore, #tpu.memory_space<semaphore_mem>>) src(%arg13 : memref<64x256xf32, #tpu.memory_space<vmem>>) dst(%dma_wait3A_235 : memref<64x256xf32, #tpu.memory_space<hbm>>)
        %dma_wait3A_236 = arith.constant 0 : i32
        %dma_wait3A_237 = tpu.memref_slice %arg6[%mul3A_62, %dma_wait3A_236] : memref<327680x256xf32, #tpu.memory_space<hbm>> -> memref<64x256xf32, #tpu.memory_space<hbm>>
        %dma_wait3A_238 = arith.constant 0 : i32
        %dma_wait3A_239 = tpu.memref_slice %arg6[%mul3A_62, %dma_wait3A_238] : memref<327680x256xf32, #tpu.memory_space<hbm>> -> memref<64x256xf32, #tpu.memory_space<hbm>>
        tpu.wait_dma2 semaphore(%arg20 : memref<!tpu.dma_semaphore, #tpu.memory_space<semaphore_mem>>) src(%arg14 : memref<64x256xf32, #tpu.memory_space<vmem>>) dst(%dma_wait3A_239 : memref<64x256xf32, #tpu.memory_space<hbm>>)
        %jit3A_240 = arith.constant 512 : i32
        %div3A_241 = arith.divsi %mul3A_62, %jit3A_240 : i32
        %sign3A_242 = arith.constant 0 : i32
        %sign3A_243 = arith.cmpi sgt, %mul3A_62, %sign3A_242 : i32
        %sign3A_244 = arith.extui %sign3A_243 : i1 to i32
        %sign3A_245 = arith.constant 0 : i32
        %sign3A_246 = arith.cmpi slt, %mul3A_62, %sign3A_245 : i32
        %sign3A_247 = arith.extui %sign3A_246 : i1 to i32
        %sign3A_248 = arith.subi %sign3A_244, %sign3A_247 : i32
        %sign3A_249 = arith.constant 0 : i32
        %sign3A_250 = arith.cmpi sgt, %jit3A_240, %sign3A_249 : i32
        %sign3A_251 = arith.extui %sign3A_250 : i1 to i32
        %sign3A_252 = arith.constant 0 : i32
        %sign3A_253 = arith.cmpi slt, %jit3A_240, %sign3A_252 : i32
        %sign3A_254 = arith.extui %sign3A_253 : i1 to i32
        %sign3A_255 = arith.subi %sign3A_251, %sign3A_254 : i32
        %ne3A_256 = arith.cmpi ne, %sign3A_248, %sign3A_255 : i32
        %rem3A_257 = arith.remsi %mul3A_62, %jit3A_240 : i32
        %ne3A_258 = arith.constant 0 : i32
        %ne3A_259 = arith.cmpi ne, %rem3A_257, %ne3A_258 : i32
        %and3A_260 = arith.andi %ne3A_256, %ne3A_259 : i1
        %sub3A_261 = arith.constant 1 : i32
        %sub3A_262 = arith.subi %div3A_241, %sub3A_261 : i32
        %select_n3A_263 = arith.select %and3A_260, %sub3A_262, %div3A_241 : i32
        %dma_wait3A_264 = arith.constant 0 : i32
        %dma_wait3A_265 = arith.constant 0 : i32
        %dma_wait3A_266 = tpu.memref_slice %arg12[%dma_wait3A_265] : memref<10240xi32, #tpu.memory_space<vmem>> -> memref<64xi32, #tpu.memory_space<vmem>>
        %dma_wait3A_267 = arith.constant 0 : i32
        %dma_wait3A_268 = tpu.memref_slice %arg7[%select_n3A_263, %dma_wait3A_264, %dma_wait3A_267] : memref<640x1x512xi32, #tpu.memory_space<hbm>> -> memref<1x1x64xi32, #tpu.memory_space<hbm>>
        %dma_wait3A_269 = tpu.memref_squeeze %dma_wait3A_268 : memref<1x1x64xi32, #tpu.memory_space<hbm>> -> memref<64xi32, #tpu.memory_space<hbm>>
        %dma_wait3A_270 = arith.constant 0 : i32
        %dma_wait3A_271 = tpu.memref_slice %arg7[%select_n3A_263, %dma_wait3A_264, %dma_wait3A_270] : memref<640x1x512xi32, #tpu.memory_space<hbm>> -> memref<1x1x64xi32, #tpu.memory_space<hbm>>
        %dma_wait3A_272 = tpu.memref_squeeze %dma_wait3A_271 : memref<1x1x64xi32, #tpu.memory_space<hbm>> -> memref<64xi32, #tpu.memory_space<hbm>>
        %dma_wait3A_273 = arith.constant 0 : i32
        %dma_wait3A_274 = tpu.memref_slice %arg12[%dma_wait3A_273] : memref<10240xi32, #tpu.memory_space<vmem>> -> memref<64xi32, #tpu.memory_space<vmem>>
        tpu.wait_dma2 semaphore(%arg20 : memref<!tpu.dma_semaphore, #tpu.memory_space<semaphore_mem>>) src(%dma_wait3A_274 : memref<64xi32, #tpu.memory_space<vmem>>) dst(%dma_wait3A_272 : memref<64xi32, #tpu.memory_space<hbm>>)
        %add3A_275 = arith.constant 2 : i32
        %add3A_276 = arith.addi %mul3A_142, %add3A_275 : i32
        %mul3A_277 = arith.constant 64 : i32
        %mul3A_278 = arith.muli %add3A_276, %mul3A_277 : i32
        %dma_start3A_279 = tpu.memref_slice %arg11[%mul3A_278] : memref<10240xi32, #tpu.memory_space<vmem>> -> memref<64xi32, #tpu.memory_space<vmem>>
        %dma_start3A_280 = arith.constant 0 : i32
        %dma_start3A_281 = arith.constant 0 : i32
        %dma_start3A_282 = tpu.memref_slice %arg3[%dma_start3A_280, %dma_start3A_281] : memref<10000x256xf32, #tpu.memory_space<hbm>> -> memref<10000x256xf32, #tpu.memory_space<hbm>>
        tpu.enqueue_indirect_dma source(%dma_start3A_282 : memref<10000x256xf32, #tpu.memory_space<hbm>>) target(%arg13 : memref<64x256xf32, #tpu.memory_space<vmem>>) offsets(%dma_start3A_279 : memref<64xi32, #tpu.memory_space<vmem>>) semaphore(%arg18 : memref<!tpu.dma_semaphore, #tpu.memory_space<semaphore_mem>>)
        %dma_start3A_283 = tpu.memref_slice %arg12[%mul3A_278] : memref<10240xi32, #tpu.memory_space<vmem>> -> memref<64xi32, #tpu.memory_space<vmem>>
        %dma_start3A_284 = arith.constant 0 : i32
        %dma_start3A_285 = arith.constant 0 : i32
        %dma_start3A_286 = tpu.memref_slice %arg4[%dma_start3A_284, %dma_start3A_285] : memref<1000x256xf32, #tpu.memory_space<hbm>> -> memref<1000x256xf32, #tpu.memory_space<hbm>>
        tpu.enqueue_indirect_dma source(%dma_start3A_286 : memref<1000x256xf32, #tpu.memory_space<hbm>>) target(%arg14 : memref<64x256xf32, #tpu.memory_space<vmem>>) offsets(%dma_start3A_283 : memref<64xi32, #tpu.memory_space<vmem>>) semaphore(%arg18 : memref<!tpu.dma_semaphore, #tpu.memory_space<semaphore_mem>>)
      } else {
      }
      %add3A_226 = arith.constant 3 : i32
      %add3A_227 = arith.addi %mul3A_142, %add3A_226 : i32
      %lt3A_228 = arith.cmpi slt, %add3A_227, %select_n3A_82 : i32
      %convert_element_type3A_229 = arith.extui %lt3A_228 : i1 to i32
      %cond3A_230 = arith.constant 0 : i32
      %cond3A_231 = arith.cmpi ne, %convert_element_type3A_229, %cond3A_230 : i32
      scf.if %cond3A_231 {
        %dma_wait3A_232 = arith.constant 0 : i32
        %dma_wait3A_233 = tpu.memref_slice %arg5[%mul3A_62, %dma_wait3A_232] : memref<327680x256xf32, #tpu.memory_space<hbm>> -> memref<64x256xf32, #tpu.memory_space<hbm>>
        %dma_wait3A_234 = arith.constant 0 : i32
        %dma_wait3A_235 = tpu.memref_slice %arg5[%mul3A_62, %dma_wait3A_234] : memref<327680x256xf32, #tpu.memory_space<hbm>> -> memref<64x256xf32, #tpu.memory_space<hbm>>
        tpu.wait_dma2 semaphore(%arg21 : memref<!tpu.dma_semaphore, #tpu.memory_space<semaphore_mem>>) src(%arg15 : memref<64x256xf32, #tpu.memory_space<vmem>>) dst(%dma_wait3A_235 : memref<64x256xf32, #tpu.memory_space<hbm>>)
        %dma_wait3A_236 = arith.constant 0 : i32
        %dma_wait3A_237 = tpu.memref_slice %arg6[%mul3A_62, %dma_wait3A_236] : memref<327680x256xf32, #tpu.memory_space<hbm>> -> memref<64x256xf32, #tpu.memory_space<hbm>>
        %dma_wait3A_238 = arith.constant 0 : i32
        %dma_wait3A_239 = tpu.memref_slice %arg6[%mul3A_62, %dma_wait3A_238] : memref<327680x256xf32, #tpu.memory_space<hbm>> -> memref<64x256xf32, #tpu.memory_space<hbm>>
        tpu.wait_dma2 semaphore(%arg21 : memref<!tpu.dma_semaphore, #tpu.memory_space<semaphore_mem>>) src(%arg16 : memref<64x256xf32, #tpu.memory_space<vmem>>) dst(%dma_wait3A_239 : memref<64x256xf32, #tpu.memory_space<hbm>>)
        %jit3A_240 = arith.constant 512 : i32
        %div3A_241 = arith.divsi %mul3A_62, %jit3A_240 : i32
        %sign3A_242 = arith.constant 0 : i32
        %sign3A_243 = arith.cmpi sgt, %mul3A_62, %sign3A_242 : i32
        %sign3A_244 = arith.extui %sign3A_243 : i1 to i32
        %sign3A_245 = arith.constant 0 : i32
        %sign3A_246 = arith.cmpi slt, %mul3A_62, %sign3A_245 : i32
        %sign3A_247 = arith.extui %sign3A_246 : i1 to i32
        %sign3A_248 = arith.subi %sign3A_244, %sign3A_247 : i32
        %sign3A_249 = arith.constant 0 : i32
        %sign3A_250 = arith.cmpi sgt, %jit3A_240, %sign3A_249 : i32
        %sign3A_251 = arith.extui %sign3A_250 : i1 to i32
        %sign3A_252 = arith.constant 0 : i32
        %sign3A_253 = arith.cmpi slt, %jit3A_240, %sign3A_252 : i32
        %sign3A_254 = arith.extui %sign3A_253 : i1 to i32
        %sign3A_255 = arith.subi %sign3A_251, %sign3A_254 : i32
        %ne3A_256 = arith.cmpi ne, %sign3A_248, %sign3A_255 : i32
        %rem3A_257 = arith.remsi %mul3A_62, %jit3A_240 : i32
        %ne3A_258 = arith.constant 0 : i32
        %ne3A_259 = arith.cmpi ne, %rem3A_257, %ne3A_258 : i32
        %and3A_260 = arith.andi %ne3A_256, %ne3A_259 : i1
        %sub3A_261 = arith.constant 1 : i32
        %sub3A_262 = arith.subi %div3A_241, %sub3A_261 : i32
        %select_n3A_263 = arith.select %and3A_260, %sub3A_262, %div3A_241 : i32
        %dma_wait3A_264 = arith.constant 0 : i32
        %dma_wait3A_265 = arith.constant 0 : i32
        %dma_wait3A_266 = tpu.memref_slice %arg12[%dma_wait3A_265] : memref<10240xi32, #tpu.memory_space<vmem>> -> memref<64xi32, #tpu.memory_space<vmem>>
        %dma_wait3A_267 = arith.constant 0 : i32
        %dma_wait3A_268 = tpu.memref_slice %arg7[%select_n3A_263, %dma_wait3A_264, %dma_wait3A_267] : memref<640x1x512xi32, #tpu.memory_space<hbm>> -> memref<1x1x64xi32, #tpu.memory_space<hbm>>
        %dma_wait3A_269 = tpu.memref_squeeze %dma_wait3A_268 : memref<1x1x64xi32, #tpu.memory_space<hbm>> -> memref<64xi32, #tpu.memory_space<hbm>>
        %dma_wait3A_270 = arith.constant 0 : i32
        %dma_wait3A_271 = tpu.memref_slice %arg7[%select_n3A_263, %dma_wait3A_264, %dma_wait3A_270] : memref<640x1x512xi32, #tpu.memory_space<hbm>> -> memref<1x1x64xi32, #tpu.memory_space<hbm>>
        %dma_wait3A_272 = tpu.memref_squeeze %dma_wait3A_271 : memref<1x1x64xi32, #tpu.memory_space<hbm>> -> memref<64xi32, #tpu.memory_space<hbm>>
        %dma_wait3A_273 = arith.constant 0 : i32
        %dma_wait3A_274 = tpu.memref_slice %arg12[%dma_wait3A_273] : memref<10240xi32, #tpu.memory_space<vmem>> -> memref<64xi32, #tpu.memory_space<vmem>>
        tpu.wait_dma2 semaphore(%arg21 : memref<!tpu.dma_semaphore, #tpu.memory_space<semaphore_mem>>) src(%dma_wait3A_274 : memref<64xi32, #tpu.memory_space<vmem>>) dst(%dma_wait3A_272 : memref<64xi32, #tpu.memory_space<hbm>>)
        %add3A_275 = arith.constant 3 : i32
        %add3A_276 = arith.addi %mul3A_142, %add3A_275 : i32
        %mul3A_277 = arith.constant 64 : i32
        %mul3A_278 = arith.muli %add3A_276, %mul3A_277 : i32
        %dma_start3A_279 = tpu.memref_slice %arg11[%mul3A_278] : memref<10240xi32, #tpu.memory_space<vmem>> -> memref<64xi32, #tpu.memory_space<vmem>>
        %dma_start3A_280 = arith.constant 0 : i32
        %dma_start3A_281 = arith.constant 0 : i32
        %dma_start3A_282 = tpu.memref_slice %arg3[%dma_start3A_280, %dma_start3A_281] : memref<10000x256xf32, #tpu.memory_space<hbm>> -> memref<10000x256xf32, #tpu.memory_space<hbm>>
        tpu.enqueue_indirect_dma source(%dma_start3A_282 : memref<10000x256xf32, #tpu.memory_space<hbm>>) target(%arg15 : memref<64x256xf32, #tpu.memory_space<vmem>>) offsets(%dma_start3A_279 : memref<64xi32, #tpu.memory_space<vmem>>) semaphore(%arg19 : memref<!tpu.dma_semaphore, #tpu.memory_space<semaphore_mem>>)
        %dma_start3A_283 = tpu.memref_slice %arg12[%mul3A_278] : memref<10240xi32, #tpu.memory_space<vmem>> -> memref<64xi32, #tpu.memory_space<vmem>>
        %dma_start3A_284 = arith.constant 0 : i32
        %dma_start3A_285 = arith.constant 0 : i32
        %dma_start3A_286 = tpu.memref_slice %arg4[%dma_start3A_284, %dma_start3A_285] : memref<1000x256xf32, #tpu.memory_space<hbm>> -> memref<1000x256xf32, #tpu.memory_space<hbm>>
        tpu.enqueue_indirect_dma source(%dma_start3A_286 : memref<1000x256xf32, #tpu.memory_space<hbm>>) target(%arg16 : memref<64x256xf32, #tpu.memory_space<vmem>>) offsets(%dma_start3A_283 : memref<64xi32, #tpu.memory_space<vmem>>) semaphore(%arg19 : memref<!tpu.dma_semaphore, #tpu.memory_space<semaphore_mem>>)
      } else {
      }
    }
    %while3A_124 = arith.constant 1 : i32
    scf.for %while3A_140 = %while3A_122 to %while3A_118 step %while3A_124  : i32 {
      %mul3A_141 = arith.constant 2 : i32
      %mul3A_142 = arith.muli %mul3A_141, %while3A_140 : i32
      %dma_wait3A = arith.constant 0 : i32
      %dma_wait3A_143 = arith.constant 0 : i32
      %dma_wait3A_144 = tpu.memref_slice %arg3[%dma_wait3A, %dma_wait3A_143] : memref<10000x256xf32, #tpu.memory_space<hbm>> -> memref<64x256xf32, #tpu.memory_space<hbm>>
      %dma_wait3A_145 = arith.constant 0 : i32
      %dma_wait3A_146 = arith.constant 0 : i32
      %dma_wait3A_147 = tpu.memref_slice %arg3[%dma_wait3A_145, %dma_wait3A_146] : memref<10000x256xf32, #tpu.memory_space<hbm>> -> memref<64x256xf32, #tpu.memory_space<hbm>>
      tpu.wait_dma2 semaphore(%arg18 : memref<!tpu.dma_semaphore, #tpu.memory_space<semaphore_mem>>) src(%dma_wait3A_147 : memref<64x256xf32, #tpu.memory_space<hbm>>) dst(%arg13 : memref<64x256xf32, #tpu.memory_space<vmem>>)
      %dma_wait3A_148 = arith.constant 0 : i32
      %dma_wait3A_149 = arith.constant 0 : i32
      %dma_wait3A_150 = tpu.memref_slice %arg3[%dma_wait3A_148, %dma_wait3A_149] : memref<10000x256xf32, #tpu.memory_space<hbm>> -> memref<64x256xf32, #tpu.memory_space<hbm>>
      %dma_wait3A_151 = arith.constant 0 : i32
      %dma_wait3A_152 = arith.constant 0 : i32
      %dma_wait3A_153 = tpu.memref_slice %arg3[%dma_wait3A_151, %dma_wait3A_152] : memref<10000x256xf32, #tpu.memory_space<hbm>> -> memref<64x256xf32, #tpu.memory_space<hbm>>
      tpu.wait_dma2 semaphore(%arg18 : memref<!tpu.dma_semaphore, #tpu.memory_space<semaphore_mem>>) src(%dma_wait3A_153 : memref<64x256xf32, #tpu.memory_space<hbm>>) dst(%arg14 : memref<64x256xf32, #tpu.memory_space<vmem>>)
      %mul3A_154 = arith.constant 64 : i32
      %mul3A_155 = arith.muli %mul3A_142, %mul3A_154 : i32
      %add3A_156 = arith.addi %mul3A_62, %mul3A_155 : i32
      %dma_start3A = arith.constant 0 : i32
      %dma_start3A_157 = tpu.memref_slice %arg5[%add3A_156, %dma_start3A] : memref<327680x256xf32, #tpu.memory_space<hbm>> -> memref<64x256xf32, #tpu.memory_space<hbm>>
      %dma_start3A_158 = arith.constant 0 : i32
      %dma_start3A_159 = tpu.memref_slice %arg5[%add3A_156, %dma_start3A_158] : memref<327680x256xf32, #tpu.memory_space<hbm>> -> memref<64x256xf32, #tpu.memory_space<hbm>>
      tpu.enqueue_dma source(%arg13 : memref<64x256xf32, #tpu.memory_space<vmem>>) target(%dma_start3A_159 : memref<64x256xf32, #tpu.memory_space<hbm>>) target_semaphore(%arg20 : memref<!tpu.dma_semaphore, #tpu.memory_space<semaphore_mem>>)
      %add3A_160 = arith.addi %mul3A_62, %mul3A_155 : i32
      %dma_start3A_161 = arith.constant 0 : i32
      %dma_start3A_162 = tpu.memref_slice %arg6[%add3A_160, %dma_start3A_161] : memref<327680x256xf32, #tpu.memory_space<hbm>> -> memref<64x256xf32, #tpu.memory_space<hbm>>
      %dma_start3A_163 = arith.constant 0 : i32
      %dma_start3A_164 = tpu.memref_slice %arg6[%add3A_160, %dma_start3A_163] : memref<327680x256xf32, #tpu.memory_space<hbm>> -> memref<64x256xf32, #tpu.memory_space<hbm>>
      tpu.enqueue_dma source(%arg14 : memref<64x256xf32, #tpu.memory_space<vmem>>) target(%dma_start3A_164 : memref<64x256xf32, #tpu.memory_space<hbm>>) target_semaphore(%arg20 : memref<!tpu.dma_semaphore, #tpu.memory_space<semaphore_mem>>)
      %add3A_165 = arith.addi %mul3A_62, %mul3A_155 : i32
      %jit3A_166 = arith.constant 512 : i32
      %div3A_167 = arith.divsi %add3A_165, %jit3A_166 : i32
      %sign3A_168 = arith.constant 0 : i32
      %sign3A_169 = arith.cmpi sgt, %add3A_165, %sign3A_168 : i32
      %sign3A_170 = arith.extui %sign3A_169 : i1 to i32
      %sign3A_171 = arith.constant 0 : i32
      %sign3A_172 = arith.cmpi slt, %add3A_165, %sign3A_171 : i32
      %sign3A_173 = arith.extui %sign3A_172 : i1 to i32
      %sign3A_174 = arith.subi %sign3A_170, %sign3A_173 : i32
      %sign3A_175 = arith.constant 0 : i32
      %sign3A_176 = arith.cmpi sgt, %jit3A_166, %sign3A_175 : i32
      %sign3A_177 = arith.extui %sign3A_176 : i1 to i32
      %sign3A_178 = arith.constant 0 : i32
      %sign3A_179 = arith.cmpi slt, %jit3A_166, %sign3A_178 : i32
      %sign3A_180 = arith.extui %sign3A_179 : i1 to i32
      %sign3A_181 = arith.subi %sign3A_177, %sign3A_180 : i32
      %ne3A_182 = arith.cmpi ne, %sign3A_174, %sign3A_181 : i32
      %rem3A_183 = arith.remsi %add3A_165, %jit3A_166 : i32
      %ne3A_184 = arith.constant 0 : i32
      %ne3A_185 = arith.cmpi ne, %rem3A_183, %ne3A_184 : i32
      %and3A_186 = arith.andi %ne3A_182, %ne3A_185 : i1
      %sub3A_187 = arith.constant 1 : i32
      %sub3A_188 = arith.subi %div3A_167, %sub3A_187 : i32
      %select_n3A_189 = arith.select %and3A_186, %sub3A_188, %div3A_167 : i32
      %add3A_190 = arith.addi %mul3A_62, %mul3A_155 : i32
      %jit3A_191 = arith.constant 512 : i32
      %eq3A_192 = arith.constant 0 : i32
      %eq3A_193 = arith.cmpi eq, %jit3A_191, %eq3A_192 : i32
      %jit3A_194 = arith.constant 1 : i32
      %select_n3A_195 = arith.select %eq3A_193, %jit3A_194, %jit3A_191 : i32
      %rem3A_196 = arith.remsi %add3A_190, %select_n3A_195 : i32
      %ne3A_197 = arith.constant 0 : i32
      %ne3A_198 = arith.cmpi ne, %rem3A_196, %ne3A_197 : i32
      %lt3A_199 = arith.constant 0 : i32
      %lt3A_200 = arith.cmpi slt, %rem3A_196, %lt3A_199 : i32
      %lt3A_201 = arith.constant 0 : i32
      %lt3A_202 = arith.cmpi slt, %select_n3A_195, %lt3A_201 : i32
      %ne3A_203 = arith.xori %lt3A_200, %lt3A_202 : i1
      %and3A_204 = arith.andi %ne3A_203, %ne3A_198 : i1
      %add3A_205 = arith.addi %rem3A_196, %select_n3A_195 : i32
      %select_n3A_206 = arith.select %and3A_204, %add3A_205, %rem3A_196 : i32
      %dma_start3A_207 = arith.constant 0 : i32
      %dma_start3A_208 = tpu.memref_slice %arg12[%mul3A_155] : memref<10240xi32, #tpu.memory_space<vmem>> -> memref<64xi32, #tpu.memory_space<vmem>>
      %dma_start3A_209 = tpu.memref_slice %arg7[%select_n3A_189, %dma_start3A_207, %select_n3A_206] : memref<640x1x512xi32, #tpu.memory_space<hbm>> -> memref<1x1x64xi32, #tpu.memory_space<hbm>>
      %dma_start3A_210 = tpu.memref_squeeze %dma_start3A_209 : memref<1x1x64xi32, #tpu.memory_space<hbm>> -> memref<64xi32, #tpu.memory_space<hbm>>
      %dma_start3A_211 = tpu.memref_slice %arg7[%select_n3A_189, %dma_start3A_207, %select_n3A_206] : memref<640x1x512xi32, #tpu.memory_space<hbm>> -> memref<1x1x64xi32, #tpu.memory_space<hbm>>
      %dma_start3A_212 = tpu.memref_squeeze %dma_start3A_211 : memref<1x1x64xi32, #tpu.memory_space<hbm>> -> memref<64xi32, #tpu.memory_space<hbm>>
      %dma_start3A_213 = tpu.memref_slice %arg12[%mul3A_155] : memref<10240xi32, #tpu.memory_space<vmem>> -> memref<64xi32, #tpu.memory_space<vmem>>
      tpu.enqueue_dma source(%dma_start3A_213 : memref<64xi32, #tpu.memory_space<vmem>>) target(%dma_start3A_212 : memref<64xi32, #tpu.memory_space<hbm>>) target_semaphore(%arg20 : memref<!tpu.dma_semaphore, #tpu.memory_space<semaphore_mem>>)
      %add3A_214 = arith.constant 1 : i32
      %add3A_215 = arith.addi %mul3A_142, %add3A_214 : i32
      %lt3A_216 = arith.cmpi slt, %add3A_215, %select_n3A_82 : i32
      %convert_element_type3A_217 = arith.extui %lt3A_216 : i1 to i32
      %cond3A_218 = arith.constant 0 : i32
      %cond3A_219 = arith.cmpi ne, %convert_element_type3A_217, %cond3A_218 : i32
      scf.if %cond3A_219 {
        %dma_wait3A_232 = arith.constant 0 : i32
        %dma_wait3A_233 = arith.constant 0 : i32
        %dma_wait3A_234 = tpu.memref_slice %arg3[%dma_wait3A_232, %dma_wait3A_233] : memref<10000x256xf32, #tpu.memory_space<hbm>> -> memref<64x256xf32, #tpu.memory_space<hbm>>
        %dma_wait3A_235 = arith.constant 0 : i32
        %dma_wait3A_236 = arith.constant 0 : i32
        %dma_wait3A_237 = tpu.memref_slice %arg3[%dma_wait3A_235, %dma_wait3A_236] : memref<10000x256xf32, #tpu.memory_space<hbm>> -> memref<64x256xf32, #tpu.memory_space<hbm>>
        tpu.wait_dma2 semaphore(%arg19 : memref<!tpu.dma_semaphore, #tpu.memory_space<semaphore_mem>>) src(%dma_wait3A_237 : memref<64x256xf32, #tpu.memory_space<hbm>>) dst(%arg15 : memref<64x256xf32, #tpu.memory_space<vmem>>)
        %dma_wait3A_238 = arith.constant 0 : i32
        %dma_wait3A_239 = arith.constant 0 : i32
        %dma_wait3A_240 = tpu.memref_slice %arg3[%dma_wait3A_238, %dma_wait3A_239] : memref<10000x256xf32, #tpu.memory_space<hbm>> -> memref<64x256xf32, #tpu.memory_space<hbm>>
        %dma_wait3A_241 = arith.constant 0 : i32
        %dma_wait3A_242 = arith.constant 0 : i32
        %dma_wait3A_243 = tpu.memref_slice %arg3[%dma_wait3A_241, %dma_wait3A_242] : memref<10000x256xf32, #tpu.memory_space<hbm>> -> memref<64x256xf32, #tpu.memory_space<hbm>>
        tpu.wait_dma2 semaphore(%arg19 : memref<!tpu.dma_semaphore, #tpu.memory_space<semaphore_mem>>) src(%dma_wait3A_243 : memref<64x256xf32, #tpu.memory_space<hbm>>) dst(%arg16 : memref<64x256xf32, #tpu.memory_space<vmem>>)
        %add3A_244 = arith.constant 1 : i32
        %add3A_245 = arith.addi %mul3A_142, %add3A_244 : i32
        %mul3A_246 = arith.constant 64 : i32
        %mul3A_247 = arith.muli %add3A_245, %mul3A_246 : i32
        %add3A_248 = arith.addi %mul3A_62, %mul3A_247 : i32
        %dma_start3A_249 = arith.constant 0 : i32
        %dma_start3A_250 = tpu.memref_slice %arg5[%add3A_248, %dma_start3A_249] : memref<327680x256xf32, #tpu.memory_space<hbm>> -> memref<64x256xf32, #tpu.memory_space<hbm>>
        %dma_start3A_251 = arith.constant 0 : i32
        %dma_start3A_252 = tpu.memref_slice %arg5[%add3A_248, %dma_start3A_251] : memref<327680x256xf32, #tpu.memory_space<hbm>> -> memref<64x256xf32, #tpu.memory_space<hbm>>
        tpu.enqueue_dma source(%arg15 : memref<64x256xf32, #tpu.memory_space<vmem>>) target(%dma_start3A_252 : memref<64x256xf32, #tpu.memory_space<hbm>>) target_semaphore(%arg21 : memref<!tpu.dma_semaphore, #tpu.memory_space<semaphore_mem>>)
        %add3A_253 = arith.addi %mul3A_62, %mul3A_247 : i32
        %dma_start3A_254 = arith.constant 0 : i32
        %dma_start3A_255 = tpu.memref_slice %arg6[%add3A_253, %dma_start3A_254] : memref<327680x256xf32, #tpu.memory_space<hbm>> -> memref<64x256xf32, #tpu.memory_space<hbm>>
        %dma_start3A_256 = arith.constant 0 : i32
        %dma_start3A_257 = tpu.memref_slice %arg6[%add3A_253, %dma_start3A_256] : memref<327680x256xf32, #tpu.memory_space<hbm>> -> memref<64x256xf32, #tpu.memory_space<hbm>>
        tpu.enqueue_dma source(%arg16 : memref<64x256xf32, #tpu.memory_space<vmem>>) target(%dma_start3A_257 : memref<64x256xf32, #tpu.memory_space<hbm>>) target_semaphore(%arg21 : memref<!tpu.dma_semaphore, #tpu.memory_space<semaphore_mem>>)
        %add3A_258 = arith.addi %mul3A_62, %mul3A_247 : i32
        %jit3A_259 = arith.constant 512 : i32
        %div3A_260 = arith.divsi %add3A_258, %jit3A_259 : i32
        %sign3A_261 = arith.constant 0 : i32
        %sign3A_262 = arith.cmpi sgt, %add3A_258, %sign3A_261 : i32
        %sign3A_263 = arith.extui %sign3A_262 : i1 to i32
        %sign3A_264 = arith.constant 0 : i32
        %sign3A_265 = arith.cmpi slt, %add3A_258, %sign3A_264 : i32
        %sign3A_266 = arith.extui %sign3A_265 : i1 to i32
        %sign3A_267 = arith.subi %sign3A_263, %sign3A_266 : i32
        %sign3A_268 = arith.constant 0 : i32
        %sign3A_269 = arith.cmpi sgt, %jit3A_259, %sign3A_268 : i32
        %sign3A_270 = arith.extui %sign3A_269 : i1 to i32
        %sign3A_271 = arith.constant 0 : i32
        %sign3A_272 = arith.cmpi slt, %jit3A_259, %sign3A_271 : i32
        %sign3A_273 = arith.extui %sign3A_272 : i1 to i32
        %sign3A_274 = arith.subi %sign3A_270, %sign3A_273 : i32
        %ne3A_275 = arith.cmpi ne, %sign3A_267, %sign3A_274 : i32
        %rem3A_276 = arith.remsi %add3A_258, %jit3A_259 : i32
        %ne3A_277 = arith.constant 0 : i32
        %ne3A_278 = arith.cmpi ne, %rem3A_276, %ne3A_277 : i32
        %and3A_279 = arith.andi %ne3A_275, %ne3A_278 : i1
        %sub3A_280 = arith.constant 1 : i32
        %sub3A_281 = arith.subi %div3A_260, %sub3A_280 : i32
        %select_n3A_282 = arith.select %and3A_279, %sub3A_281, %div3A_260 : i32
        %add3A_283 = arith.addi %mul3A_62, %mul3A_247 : i32
        %jit3A_284 = arith.constant 512 : i32
        %eq3A_285 = arith.constant 0 : i32
        %eq3A_286 = arith.cmpi eq, %jit3A_284, %eq3A_285 : i32
        %jit3A_287 = arith.constant 1 : i32
        %select_n3A_288 = arith.select %eq3A_286, %jit3A_287, %jit3A_284 : i32
        %rem3A_289 = arith.remsi %add3A_283, %select_n3A_288 : i32
        %ne3A_290 = arith.constant 0 : i32
        %ne3A_291 = arith.cmpi ne, %rem3A_289, %ne3A_290 : i32
        %lt3A_292 = arith.constant 0 : i32
        %lt3A_293 = arith.cmpi slt, %rem3A_289, %lt3A_292 : i32
        %lt3A_294 = arith.constant 0 : i32
        %lt3A_295 = arith.cmpi slt, %select_n3A_288, %lt3A_294 : i32
        %ne3A_296 = arith.xori %lt3A_293, %lt3A_295 : i1
        %and3A_297 = arith.andi %ne3A_296, %ne3A_291 : i1
        %add3A_298 = arith.addi %rem3A_289, %select_n3A_288 : i32
        %select_n3A_299 = arith.select %and3A_297, %add3A_298, %rem3A_289 : i32
        %dma_start3A_300 = arith.constant 0 : i32
        %dma_start3A_301 = tpu.memref_slice %arg12[%mul3A_247] : memref<10240xi32, #tpu.memory_space<vmem>> -> memref<64xi32, #tpu.memory_space<vmem>>
        %dma_start3A_302 = tpu.memref_slice %arg7[%select_n3A_282, %dma_start3A_300, %select_n3A_299] : memref<640x1x512xi32, #tpu.memory_space<hbm>> -> memref<1x1x64xi32, #tpu.memory_space<hbm>>
        %dma_start3A_303 = tpu.memref_squeeze %dma_start3A_302 : memref<1x1x64xi32, #tpu.memory_space<hbm>> -> memref<64xi32, #tpu.memory_space<hbm>>
        %dma_start3A_304 = tpu.memref_slice %arg7[%select_n3A_282, %dma_start3A_300, %select_n3A_299] : memref<640x1x512xi32, #tpu.memory_space<hbm>> -> memref<1x1x64xi32, #tpu.memory_space<hbm>>
        %dma_start3A_305 = tpu.memref_squeeze %dma_start3A_304 : memref<1x1x64xi32, #tpu.memory_space<hbm>> -> memref<64xi32, #tpu.memory_space<hbm>>
        %dma_start3A_306 = tpu.memref_slice %arg12[%mul3A_247] : memref<10240xi32, #tpu.memory_space<vmem>> -> memref<64xi32, #tpu.memory_space<vmem>>
        tpu.enqueue_dma source(%dma_start3A_306 : memref<64xi32, #tpu.memory_space<vmem>>) target(%dma_start3A_305 : memref<64xi32, #tpu.memory_space<hbm>>) target_semaphore(%arg21 : memref<!tpu.dma_semaphore, #tpu.memory_space<semaphore_mem>>)
      } else {
      }
      %add3A_220 = arith.constant 2 : i32
      %add3A_221 = arith.addi %mul3A_142, %add3A_220 : i32
      %lt3A_222 = arith.cmpi slt, %add3A_221, %select_n3A_82 : i32
      %convert_element_type3A_223 = arith.extui %lt3A_222 : i1 to i32
      %cond3A_224 = arith.constant 0 : i32
      %cond3A_225 = arith.cmpi ne, %convert_element_type3A_223, %cond3A_224 : i32
      scf.if %cond3A_225 {
        %dma_wait3A_232 = arith.constant 0 : i32
        %dma_wait3A_233 = tpu.memref_slice %arg5[%mul3A_62, %dma_wait3A_232] : memref<327680x256xf32, #tpu.memory_space<hbm>> -> memref<64x256xf32, #tpu.memory_space<hbm>>
        %dma_wait3A_234 = arith.constant 0 : i32
        %dma_wait3A_235 = tpu.memref_slice %arg5[%mul3A_62, %dma_wait3A_234] : memref<327680x256xf32, #tpu.memory_space<hbm>> -> memref<64x256xf32, #tpu.memory_space<hbm>>
        tpu.wait_dma2 semaphore(%arg20 : memref<!tpu.dma_semaphore, #tpu.memory_space<semaphore_mem>>) src(%arg13 : memref<64x256xf32, #tpu.memory_space<vmem>>) dst(%dma_wait3A_235 : memref<64x256xf32, #tpu.memory_space<hbm>>)
        %dma_wait3A_236 = arith.constant 0 : i32
        %dma_wait3A_237 = tpu.memref_slice %arg6[%mul3A_62, %dma_wait3A_236] : memref<327680x256xf32, #tpu.memory_space<hbm>> -> memref<64x256xf32, #tpu.memory_space<hbm>>
        %dma_wait3A_238 = arith.constant 0 : i32
        %dma_wait3A_239 = tpu.memref_slice %arg6[%mul3A_62, %dma_wait3A_238] : memref<327680x256xf32, #tpu.memory_space<hbm>> -> memref<64x256xf32, #tpu.memory_space<hbm>>
        tpu.wait_dma2 semaphore(%arg20 : memref<!tpu.dma_semaphore, #tpu.memory_space<semaphore_mem>>) src(%arg14 : memref<64x256xf32, #tpu.memory_space<vmem>>) dst(%dma_wait3A_239 : memref<64x256xf32, #tpu.memory_space<hbm>>)
        %jit3A_240 = arith.constant 512 : i32
        %div3A_241 = arith.divsi %mul3A_62, %jit3A_240 : i32
        %sign3A_242 = arith.constant 0 : i32
        %sign3A_243 = arith.cmpi sgt, %mul3A_62, %sign3A_242 : i32
        %sign3A_244 = arith.extui %sign3A_243 : i1 to i32
        %sign3A_245 = arith.constant 0 : i32
        %sign3A_246 = arith.cmpi slt, %mul3A_62, %sign3A_245 : i32
        %sign3A_247 = arith.extui %sign3A_246 : i1 to i32
        %sign3A_248 = arith.subi %sign3A_244, %sign3A_247 : i32
        %sign3A_249 = arith.constant 0 : i32
        %sign3A_250 = arith.cmpi sgt, %jit3A_240, %sign3A_249 : i32
        %sign3A_251 = arith.extui %sign3A_250 : i1 to i32
        %sign3A_252 = arith.constant 0 : i32
        %sign3A_253 = arith.cmpi slt, %jit3A_240, %sign3A_252 : i32
        %sign3A_254 = arith.extui %sign3A_253 : i1 to i32
        %sign3A_255 = arith.subi %sign3A_251, %sign3A_254 : i32
        %ne3A_256 = arith.cmpi ne, %sign3A_248, %sign3A_255 : i32
        %rem3A_257 = arith.remsi %mul3A_62, %jit3A_240 : i32
        %ne3A_258 = arith.constant 0 : i32
        %ne3A_259 = arith.cmpi ne, %rem3A_257, %ne3A_258 : i32
        %and3A_260 = arith.andi %ne3A_256, %ne3A_259 : i1
        %sub3A_261 = arith.constant 1 : i32
        %sub3A_262 = arith.subi %div3A_241, %sub3A_261 : i32
        %select_n3A_263 = arith.select %and3A_260, %sub3A_262, %div3A_241 : i32
        %dma_wait3A_264 = arith.constant 0 : i32
        %dma_wait3A_265 = arith.constant 0 : i32
        %dma_wait3A_266 = tpu.memref_slice %arg12[%dma_wait3A_265] : memref<10240xi32, #tpu.memory_space<vmem>> -> memref<64xi32, #tpu.memory_space<vmem>>
        %dma_wait3A_267 = arith.constant 0 : i32
        %dma_wait3A_268 = tpu.memref_slice %arg7[%select_n3A_263, %dma_wait3A_264, %dma_wait3A_267] : memref<640x1x512xi32, #tpu.memory_space<hbm>> -> memref<1x1x64xi32, #tpu.memory_space<hbm>>
        %dma_wait3A_269 = tpu.memref_squeeze %dma_wait3A_268 : memref<1x1x64xi32, #tpu.memory_space<hbm>> -> memref<64xi32, #tpu.memory_space<hbm>>
        %dma_wait3A_270 = arith.constant 0 : i32
        %dma_wait3A_271 = tpu.memref_slice %arg7[%select_n3A_263, %dma_wait3A_264, %dma_wait3A_270] : memref<640x1x512xi32, #tpu.memory_space<hbm>> -> memref<1x1x64xi32, #tpu.memory_space<hbm>>
        %dma_wait3A_272 = tpu.memref_squeeze %dma_wait3A_271 : memref<1x1x64xi32, #tpu.memory_space<hbm>> -> memref<64xi32, #tpu.memory_space<hbm>>
        %dma_wait3A_273 = arith.constant 0 : i32
        %dma_wait3A_274 = tpu.memref_slice %arg12[%dma_wait3A_273] : memref<10240xi32, #tpu.memory_space<vmem>> -> memref<64xi32, #tpu.memory_space<vmem>>
        tpu.wait_dma2 semaphore(%arg20 : memref<!tpu.dma_semaphore, #tpu.memory_space<semaphore_mem>>) src(%dma_wait3A_274 : memref<64xi32, #tpu.memory_space<vmem>>) dst(%dma_wait3A_272 : memref<64xi32, #tpu.memory_space<hbm>>)
        %add3A_275 = arith.constant 2 : i32
        %add3A_276 = arith.addi %mul3A_142, %add3A_275 : i32
        %mul3A_277 = arith.constant 64 : i32
        %mul3A_278 = arith.muli %add3A_276, %mul3A_277 : i32
        %dma_start3A_279 = tpu.memref_slice %arg11[%mul3A_278] : memref<10240xi32, #tpu.memory_space<vmem>> -> memref<64xi32, #tpu.memory_space<vmem>>
        %dma_start3A_280 = arith.constant 0 : i32
        %dma_start3A_281 = arith.constant 0 : i32
        %dma_start3A_282 = tpu.memref_slice %arg3[%dma_start3A_280, %dma_start3A_281] : memref<10000x256xf32, #tpu.memory_space<hbm>> -> memref<10000x256xf32, #tpu.memory_space<hbm>>
        tpu.enqueue_indirect_dma source(%dma_start3A_282 : memref<10000x256xf32, #tpu.memory_space<hbm>>) target(%arg13 : memref<64x256xf32, #tpu.memory_space<vmem>>) offsets(%dma_start3A_279 : memref<64xi32, #tpu.memory_space<vmem>>) semaphore(%arg18 : memref<!tpu.dma_semaphore, #tpu.memory_space<semaphore_mem>>)
        %dma_start3A_283 = tpu.memref_slice %arg12[%mul3A_278] : memref<10240xi32, #tpu.memory_space<vmem>> -> memref<64xi32, #tpu.memory_space<vmem>>
        %dma_start3A_284 = arith.constant 0 : i32
        %dma_start3A_285 = arith.constant 0 : i32
        %dma_start3A_286 = tpu.memref_slice %arg4[%dma_start3A_284, %dma_start3A_285] : memref<1000x256xf32, #tpu.memory_space<hbm>> -> memref<1000x256xf32, #tpu.memory_space<hbm>>
        tpu.enqueue_indirect_dma source(%dma_start3A_286 : memref<1000x256xf32, #tpu.memory_space<hbm>>) target(%arg14 : memref<64x256xf32, #tpu.memory_space<vmem>>) offsets(%dma_start3A_283 : memref<64xi32, #tpu.memory_space<vmem>>) semaphore(%arg18 : memref<!tpu.dma_semaphore, #tpu.memory_space<semaphore_mem>>)
      } else {
      }
      %add3A_226 = arith.constant 3 : i32
      %add3A_227 = arith.addi %mul3A_142, %add3A_226 : i32
      %lt3A_228 = arith.cmpi slt, %add3A_227, %select_n3A_82 : i32
      %convert_element_type3A_229 = arith.extui %lt3A_228 : i1 to i32
      %cond3A_230 = arith.constant 0 : i32
      %cond3A_231 = arith.cmpi ne, %convert_element_type3A_229, %cond3A_230 : i32
      scf.if %cond3A_231 {
        %dma_wait3A_232 = arith.constant 0 : i32
        %dma_wait3A_233 = tpu.memref_slice %arg5[%mul3A_62, %dma_wait3A_232] : memref<327680x256xf32, #tpu.memory_space<hbm>> -> memref<64x256xf32, #tpu.memory_space<hbm>>
        %dma_wait3A_234 = arith.constant 0 : i32
        %dma_wait3A_235 = tpu.memref_slice %arg5[%mul3A_62, %dma_wait3A_234] : memref<327680x256xf32, #tpu.memory_space<hbm>> -> memref<64x256xf32, #tpu.memory_space<hbm>>
        tpu.wait_dma2 semaphore(%arg21 : memref<!tpu.dma_semaphore, #tpu.memory_space<semaphore_mem>>) src(%arg15 : memref<64x256xf32, #tpu.memory_space<vmem>>) dst(%dma_wait3A_235 : memref<64x256xf32, #tpu.memory_space<hbm>>)
        %dma_wait3A_236 = arith.constant 0 : i32
        %dma_wait3A_237 = tpu.memref_slice %arg6[%mul3A_62, %dma_wait3A_236] : memref<327680x256xf32, #tpu.memory_space<hbm>> -> memref<64x256xf32, #tpu.memory_space<hbm>>
        %dma_wait3A_238 = arith.constant 0 : i32
        %dma_wait3A_239 = tpu.memref_slice %arg6[%mul3A_62, %dma_wait3A_238] : memref<327680x256xf32, #tpu.memory_space<hbm>> -> memref<64x256xf32, #tpu.memory_space<hbm>>
        tpu.wait_dma2 semaphore(%arg21 : memref<!tpu.dma_semaphore, #tpu.memory_space<semaphore_mem>>) src(%arg16 : memref<64x256xf32, #tpu.memory_space<vmem>>) dst(%dma_wait3A_239 : memref<64x256xf32, #tpu.memory_space<hbm>>)
        %jit3A_240 = arith.constant 512 : i32
        %div3A_241 = arith.divsi %mul3A_62, %jit3A_240 : i32
        %sign3A_242 = arith.constant 0 : i32
        %sign3A_243 = arith.cmpi sgt, %mul3A_62, %sign3A_242 : i32
        %sign3A_244 = arith.extui %sign3A_243 : i1 to i32
        %sign3A_245 = arith.constant 0 : i32
        %sign3A_246 = arith.cmpi slt, %mul3A_62, %sign3A_245 : i32
        %sign3A_247 = arith.extui %sign3A_246 : i1 to i32
        %sign3A_248 = arith.subi %sign3A_244, %sign3A_247 : i32
        %sign3A_249 = arith.constant 0 : i32
        %sign3A_250 = arith.cmpi sgt, %jit3A_240, %sign3A_249 : i32
        %sign3A_251 = arith.extui %sign3A_250 : i1 to i32
        %sign3A_252 = arith.constant 0 : i32
        %sign3A_253 = arith.cmpi slt, %jit3A_240, %sign3A_252 : i32
        %sign3A_254 = arith.extui %sign3A_253 : i1 to i32
        %sign3A_255 = arith.subi %sign3A_251, %sign3A_254 : i32
        %ne3A_256 = arith.cmpi ne, %sign3A_248, %sign3A_255 : i32
        %rem3A_257 = arith.remsi %mul3A_62, %jit3A_240 : i32
        %ne3A_258 = arith.constant 0 : i32
        %ne3A_259 = arith.cmpi ne, %rem3A_257, %ne3A_258 : i32
        %and3A_260 = arith.andi %ne3A_256, %ne3A_259 : i1
        %sub3A_261 = arith.constant 1 : i32
        %sub3A_262 = arith.subi %div3A_241, %sub3A_261 : i32
        %select_n3A_263 = arith.select %and3A_260, %sub3A_262, %div3A_241 : i32
        %dma_wait3A_264 = arith.constant 0 : i32
        %dma_wait3A_265 = arith.constant 0 : i32
        %dma_wait3A_266 = tpu.memref_slice %arg12[%dma_wait3A_265] : memref<10240xi32, #tpu.memory_space<vmem>> -> memref<64xi32, #tpu.memory_space<vmem>>
        %dma_wait3A_267 = arith.constant 0 : i32
        %dma_wait3A_268 = tpu.memref_slice %arg7[%select_n3A_263, %dma_wait3A_264, %dma_wait3A_267] : memref<640x1x512xi32, #tpu.memory_space<hbm>> -> memref<1x1x64xi32, #tpu.memory_space<hbm>>
        %dma_wait3A_269 = tpu.memref_squeeze %dma_wait3A_268 : memref<1x1x64xi32, #tpu.memory_space<hbm>> -> memref<64xi32, #tpu.memory_space<hbm>>
        %dma_wait3A_270 = arith.constant 0 : i32
        %dma_wait3A_271 = tpu.memref_slice %arg7[%select_n3A_263, %dma_wait3A_264, %dma_wait3A_270] : memref<640x1x512xi32, #tpu.memory_space<hbm>> -> memref<1x1x64xi32, #tpu.memory_space<hbm>>
        %dma_wait3A_272 = tpu.memref_squeeze %dma_wait3A_271 : memref<1x1x64xi32, #tpu.memory_space<hbm>> -> memref<64xi32, #tpu.memory_space<hbm>>
        %dma_wait3A_273 = arith.constant 0 : i32
        %dma_wait3A_274 = tpu.memref_slice %arg12[%dma_wait3A_273] : memref<10240xi32, #tpu.memory_space<vmem>> -> memref<64xi32, #tpu.memory_space<vmem>>
        tpu.wait_dma2 semaphore(%arg21 : memref<!tpu.dma_semaphore, #tpu.memory_space<semaphore_mem>>) src(%dma_wait3A_274 : memref<64xi32, #tpu.memory_space<vmem>>) dst(%dma_wait3A_272 : memref<64xi32, #tpu.memory_space<hbm>>)
        %add3A_275 = arith.constant 3 : i32
        %add3A_276 = arith.addi %mul3A_142, %add3A_275 : i32
        %mul3A_277 = arith.constant 64 : i32
        %mul3A_278 = arith.muli %add3A_276, %mul3A_277 : i32
        %dma_start3A_279 = tpu.memref_slice %arg11[%mul3A_278] : memref<10240xi32, #tpu.memory_space<vmem>> -> memref<64xi32, #tpu.memory_space<vmem>>
        %dma_start3A_280 = arith.constant 0 : i32
        %dma_start3A_281 = arith.constant 0 : i32
        %dma_start3A_282 = tpu.memref_slice %arg3[%dma_start3A_280, %dma_start3A_281] : memref<10000x256xf32, #tpu.memory_space<hbm>> -> memref<10000x256xf32, #tpu.memory_space<hbm>>
        tpu.enqueue_indirect_dma source(%dma_start3A_282 : memref<10000x256xf32, #tpu.memory_space<hbm>>) target(%arg15 : memref<64x256xf32, #tpu.memory_space<vmem>>) offsets(%dma_start3A_279 : memref<64xi32, #tpu.memory_space<vmem>>) semaphore(%arg19 : memref<!tpu.dma_semaphore, #tpu.memory_space<semaphore_mem>>)
        %dma_start3A_283 = tpu.memref_slice %arg12[%mul3A_278] : memref<10240xi32, #tpu.memory_space<vmem>> -> memref<64xi32, #tpu.memory_space<vmem>>
        %dma_start3A_284 = arith.constant 0 : i32
        %dma_start3A_285 = arith.constant 0 : i32
        %dma_start3A_286 = tpu.memref_slice %arg4[%dma_start3A_284, %dma_start3A_285] : memref<1000x256xf32, #tpu.memory_space<hbm>> -> memref<1000x256xf32, #tpu.memory_space<hbm>>
        tpu.enqueue_indirect_dma source(%dma_start3A_286 : memref<1000x256xf32, #tpu.memory_space<hbm>>) target(%arg16 : memref<64x256xf32, #tpu.memory_space<vmem>>) offsets(%dma_start3A_283 : memref<64xi32, #tpu.memory_space<vmem>>) semaphore(%arg19 : memref<!tpu.dma_semaphore, #tpu.memory_space<semaphore_mem>>)
      } else {
      }
    }
    %sub3A_125 = arith.constant 1 : i32
    %sub3A_126 = arith.subi %select_n3A_82, %sub3A_125 : i32
    %rem3A_127 = arith.constant 2 : i32
    %rem3A_128 = arith.remsi %sub3A_126, %rem3A_127 : i32
    %eq3A = arith.constant 0 : i32
    %eq3A_129 = arith.cmpi eq, %rem3A_128, %eq3A : i32
    %ge3A = arith.constant 1 : i32
    %ge3A_130 = arith.cmpi sge, %select_n3A_82, %ge3A : i32
    %and3A_131 = arith.andi %ge3A_130, %eq3A_129 : i1
    %convert_element_type3A_132 = arith.extui %and3A_131 : i1 to i32
    %cond3A_133 = arith.constant 0 : i32
    %cond3A_134 = arith.cmpi ne, %convert_element_type3A_132, %cond3A_133 : i32
    scf.if %cond3A_134 {
      %dma_wait3A = arith.constant 0 : i32
      %dma_wait3A_140 = tpu.memref_slice %arg5[%mul3A_62, %dma_wait3A] : memref<327680x256xf32, #tpu.memory_space<hbm>> -> memref<64x256xf32, #tpu.memory_space<hbm>>
      %dma_wait3A_141 = arith.constant 0 : i32
      %dma_wait3A_142 = tpu.memref_slice %arg5[%mul3A_62, %dma_wait3A_141] : memref<327680x256xf32, #tpu.memory_space<hbm>> -> memref<64x256xf32, #tpu.memory_space<hbm>>
      tpu.wait_dma2 semaphore(%arg20 : memref<!tpu.dma_semaphore, #tpu.memory_space<semaphore_mem>>) src(%arg13 : memref<64x256xf32, #tpu.memory_space<vmem>>) dst(%dma_wait3A_142 : memref<64x256xf32, #tpu.memory_space<hbm>>)
      %dma_wait3A_143 = arith.constant 0 : i32
      %dma_wait3A_144 = tpu.memref_slice %arg6[%mul3A_62, %dma_wait3A_143] : memref<327680x256xf32, #tpu.memory_space<hbm>> -> memref<64x256xf32, #tpu.memory_space<hbm>>
      %dma_wait3A_145 = arith.constant 0 : i32
      %dma_wait3A_146 = tpu.memref_slice %arg6[%mul3A_62, %dma_wait3A_145] : memref<327680x256xf32, #tpu.memory_space<hbm>> -> memref<64x256xf32, #tpu.memory_space<hbm>>
      tpu.wait_dma2 semaphore(%arg20 : memref<!tpu.dma_semaphore, #tpu.memory_space<semaphore_mem>>) src(%arg14 : memref<64x256xf32, #tpu.memory_space<vmem>>) dst(%dma_wait3A_146 : memref<64x256xf32, #tpu.memory_space<hbm>>)
      %jit3A_147 = arith.constant 512 : i32
      %div3A_148 = arith.divsi %mul3A_62, %jit3A_147 : i32
      %sign3A_149 = arith.constant 0 : i32
      %sign3A_150 = arith.cmpi sgt, %mul3A_62, %sign3A_149 : i32
      %sign3A_151 = arith.extui %sign3A_150 : i1 to i32
      %sign3A_152 = arith.constant 0 : i32
      %sign3A_153 = arith.cmpi slt, %mul3A_62, %sign3A_152 : i32
      %sign3A_154 = arith.extui %sign3A_153 : i1 to i32
      %sign3A_155 = arith.subi %sign3A_151, %sign3A_154 : i32
      %sign3A_156 = arith.constant 0 : i32
      %sign3A_157 = arith.cmpi sgt, %jit3A_147, %sign3A_156 : i32
      %sign3A_158 = arith.extui %sign3A_157 : i1 to i32
      %sign3A_159 = arith.constant 0 : i32
      %sign3A_160 = arith.cmpi slt, %jit3A_147, %sign3A_159 : i32
      %sign3A_161 = arith.extui %sign3A_160 : i1 to i32
      %sign3A_162 = arith.subi %sign3A_158, %sign3A_161 : i32
      %ne3A_163 = arith.cmpi ne, %sign3A_155, %sign3A_162 : i32
      %rem3A_164 = arith.remsi %mul3A_62, %jit3A_147 : i32
      %ne3A_165 = arith.constant 0 : i32
      %ne3A_166 = arith.cmpi ne, %rem3A_164, %ne3A_165 : i32
      %and3A_167 = arith.andi %ne3A_163, %ne3A_166 : i1
      %sub3A_168 = arith.constant 1 : i32
      %sub3A_169 = arith.subi %div3A_148, %sub3A_168 : i32
      %select_n3A_170 = arith.select %and3A_167, %sub3A_169, %div3A_148 : i32
      %dma_wait3A_171 = arith.constant 0 : i32
      %dma_wait3A_172 = arith.constant 0 : i32
      %dma_wait3A_173 = tpu.memref_slice %arg12[%dma_wait3A_172] : memref<10240xi32, #tpu.memory_space<vmem>> -> memref<64xi32, #tpu.memory_space<vmem>>
      %dma_wait3A_174 = arith.constant 0 : i32
      %dma_wait3A_175 = tpu.memref_slice %arg7[%select_n3A_170, %dma_wait3A_171, %dma_wait3A_174] : memref<640x1x512xi32, #tpu.memory_space<hbm>> -> memref<1x1x64xi32, #tpu.memory_space<hbm>>
      %dma_wait3A_176 = tpu.memref_squeeze %dma_wait3A_175 : memref<1x1x64xi32, #tpu.memory_space<hbm>> -> memref<64xi32, #tpu.memory_space<hbm>>
      %dma_wait3A_177 = arith.constant 0 : i32
      %dma_wait3A_178 = tpu.memref_slice %arg7[%select_n3A_170, %dma_wait3A_171, %dma_wait3A_177] : memref<640x1x512xi32, #tpu.memory_space<hbm>> -> memref<1x1x64xi32, #tpu.memory_space<hbm>>
      %dma_wait3A_179 = tpu.memref_squeeze %dma_wait3A_178 : memref<1x1x64xi32, #tpu.memory_space<hbm>> -> memref<64xi32, #tpu.memory_space<hbm>>
      %dma_wait3A_180 = arith.constant 0 : i32
      %dma_wait3A_181 = tpu.memref_slice %arg12[%dma_wait3A_180] : memref<10240xi32, #tpu.memory_space<vmem>> -> memref<64xi32, #tpu.memory_space<vmem>>
      tpu.wait_dma2 semaphore(%arg20 : memref<!tpu.dma_semaphore, #tpu.memory_space<semaphore_mem>>) src(%dma_wait3A_181 : memref<64xi32, #tpu.memory_space<vmem>>) dst(%dma_wait3A_179 : memref<64xi32, #tpu.memory_space<hbm>>)
    } else {
    }
    %ge3A_135 = arith.constant 2 : i32
    %ge3A_136 = arith.cmpi sge, %select_n3A_82, %ge3A_135 : i32
    %convert_element_type3A_137 = arith.extui %ge3A_136 : i1 to i32
    %cond3A_138 = arith.constant 0 : i32
    %cond3A_139 = arith.cmpi ne, %convert_element_type3A_137, %cond3A_138 : i32
    scf.if %cond3A_139 {
      %dma_wait3A = arith.constant 0 : i32
      %dma_wait3A_140 = tpu.memref_slice %arg5[%mul3A_62, %dma_wait3A] : memref<327680x256xf32, #tpu.memory_space<hbm>> -> memref<64x256xf32, #tpu.memory_space<hbm>>
      %dma_wait3A_141 = arith.constant 0 : i32
      %dma_wait3A_142 = tpu.memref_slice %arg5[%mul3A_62, %dma_wait3A_141] : memref<327680x256xf32, #tpu.memory_space<hbm>> -> memref<64x256xf32, #tpu.memory_space<hbm>>
      tpu.wait_dma2 semaphore(%arg21 : memref<!tpu.dma_semaphore, #tpu.memory_space<semaphore_mem>>) src(%arg15 : memref<64x256xf32, #tpu.memory_space<vmem>>) dst(%dma_wait3A_142 : memref<64x256xf32, #tpu.memory_space<hbm>>)
      %dma_wait3A_143 = arith.constant 0 : i32
      %dma_wait3A_144 = tpu.memref_slice %arg6[%mul3A_62, %dma_wait3A_143] : memref<327680x256xf32, #tpu.memory_space<hbm>> -> memref<64x256xf32, #tpu.memory_space<hbm>>
      %dma_wait3A_145 = arith.constant 0 : i32
      %dma_wait3A_146 = tpu.memref_slice %arg6[%mul3A_62, %dma_wait3A_145] : memref<327680x256xf32, #tpu.memory_space<hbm>> -> memref<64x256xf32, #tpu.memory_space<hbm>>
      tpu.wait_dma2 semaphore(%arg21 : memref<!tpu.dma_semaphore, #tpu.memory_space<semaphore_mem>>) src(%arg16 : memref<64x256xf32, #tpu.memory_space<vmem>>) dst(%dma_wait3A_146 : memref<64x256xf32, #tpu.memory_space<hbm>>)
      %jit3A_147 = arith.constant 512 : i32
      %div3A_148 = arith.divsi %mul3A_62, %jit3A_147 : i32
      %sign3A_149 = arith.constant 0 : i32
      %sign3A_150 = arith.cmpi sgt, %mul3A_62, %sign3A_149 : i32
      %sign3A_151 = arith.extui %sign3A_150 : i1 to i32
      %sign3A_152 = arith.constant 0 : i32
      %sign3A_153 = arith.cmpi slt, %mul3A_62, %sign3A_152 : i32
      %sign3A_154 = arith.extui %sign3A_153 : i1 to i32
      %sign3A_155 = arith.subi %sign3A_151, %sign3A_154 : i32
      %sign3A_156 = arith.constant 0 : i32
      %sign3A_157 = arith.cmpi sgt, %jit3A_147, %sign3A_156 : i32
      %sign3A_158 = arith.extui %sign3A_157 : i1 to i32
      %sign3A_159 = arith.constant 0 : i32
      %sign3A_160 = arith.cmpi slt, %jit3A_147, %sign3A_159 : i32
      %sign3A_161 = arith.extui %sign3A_160 : i1 to i32
      %sign3A_162 = arith.subi %sign3A_158, %sign3A_161 : i32
      %ne3A_163 = arith.cmpi ne, %sign3A_155, %sign3A_162 : i32
      %rem3A_164 = arith.remsi %mul3A_62, %jit3A_147 : i32
      %ne3A_165 = arith.constant 0 : i32
      %ne3A_166 = arith.cmpi ne, %rem3A_164, %ne3A_165 : i32
      %and3A_167 = arith.andi %ne3A_163, %ne3A_166 : i1
      %sub3A_168 = arith.constant 1 : i32
      %sub3A_169 = arith.subi %div3A_148, %sub3A_168 : i32
      %select_n3A_170 = arith.select %and3A_167, %sub3A_169, %div3A_148 : i32
      %dma_wait3A_171 = arith.constant 0 : i32
      %dma_wait3A_172 = arith.constant 0 : i32
      %dma_wait3A_173 = tpu.memref_slice %arg12[%dma_wait3A_172] : memref<10240xi32, #tpu.memory_space<vmem>> -> memref<64xi32, #tpu.memory_space<vmem>>
      %dma_wait3A_174 = arith.constant 0 : i32
      %dma_wait3A_175 = tpu.memref_slice %arg7[%select_n3A_170, %dma_wait3A_171, %dma_wait3A_174] : memref<640x1x512xi32, #tpu.memory_space<hbm>> -> memref<1x1x64xi32, #tpu.memory_space<hbm>>
      %dma_wait3A_176 = tpu.memref_squeeze %dma_wait3A_175 : memref<1x1x64xi32, #tpu.memory_space<hbm>> -> memref<64xi32, #tpu.memory_space<hbm>>
      %dma_wait3A_177 = arith.constant 0 : i32
      %dma_wait3A_178 = tpu.memref_slice %arg7[%select_n3A_170, %dma_wait3A_171, %dma_wait3A_177] : memref<640x1x512xi32, #tpu.memory_space<hbm>> -> memref<1x1x64xi32, #tpu.memory_space<hbm>>
      %dma_wait3A_179 = tpu.memref_squeeze %dma_wait3A_178 : memref<1x1x64xi32, #tpu.memory_space<hbm>> -> memref<64xi32, #tpu.memory_space<hbm>>
      %dma_wait3A_180 = arith.constant 0 : i32
      %dma_wait3A_181 = tpu.memref_slice %arg12[%dma_wait3A_180] : memref<10240xi32, #tpu.memory_space<vmem>> -> memref<64xi32, #tpu.memory_space<vmem>>
      tpu.wait_dma2 semaphore(%arg21 : memref<!tpu.dma_semaphore, #tpu.memory_space<semaphore_mem>>) src(%dma_wait3A_181 : memref<64xi32, #tpu.memory_space<vmem>>) dst(%dma_wait3A_179 : memref<64xi32, #tpu.memory_space<hbm>>)
      %not3A = arith.constant true
      %not3A_182 = arith.xori %eq3A_129, %not3A : i1
      %convert_element_type3A_183 = arith.extui %not3A_182 : i1 to i32
      %cond3A_184 = arith.constant 0 : i32
      %cond3A_185 = arith.cmpi ne, %convert_element_type3A_183, %cond3A_184 : i32
      scf.if %cond3A_185 {
        %dma_wait3A_186 = arith.constant 0 : i32
        %dma_wait3A_187 = tpu.memref_slice %arg5[%mul3A_62, %dma_wait3A_186] : memref<327680x256xf32, #tpu.memory_space<hbm>> -> memref<64x256xf32, #tpu.memory_space<hbm>>
        %dma_wait3A_188 = arith.constant 0 : i32
        %dma_wait3A_189 = tpu.memref_slice %arg5[%mul3A_62, %dma_wait3A_188] : memref<327680x256xf32, #tpu.memory_space<hbm>> -> memref<64x256xf32, #tpu.memory_space<hbm>>
        tpu.wait_dma2 semaphore(%arg20 : memref<!tpu.dma_semaphore, #tpu.memory_space<semaphore_mem>>) src(%arg13 : memref<64x256xf32, #tpu.memory_space<vmem>>) dst(%dma_wait3A_189 : memref<64x256xf32, #tpu.memory_space<hbm>>)
        %dma_wait3A_190 = arith.constant 0 : i32
        %dma_wait3A_191 = tpu.memref_slice %arg6[%mul3A_62, %dma_wait3A_190] : memref<327680x256xf32, #tpu.memory_space<hbm>> -> memref<64x256xf32, #tpu.memory_space<hbm>>
        %dma_wait3A_192 = arith.constant 0 : i32
        %dma_wait3A_193 = tpu.memref_slice %arg6[%mul3A_62, %dma_wait3A_192] : memref<327680x256xf32, #tpu.memory_space<hbm>> -> memref<64x256xf32, #tpu.memory_space<hbm>>
        tpu.wait_dma2 semaphore(%arg20 : memref<!tpu.dma_semaphore, #tpu.memory_space<semaphore_mem>>) src(%arg14 : memref<64x256xf32, #tpu.memory_space<vmem>>) dst(%dma_wait3A_193 : memref<64x256xf32, #tpu.memory_space<hbm>>)
        %jit3A_194 = arith.constant 512 : i32
        %div3A_195 = arith.divsi %mul3A_62, %jit3A_194 : i32
        %sign3A_196 = arith.constant 0 : i32
        %sign3A_197 = arith.cmpi sgt, %mul3A_62, %sign3A_196 : i32
        %sign3A_198 = arith.extui %sign3A_197 : i1 to i32
        %sign3A_199 = arith.constant 0 : i32
        %sign3A_200 = arith.cmpi slt, %mul3A_62, %sign3A_199 : i32
        %sign3A_201 = arith.extui %sign3A_200 : i1 to i32
        %sign3A_202 = arith.subi %sign3A_198, %sign3A_201 : i32
        %sign3A_203 = arith.constant 0 : i32
        %sign3A_204 = arith.cmpi sgt, %jit3A_194, %sign3A_203 : i32
        %sign3A_205 = arith.extui %sign3A_204 : i1 to i32
        %sign3A_206 = arith.constant 0 : i32
        %sign3A_207 = arith.cmpi slt, %jit3A_194, %sign3A_206 : i32
        %sign3A_208 = arith.extui %sign3A_207 : i1 to i32
        %sign3A_209 = arith.subi %sign3A_205, %sign3A_208 : i32
        %ne3A_210 = arith.cmpi ne, %sign3A_202, %sign3A_209 : i32
        %rem3A_211 = arith.remsi %mul3A_62, %jit3A_194 : i32
        %ne3A_212 = arith.constant 0 : i32
        %ne3A_213 = arith.cmpi ne, %rem3A_211, %ne3A_212 : i32
        %and3A_214 = arith.andi %ne3A_210, %ne3A_213 : i1
        %sub3A_215 = arith.constant 1 : i32
        %sub3A_216 = arith.subi %div3A_195, %sub3A_215 : i32
        %select_n3A_217 = arith.select %and3A_214, %sub3A_216, %div3A_195 : i32
        %dma_wait3A_218 = arith.constant 0 : i32
        %dma_wait3A_219 = arith.constant 0 : i32
        %dma_wait3A_220 = tpu.memref_slice %arg12[%dma_wait3A_219] : memref<10240xi32, #tpu.memory_space<vmem>> -> memref<64xi32, #tpu.memory_space<vmem>>
        %dma_wait3A_221 = arith.constant 0 : i32
        %dma_wait3A_222 = tpu.memref_slice %arg7[%select_n3A_217, %dma_wait3A_218, %dma_wait3A_221] : memref<640x1x512xi32, #tpu.memory_space<hbm>> -> memref<1x1x64xi32, #tpu.memory_space<hbm>>
        %dma_wait3A_223 = tpu.memref_squeeze %dma_wait3A_222 : memref<1x1x64xi32, #tpu.memory_space<hbm>> -> memref<64xi32, #tpu.memory_space<hbm>>
        %dma_wait3A_224 = arith.constant 0 : i32
        %dma_wait3A_225 = tpu.memref_slice %arg7[%select_n3A_217, %dma_wait3A_218, %dma_wait3A_224] : memref<640x1x512xi32, #tpu.memory_space<hbm>> -> memref<1x1x64xi32, #tpu.memory_space<hbm>>
        %dma_wait3A_226 = tpu.memref_squeeze %dma_wait3A_225 : memref<1x1x64xi32, #tpu.memory_space<hbm>> -> memref<64xi32, #tpu.memory_space<hbm>>
        %dma_wait3A_227 = arith.constant 0 : i32
        %dma_wait3A_228 = tpu.memref_slice %arg12[%dma_wait3A_227] : memref<10240xi32, #tpu.memory_space<vmem>> -> memref<64xi32, #tpu.memory_space<vmem>>
        tpu.wait_dma2 semaphore(%arg20 : memref<!tpu.dma_semaphore, #tpu.memory_space<semaphore_mem>>) src(%dma_wait3A_228 : memref<64xi32, #tpu.memory_space<vmem>>) dst(%dma_wait3A_226 : memref<64xi32, #tpu.memory_space<hbm>>)
      } else {
      }
    } else {
    }
    return
  }
}

module attributes {stable_mosaic.version = 14 : i64} {
  func.func @_critic_body(%arg0: memref<32x16xi32, #tpu.memory_space<smem>>, %arg1: memref<327680x256xf32, #tpu.memory_space<any>>, %arg2: memref<327680x256xf32, #tpu.memory_space<any>>, %arg3: memref<640x1x512xi32, #tpu.memory_space<any>>, %arg4: memref<1000x128xf32, #tpu.memory_space<vmem>>, %arg5: memref<1000x8xf32, #tpu.memory_space<vmem>>, %arg6: memref<256x256xf32, #tpu.memory_space<vmem>>, %arg7: memref<1x256xf32, #tpu.memory_space<vmem>>, %arg8: memref<256x128xf32, #tpu.memory_space<vmem>>, %arg9: memref<1x128xf32, #tpu.memory_space<vmem>>, %arg10: memref<128x128xf32, #tpu.memory_space<vmem>>, %arg11: memref<1x128xf32, #tpu.memory_space<vmem>>, %arg12: memref<128x128xf32, #tpu.memory_space<vmem>>, %arg13: memref<1x128xf32, #tpu.memory_space<vmem>>, %arg14: memref<256x256xf32, #tpu.memory_space<vmem>>, %arg15: memref<1x256xf32, #tpu.memory_space<vmem>>, %arg16: memref<256x256xf32, #tpu.memory_space<vmem>>, %arg17: memref<1x256xf32, #tpu.memory_space<vmem>>, %arg18: memref<256x128xf32, #tpu.memory_space<vmem>>, %arg19: memref<1x128xf32, #tpu.memory_space<vmem>>, %arg20: memref<8x128xf32, #tpu.memory_space<vmem>>, %arg21: memref<1x128xf32, #tpu.memory_space<vmem>>, %arg22: memref<256x256xf32, #tpu.memory_space<vmem>>, %arg23: memref<1x256xf32, #tpu.memory_space<vmem>>, %arg24: memref<256x256xf32, #tpu.memory_space<vmem>>, %arg25: memref<1x256xf32, #tpu.memory_space<vmem>>, %arg26: memref<1x256xf32, #tpu.memory_space<vmem>>, %arg27: memref<1x1xf32, #tpu.memory_space<vmem>>, %arg28: memref<1000x1xf32, #tpu.memory_space<vmem>>, %arg29: memref<2x512x256xf32, #tpu.memory_space<vmem>>, %arg30: memref<2x512x256xf32, #tpu.memory_space<vmem>>, %arg31: memref<2x1x512xi32, #tpu.memory_space<vmem>>, %arg32: memref<1000x128xf32, #tpu.memory_space<vmem>>, %arg33: memref<640xi32, #tpu.memory_space<smem>>, %arg34: memref<640xi32, #tpu.memory_space<smem>>, %arg35: memref<640xi32, #tpu.memory_space<smem>>, %arg36: memref<2x3x!tpu.dma_semaphore, #tpu.memory_space<semaphore_mem>>) attributes {dimension_semantics = [], scalar_prefetch = 0 : i64, scratch_operands = 8 : i64, tpu.core_type = #tpu.core_type<tc>} {
    %broadcast_in_dim3A = arith.constant 0.000000e+00 : f32
    %broadcast_in_dim3A_0 = vector.broadcast %broadcast_in_dim3A : f32 to vector<1000x128xf32>
    %swap3A = arith.constant 0 : index
    %swap3A_1 = arith.constant 0 : index
    %swap3A_2 = vector.load %arg32[%swap3A, %swap3A_1] : memref<1000x128xf32, #tpu.memory_space<vmem>>, vector<1000x128xf32>
    tpu.vector_store %arg32[%swap3A, %swap3A_1], %broadcast_in_dim3A_0 {strides = array<i32>} : memref<1000x128xf32, #tpu.memory_space<vmem>>, vector<1000x128xf32>,
    %scan3A = arith.constant 0 : i32
    %scan3A_3 = arith.constant 0 : i32
    %scan3A_4 = arith.constant 32 : i32
    %scan3A_5 = arith.addi %scan3A_3, %scan3A_4 : i32
    %scan3A_6 = arith.constant 1 : i32
    %scan3A_7 = scf.for %scan3A_156 = %scan3A_3 to %scan3A_5 step %scan3A_6 iter_args(%scan3A_157 = %scan3A) -> (i32)  : i32 {
      %get3A_158 = arith.index_cast %scan3A_156 : i32 to index
      %get3A_159 = arith.constant 0 : index
      %get3A_160 = memref.load %arg0[%get3A_158, %get3A_159] : memref<32x16xi32, #tpu.memory_space<smem>>
      %add3A_161 = arith.constant 511 : i32
      %add3A_162 = arith.addi %get3A_160, %add3A_161 : i32
      %jit3A = arith.constant 512 : i32
      %div3A = arith.divsi %add3A_162, %jit3A : i32
      %sign3A = arith.constant 0 : i32
      %sign3A_163 = arith.cmpi sgt, %add3A_162, %sign3A : i32
      %sign3A_164 = arith.extui %sign3A_163 : i1 to i32
      %sign3A_165 = arith.constant 0 : i32
      %sign3A_166 = arith.cmpi slt, %add3A_162, %sign3A_165 : i32
      %sign3A_167 = arith.extui %sign3A_166 : i1 to i32
      %sign3A_168 = arith.subi %sign3A_164, %sign3A_167 : i32
      %sign3A_169 = arith.constant 0 : i32
      %sign3A_170 = arith.cmpi sgt, %jit3A, %sign3A_169 : i32
      %sign3A_171 = arith.extui %sign3A_170 : i1 to i32
      %sign3A_172 = arith.constant 0 : i32
      %sign3A_173 = arith.cmpi slt, %jit3A, %sign3A_172 : i32
      %sign3A_174 = arith.extui %sign3A_173 : i1 to i32
      %sign3A_175 = arith.subi %sign3A_171, %sign3A_174 : i32
      %ne3A = arith.cmpi ne, %sign3A_168, %sign3A_175 : i32
      %rem3A = arith.remsi %add3A_162, %jit3A : i32
      %ne3A_176 = arith.constant 0 : i32
      %ne3A_177 = arith.cmpi ne, %rem3A, %ne3A_176 : i32
      %and3A = arith.andi %ne3A, %ne3A_177 : i1
      %sub3A = arith.constant 1 : i32
      %sub3A_178 = arith.subi %div3A, %sub3A : i32
      %select_n3A = arith.select %and3A, %sub3A_178, %div3A : i32
      %while3A_179 = arith.constant 0 : i32
      %while3A_180 = arith.subi %select_n3A, %while3A_179 : i32
      %while3A_181 = arith.addi %while3A_179, %while3A_180 : i32
      %while3A_182 = arith.constant 1 : i32
      %while3A_183 = arith.divsi %while3A_180, %while3A_182 : i32
      %while3A_184 = arith.muli %while3A_183, %while3A_182 : i32
      %while3A_185 = arith.addi %while3A_179, %while3A_184 : i32
      %while3A_186 = arith.constant 1 : i32
      %while3A_187 = scf.for %while3A_190 = %while3A_179 to %while3A_185 step %while3A_186 iter_args(%while3A_191 = %scan3A_157) -> (i32)  : i32 {
        %mul3A_192 = arith.constant 10240 : i32
        %mul3A_193 = arith.muli %scan3A_156, %mul3A_192 : i32
        %mul3A_194 = arith.constant 512 : i32
        %mul3A_195 = arith.muli %while3A_190, %mul3A_194 : i32
        %add3A_196 = arith.addi %mul3A_193, %mul3A_195 : i32
        %swap3A_197 = arith.index_cast %while3A_191 : i32 to index
        %swap3A_198 = memref.load %arg33[%swap3A_197] : memref<640xi32, #tpu.memory_space<smem>>
        memref.store %add3A_196, %arg33[%swap3A_197] : memref<640xi32, #tpu.memory_space<smem>>
        %mul3A_199 = arith.constant 20 : i32
        %mul3A_200 = arith.muli %scan3A_156, %mul3A_199 : i32
        %add3A_201 = arith.addi %mul3A_200, %while3A_190 : i32
        %swap3A_202 = arith.index_cast %while3A_191 : i32 to index
        %swap3A_203 = memref.load %arg34[%swap3A_202] : memref<640xi32, #tpu.memory_space<smem>>
        memref.store %add3A_201, %arg34[%swap3A_202] : memref<640xi32, #tpu.memory_space<smem>>
        %mul3A_204 = arith.constant 512 : i32
        %mul3A_205 = arith.muli %while3A_190, %mul3A_204 : i32
        %sub3A_206 = arith.subi %get3A_160, %mul3A_205 : i32
        %swap3A_207 = arith.index_cast %while3A_191 : i32 to index
        %swap3A_208 = memref.load %arg35[%swap3A_207] : memref<640xi32, #tpu.memory_space<smem>>
        memref.store %sub3A_206, %arg35[%swap3A_207] : memref<640xi32, #tpu.memory_space<smem>>
        %add3A_209 = arith.constant 1 : i32
        %add3A_210 = arith.addi %while3A_191, %add3A_209 : i32
        scf.yield %add3A_210 : i32
      }
      %while3A_188 = arith.constant 1 : i32
      %while3A_189 = scf.for %while3A_190 = %while3A_185 to %while3A_181 step %while3A_188 iter_args(%while3A_191 = %while3A_187) -> (i32)  : i32 {
        %mul3A_192 = arith.constant 10240 : i32
        %mul3A_193 = arith.muli %scan3A_156, %mul3A_192 : i32
        %mul3A_194 = arith.constant 512 : i32
        %mul3A_195 = arith.muli %while3A_190, %mul3A_194 : i32
        %add3A_196 = arith.addi %mul3A_193, %mul3A_195 : i32
        %swap3A_197 = arith.index_cast %while3A_191 : i32 to index
        %swap3A_198 = memref.load %arg33[%swap3A_197] : memref<640xi32, #tpu.memory_space<smem>>
        memref.store %add3A_196, %arg33[%swap3A_197] : memref<640xi32, #tpu.memory_space<smem>>
        %mul3A_199 = arith.constant 20 : i32
        %mul3A_200 = arith.muli %scan3A_156, %mul3A_199 : i32
        %add3A_201 = arith.addi %mul3A_200, %while3A_190 : i32
        %swap3A_202 = arith.index_cast %while3A_191 : i32 to index
        %swap3A_203 = memref.load %arg34[%swap3A_202] : memref<640xi32, #tpu.memory_space<smem>>
        memref.store %add3A_201, %arg34[%swap3A_202] : memref<640xi32, #tpu.memory_space<smem>>
        %mul3A_204 = arith.constant 512 : i32
        %mul3A_205 = arith.muli %while3A_190, %mul3A_204 : i32
        %sub3A_206 = arith.subi %get3A_160, %mul3A_205 : i32
        %swap3A_207 = arith.index_cast %while3A_191 : i32 to index
        %swap3A_208 = memref.load %arg35[%swap3A_207] : memref<640xi32, #tpu.memory_space<smem>>
        memref.store %sub3A_206, %arg35[%swap3A_207] : memref<640xi32, #tpu.memory_space<smem>>
        %add3A_209 = arith.constant 1 : i32
        %add3A_210 = arith.addi %while3A_191, %add3A_209 : i32
        scf.yield %add3A_210 : i32
      }
      scf.yield %while3A_189 : i32
    }
    %scan3A_8 = arith.constant 32 : i32
    %gt3A = arith.constant 0 : i32
    %gt3A_9 = arith.cmpi sgt, %scan3A_7, %gt3A : i32
    %convert_element_type3A = arith.extui %gt3A_9 : i1 to i32
    %cond3A = arith.constant 0 : i32
    %cond3A_10 = arith.cmpi ne, %convert_element_type3A, %cond3A : i32
    scf.if %cond3A_10 {
      %rem3A = arith.constant 0 : i32
      %rem3A_156 = arith.constant 2 : i32
      %rem3A_157 = arith.remsi %rem3A, %rem3A_156 : i32
      %get3A_158 = arith.constant 0 : index
      %get3A_159 = memref.load %arg33[%get3A_158] : memref<640xi32, #tpu.memory_space<smem>>
      %multiple_of3A = tpu.assume_multiple %get3A_159, 512 : i32
      %get3A_160 = arith.constant 0 : index
      %get3A_161 = memref.load %arg34[%get3A_160] : memref<640xi32, #tpu.memory_space<smem>>
      %dma_start3A = arith.constant 0 : i32
      %dma_start3A_162 = tpu.memref_slice %arg36[%rem3A_157, %dma_start3A] : memref<2x3x!tpu.dma_semaphore, #tpu.memory_space<semaphore_mem>> -> memref<1x1x!tpu.dma_semaphore, #tpu.memory_space<semaphore_mem>>
      %dma_start3A_163 = tpu.memref_squeeze %dma_start3A_162 : memref<1x1x!tpu.dma_semaphore, #tpu.memory_space<semaphore_mem>> -> memref<!tpu.dma_semaphore, #tpu.memory_space<semaphore_mem>>
      %dma_start3A_164 = arith.constant 0 : i32
      %dma_start3A_165 = arith.constant 0 : i32
      %dma_start3A_166 = tpu.memref_slice %arg29[%rem3A_157, %dma_start3A_164, %dma_start3A_165] : memref<2x512x256xf32, #tpu.memory_space<vmem>> -> memref<1x512x256xf32, #tpu.memory_space<vmem>>
      %dma_start3A_167 = tpu.memref_squeeze %dma_start3A_166 : memref<1x512x256xf32, #tpu.memory_space<vmem>> -> memref<512x256xf32, #tpu.memory_space<vmem>>
      %dma_start3A_168 = arith.constant 0 : i32
      %dma_start3A_169 = tpu.memref_slice %arg1[%multiple_of3A, %dma_start3A_168] : memref<327680x256xf32, #tpu.memory_space<any>> -> memref<512x256xf32, #tpu.memory_space<any>>
      tpu.enqueue_dma source(%dma_start3A_169 : memref<512x256xf32, #tpu.memory_space<any>>) target(%dma_start3A_167 : memref<512x256xf32, #tpu.memory_space<vmem>>) target_semaphore(%dma_start3A_163 : memref<!tpu.dma_semaphore, #tpu.memory_space<semaphore_mem>>)
      %dma_start3A_170 = arith.constant 1 : i32
      %dma_start3A_171 = tpu.memref_slice %arg36[%rem3A_157, %dma_start3A_170] : memref<2x3x!tpu.dma_semaphore, #tpu.memory_space<semaphore_mem>> -> memref<1x1x!tpu.dma_semaphore, #tpu.memory_space<semaphore_mem>>
      %dma_start3A_172 = tpu.memref_squeeze %dma_start3A_171 : memref<1x1x!tpu.dma_semaphore, #tpu.memory_space<semaphore_mem>> -> memref<!tpu.dma_semaphore, #tpu.memory_space<semaphore_mem>>
      %dma_start3A_173 = arith.constant 0 : i32
      %dma_start3A_174 = arith.constant 0 : i32
      %dma_start3A_175 = tpu.memref_slice %arg30[%rem3A_157, %dma_start3A_173, %dma_start3A_174] : memref<2x512x256xf32, #tpu.memory_space<vmem>> -> memref<1x512x256xf32, #tpu.memory_space<vmem>>
      %dma_start3A_176 = tpu.memref_squeeze %dma_start3A_175 : memref<1x512x256xf32, #tpu.memory_space<vmem>> -> memref<512x256xf32, #tpu.memory_space<vmem>>
      %dma_start3A_177 = arith.constant 0 : i32
      %dma_start3A_178 = tpu.memref_slice %arg2[%multiple_of3A, %dma_start3A_177] : memref<327680x256xf32, #tpu.memory_space<any>> -> memref<512x256xf32, #tpu.memory_space<any>>
      tpu.enqueue_dma source(%dma_start3A_178 : memref<512x256xf32, #tpu.memory_space<any>>) target(%dma_start3A_176 : memref<512x256xf32, #tpu.memory_space<vmem>>) target_semaphore(%dma_start3A_172 : memref<!tpu.dma_semaphore, #tpu.memory_space<semaphore_mem>>)
      %dma_start3A_179 = arith.constant 2 : i32
      %dma_start3A_180 = tpu.memref_slice %arg36[%rem3A_157, %dma_start3A_179] : memref<2x3x!tpu.dma_semaphore, #tpu.memory_space<semaphore_mem>> -> memref<1x1x!tpu.dma_semaphore, #tpu.memory_space<semaphore_mem>>
      %dma_start3A_181 = tpu.memref_squeeze %dma_start3A_180 : memref<1x1x!tpu.dma_semaphore, #tpu.memory_space<semaphore_mem>> -> memref<!tpu.dma_semaphore, #tpu.memory_space<semaphore_mem>>
      %dma_start3A_182 = arith.constant 0 : i32
      %dma_start3A_183 = arith.constant 0 : i32
      %dma_start3A_184 = tpu.memref_slice %arg31[%rem3A_157, %dma_start3A_182, %dma_start3A_183] : memref<2x1x512xi32, #tpu.memory_space<vmem>> -> memref<1x1x512xi32, #tpu.memory_space<vmem>>
      %dma_start3A_185 = tpu.memref_squeeze %dma_start3A_184 : memref<1x1x512xi32, #tpu.memory_space<vmem>> -> memref<1x512xi32, #tpu.memory_space<vmem>>
      %dma_start3A_186 = arith.constant 0 : i32
      %dma_start3A_187 = arith.constant 0 : i32
      %dma_start3A_188 = tpu.memref_slice %arg3[%get3A_161, %dma_start3A_186, %dma_start3A_187] : memref<640x1x512xi32, #tpu.memory_space<any>> -> memref<1x1x512xi32, #tpu.memory_space<any>>
      %dma_start3A_189 = tpu.memref_squeeze %dma_start3A_188 : memref<1x1x512xi32, #tpu.memory_space<any>> -> memref<1x512xi32, #tpu.memory_space<any>>
      tpu.enqueue_dma source(%dma_start3A_189 : memref<1x512xi32, #tpu.memory_space<any>>) target(%dma_start3A_185 : memref<1x512xi32, #tpu.memory_space<vmem>>) target_semaphore(%dma_start3A_181 : memref<!tpu.dma_semaphore, #tpu.memory_space<semaphore_mem>>)
    } else {
    }
    %while3A = arith.constant 0 : i32
    %while3A_11 = arith.constant 0 : i32
    %while3A_12 = arith.subi %scan3A_7, %while3A_11 : i32
    %while3A_13 = arith.addi %while3A_11, %while3A_12 : i32
    %while3A_14 = arith.constant 1 : i32
    %while3A_15 = arith.divsi %while3A_12, %while3A_14 : i32
    %while3A_16 = arith.muli %while3A_15, %while3A_14 : i32
    %while3A_17 = arith.addi %while3A_11, %while3A_16 : i32
    %while3A_18 = arith.constant 1 : i32
    scf.for %while3A_156 = %while3A_11 to %while3A_17 step %while3A_18  : i32 {
      %add3A_157 = arith.constant 1 : i32
      %add3A_158 = arith.addi %while3A_156, %add3A_157 : i32
      %lt3A = arith.cmpi slt, %add3A_158, %scan3A_7 : i32
      %convert_element_type3A_159 = arith.extui %lt3A : i1 to i32
      %cond3A_160 = arith.constant 0 : i32
      %cond3A_161 = arith.cmpi ne, %convert_element_type3A_159, %cond3A_160 : i32
      scf.if %cond3A_161 {
        %add3A_269 = arith.constant 1 : i32
        %add3A_270 = arith.addi %while3A_156, %add3A_269 : i32
        %rem3A_271 = arith.constant 2 : i32
        %rem3A_272 = arith.remsi %add3A_270, %rem3A_271 : i32
        %get3A_273 = arith.index_cast %add3A_270 : i32 to index
        %get3A_274 = memref.load %arg33[%get3A_273] : memref<640xi32, #tpu.memory_space<smem>>
        %multiple_of3A = tpu.assume_multiple %get3A_274, 512 : i32
        %get3A_275 = arith.index_cast %add3A_270 : i32 to index
        %get3A_276 = memref.load %arg34[%get3A_275] : memref<640xi32, #tpu.memory_space<smem>>
        %dma_start3A = arith.constant 0 : i32
        %dma_start3A_277 = tpu.memref_slice %arg36[%rem3A_272, %dma_start3A] : memref<2x3x!tpu.dma_semaphore, #tpu.memory_space<semaphore_mem>> -> memref<1x1x!tpu.dma_semaphore, #tpu.memory_space<semaphore_mem>>
        %dma_start3A_278 = tpu.memref_squeeze %dma_start3A_277 : memref<1x1x!tpu.dma_semaphore, #tpu.memory_space<semaphore_mem>> -> memref<!tpu.dma_semaphore, #tpu.memory_space<semaphore_mem>>
        %dma_start3A_279 = arith.constant 0 : i32
        %dma_start3A_280 = arith.constant 0 : i32
        %dma_start3A_281 = tpu.memref_slice %arg29[%rem3A_272, %dma_start3A_279, %dma_start3A_280] : memref<2x512x256xf32, #tpu.memory_space<vmem>> -> memref<1x512x256xf32, #tpu.memory_space<vmem>>
        %dma_start3A_282 = tpu.memref_squeeze %dma_start3A_281 : memref<1x512x256xf32, #tpu.memory_space<vmem>> -> memref<512x256xf32, #tpu.memory_space<vmem>>
        %dma_start3A_283 = arith.constant 0 : i32
        %dma_start3A_284 = tpu.memref_slice %arg1[%multiple_of3A, %dma_start3A_283] : memref<327680x256xf32, #tpu.memory_space<any>> -> memref<512x256xf32, #tpu.memory_space<any>>
        tpu.enqueue_dma source(%dma_start3A_284 : memref<512x256xf32, #tpu.memory_space<any>>) target(%dma_start3A_282 : memref<512x256xf32, #tpu.memory_space<vmem>>) target_semaphore(%dma_start3A_278 : memref<!tpu.dma_semaphore, #tpu.memory_space<semaphore_mem>>)
        %dma_start3A_285 = arith.constant 1 : i32
        %dma_start3A_286 = tpu.memref_slice %arg36[%rem3A_272, %dma_start3A_285] : memref<2x3x!tpu.dma_semaphore, #tpu.memory_space<semaphore_mem>> -> memref<1x1x!tpu.dma_semaphore, #tpu.memory_space<semaphore_mem>>
        %dma_start3A_287 = tpu.memref_squeeze %dma_start3A_286 : memref<1x1x!tpu.dma_semaphore, #tpu.memory_space<semaphore_mem>> -> memref<!tpu.dma_semaphore, #tpu.memory_space<semaphore_mem>>
        %dma_start3A_288 = arith.constant 0 : i32
        %dma_start3A_289 = arith.constant 0 : i32
        %dma_start3A_290 = tpu.memref_slice %arg30[%rem3A_272, %dma_start3A_288, %dma_start3A_289] : memref<2x512x256xf32, #tpu.memory_space<vmem>> -> memref<1x512x256xf32, #tpu.memory_space<vmem>>
        %dma_start3A_291 = tpu.memref_squeeze %dma_start3A_290 : memref<1x512x256xf32, #tpu.memory_space<vmem>> -> memref<512x256xf32, #tpu.memory_space<vmem>>
        %dma_start3A_292 = arith.constant 0 : i32
        %dma_start3A_293 = tpu.memref_slice %arg2[%multiple_of3A, %dma_start3A_292] : memref<327680x256xf32, #tpu.memory_space<any>> -> memref<512x256xf32, #tpu.memory_space<any>>
        tpu.enqueue_dma source(%dma_start3A_293 : memref<512x256xf32, #tpu.memory_space<any>>) target(%dma_start3A_291 : memref<512x256xf32, #tpu.memory_space<vmem>>) target_semaphore(%dma_start3A_287 : memref<!tpu.dma_semaphore, #tpu.memory_space<semaphore_mem>>)
        %dma_start3A_294 = arith.constant 2 : i32
        %dma_start3A_295 = tpu.memref_slice %arg36[%rem3A_272, %dma_start3A_294] : memref<2x3x!tpu.dma_semaphore, #tpu.memory_space<semaphore_mem>> -> memref<1x1x!tpu.dma_semaphore, #tpu.memory_space<semaphore_mem>>
        %dma_start3A_296 = tpu.memref_squeeze %dma_start3A_295 : memref<1x1x!tpu.dma_semaphore, #tpu.memory_space<semaphore_mem>> -> memref<!tpu.dma_semaphore, #tpu.memory_space<semaphore_mem>>
        %dma_start3A_297 = arith.constant 0 : i32
        %dma_start3A_298 = arith.constant 0 : i32
        %dma_start3A_299 = tpu.memref_slice %arg31[%rem3A_272, %dma_start3A_297, %dma_start3A_298] : memref<2x1x512xi32, #tpu.memory_space<vmem>> -> memref<1x1x512xi32, #tpu.memory_space<vmem>>
        %dma_start3A_300 = tpu.memref_squeeze %dma_start3A_299 : memref<1x1x512xi32, #tpu.memory_space<vmem>> -> memref<1x512xi32, #tpu.memory_space<vmem>>
        %dma_start3A_301 = arith.constant 0 : i32
        %dma_start3A_302 = arith.constant 0 : i32
        %dma_start3A_303 = tpu.memref_slice %arg3[%get3A_276, %dma_start3A_301, %dma_start3A_302] : memref<640x1x512xi32, #tpu.memory_space<any>> -> memref<1x1x512xi32, #tpu.memory_space<any>>
        %dma_start3A_304 = tpu.memref_squeeze %dma_start3A_303 : memref<1x1x512xi32, #tpu.memory_space<any>> -> memref<1x512xi32, #tpu.memory_space<any>>
        tpu.enqueue_dma source(%dma_start3A_304 : memref<1x512xi32, #tpu.memory_space<any>>) target(%dma_start3A_300 : memref<1x512xi32, #tpu.memory_space<vmem>>) target_semaphore(%dma_start3A_296 : memref<!tpu.dma_semaphore, #tpu.memory_space<semaphore_mem>>)
      } else {
      }
      %rem3A = arith.constant 2 : i32
      %rem3A_162 = arith.remsi %while3A_156, %rem3A : i32
      %dma_wait3A = arith.constant 0 : i32
      %dma_wait3A_163 = tpu.memref_slice %arg36[%rem3A_162, %dma_wait3A] : memref<2x3x!tpu.dma_semaphore, #tpu.memory_space<semaphore_mem>> -> memref<1x1x!tpu.dma_semaphore, #tpu.memory_space<semaphore_mem>>
      %dma_wait3A_164 = tpu.memref_squeeze %dma_wait3A_163 : memref<1x1x!tpu.dma_semaphore, #tpu.memory_space<semaphore_mem>> -> memref<!tpu.dma_semaphore, #tpu.memory_space<semaphore_mem>>
      %dma_wait3A_165 = arith.constant 0 : i32
      %dma_wait3A_166 = arith.constant 0 : i32
      %dma_wait3A_167 = tpu.memref_slice %arg29[%rem3A_162, %dma_wait3A_165, %dma_wait3A_166] : memref<2x512x256xf32, #tpu.memory_space<vmem>> -> memref<1x512x256xf32, #tpu.memory_space<vmem>>
      %dma_wait3A_168 = tpu.memref_squeeze %dma_wait3A_167 : memref<1x512x256xf32, #tpu.memory_space<vmem>> -> memref<512x256xf32, #tpu.memory_space<vmem>>
      %dma_wait3A_169 = arith.constant 0 : i32
      %dma_wait3A_170 = arith.constant 0 : i32
      %dma_wait3A_171 = tpu.memref_slice %arg1[%dma_wait3A_169, %dma_wait3A_170] : memref<327680x256xf32, #tpu.memory_space<any>> -> memref<512x256xf32, #tpu.memory_space<any>>
      tpu.wait_dma2 semaphore(%dma_wait3A_164 : memref<!tpu.dma_semaphore, #tpu.memory_space<semaphore_mem>>) src(%dma_wait3A_171 : memref<512x256xf32, #tpu.memory_space<any>>) dst(%dma_wait3A_168 : memref<512x256xf32, #tpu.memory_space<vmem>>)
      %dma_wait3A_172 = arith.constant 1 : i32
      %dma_wait3A_173 = tpu.memref_slice %arg36[%rem3A_162, %dma_wait3A_172] : memref<2x3x!tpu.dma_semaphore, #tpu.memory_space<semaphore_mem>> -> memref<1x1x!tpu.dma_semaphore, #tpu.memory_space<semaphore_mem>>
      %dma_wait3A_174 = tpu.memref_squeeze %dma_wait3A_173 : memref<1x1x!tpu.dma_semaphore, #tpu.memory_space<semaphore_mem>> -> memref<!tpu.dma_semaphore, #tpu.memory_space<semaphore_mem>>
      %dma_wait3A_175 = arith.constant 0 : i32
      %dma_wait3A_176 = arith.constant 0 : i32
      %dma_wait3A_177 = tpu.memref_slice %arg30[%rem3A_162, %dma_wait3A_175, %dma_wait3A_176] : memref<2x512x256xf32, #tpu.memory_space<vmem>> -> memref<1x512x256xf32, #tpu.memory_space<vmem>>
      %dma_wait3A_178 = tpu.memref_squeeze %dma_wait3A_177 : memref<1x512x256xf32, #tpu.memory_space<vmem>> -> memref<512x256xf32, #tpu.memory_space<vmem>>
      %dma_wait3A_179 = arith.constant 0 : i32
      %dma_wait3A_180 = arith.constant 0 : i32
      %dma_wait3A_181 = tpu.memref_slice %arg2[%dma_wait3A_179, %dma_wait3A_180] : memref<327680x256xf32, #tpu.memory_space<any>> -> memref<512x256xf32, #tpu.memory_space<any>>
      tpu.wait_dma2 semaphore(%dma_wait3A_174 : memref<!tpu.dma_semaphore, #tpu.memory_space<semaphore_mem>>) src(%dma_wait3A_181 : memref<512x256xf32, #tpu.memory_space<any>>) dst(%dma_wait3A_178 : memref<512x256xf32, #tpu.memory_space<vmem>>)
      %dma_wait3A_182 = arith.constant 0 : i32
      %dma_wait3A_183 = arith.constant 2 : i32
      %dma_wait3A_184 = tpu.memref_slice %arg36[%rem3A_162, %dma_wait3A_183] : memref<2x3x!tpu.dma_semaphore, #tpu.memory_space<semaphore_mem>> -> memref<1x1x!tpu.dma_semaphore, #tpu.memory_space<semaphore_mem>>
      %dma_wait3A_185 = tpu.memref_squeeze %dma_wait3A_184 : memref<1x1x!tpu.dma_semaphore, #tpu.memory_space<semaphore_mem>> -> memref<!tpu.dma_semaphore, #tpu.memory_space<semaphore_mem>>
      %dma_wait3A_186 = arith.constant 0 : i32
      %dma_wait3A_187 = arith.constant 0 : i32
      %dma_wait3A_188 = tpu.memref_slice %arg31[%rem3A_162, %dma_wait3A_186, %dma_wait3A_187] : memref<2x1x512xi32, #tpu.memory_space<vmem>> -> memref<1x1x512xi32, #tpu.memory_space<vmem>>
      %dma_wait3A_189 = tpu.memref_squeeze %dma_wait3A_188 : memref<1x1x512xi32, #tpu.memory_space<vmem>> -> memref<1x512xi32, #tpu.memory_space<vmem>>
      %dma_wait3A_190 = arith.constant 0 : i32
      %dma_wait3A_191 = arith.constant 0 : i32
      %dma_wait3A_192 = tpu.memref_slice %arg3[%dma_wait3A_182, %dma_wait3A_190, %dma_wait3A_191] : memref<640x1x512xi32, #tpu.memory_space<any>> -> memref<1x1x512xi32, #tpu.memory_space<any>>
      %dma_wait3A_193 = tpu.memref_squeeze %dma_wait3A_192 : memref<1x1x512xi32, #tpu.memory_space<any>> -> memref<1x512xi32, #tpu.memory_space<any>>
      tpu.wait_dma2 semaphore(%dma_wait3A_185 : memref<!tpu.dma_semaphore, #tpu.memory_space<semaphore_mem>>) src(%dma_wait3A_193 : memref<1x512xi32, #tpu.memory_space<any>>) dst(%dma_wait3A_189 : memref<1x512xi32, #tpu.memory_space<vmem>>)
      %rem3A_194 = arith.constant 2 : i32
      %rem3A_195 = arith.remsi %while3A_156, %rem3A_194 : i32
      %get3A_196 = arith.index_cast %while3A_156 : i32 to index
      %get3A_197 = memref.load %arg35[%get3A_196] : memref<640xi32, #tpu.memory_space<smem>>
      %iota3A = tpu.iota {dimensions = array<i32: 0>} : vector<512x1xi32>
      %lt3A_198 = vector.broadcast %get3A_197 : i32 to vector<512x1xi32>
      %lt3A_199 = arith.cmpi slt, %iota3A, %lt3A_198 : vector<512x1xi32>
      %get3A_200 = arith.index_cast %rem3A_195 : i32 to index
      %get3A_201 = arith.constant 0 : index
      %get3A_202 = arith.constant 0 : index
      %get3A_203 = vector.load %arg29[%get3A_200, %get3A_201, %get3A_202] : memref<2x512x256xf32, #tpu.memory_space<vmem>>, vector<1x512x256xf32>
      %get3A_204 = vector.shape_cast %get3A_203 : vector<1x512x256xf32> to vector<512x256xf32>
      %get3A_205 = arith.index_cast %rem3A_195 : i32 to index
      %get3A_206 = arith.constant 0 : index
      %get3A_207 = arith.constant 0 : index
      %get3A_208 = vector.load %arg30[%get3A_205, %get3A_206, %get3A_207] : memref<2x512x256xf32, #tpu.memory_space<vmem>>, vector<1x512x256xf32>
      %get3A_209 = vector.shape_cast %get3A_208 : vector<1x512x256xf32> to vector<512x256xf32>
      %add3A_210 = arith.addf %get3A_204, %get3A_209 : vector<512x256xf32>
      %max3A_211 = arith.constant 0.000000e+00 : f32
      %max3A_212 = vector.broadcast %max3A_211 : f32 to vector<512x256xf32>
      %max3A_213 = arith.maximumf %add3A_210, %max3A_212 : vector<512x256xf32>
      %jit3A = arith.constant 0.000000e+00 : f32
      %broadcast_in_dim3A_214 = vector.shape_cast %lt3A_199 : vector<512x1xi1> to vector<512x1xi1>
      %broadcast_in_dim3A_215 = vector.broadcast %broadcast_in_dim3A_214 : vector<512x1xi1> to vector<512x256xi1>
      %broadcast_in_dim3A_216 = vector.broadcast %jit3A : f32 to vector<512x256xf32>
      %select_n3A = arith.select %broadcast_in_dim3A_215, %max3A_213, %broadcast_in_dim3A_216 : vector<512x256xi1>, vector<512x256xf32>
      %get3A_217 = arith.constant 0 : index
      %get3A_218 = arith.constant 0 : index
      %get3A_219 = vector.load %arg6[%get3A_217, %get3A_218] : memref<256x256xf32, #tpu.memory_space<vmem>>, vector<256x256xf32>
      %dot_general3A_220 = arith.constant dense<0.000000e+00> : vector<512x256xf32>
      %dot_general3A_221 = tpu.matmul %select_n3A, %get3A_219, %dot_general3A_220 {dimension_numbers = #tpu.dot_dimension_numbers<[1], [0], [0], [1], [0, 0, 1, 1], [], []>, transpose_lhs_hint = false} : vector<512x256xf32>, vector<256x256xf32>, vector<512x256xf32> -> vector<512x256xf32>
      %get3A_222 = arith.constant 0 : index
      %get3A_223 = arith.constant 0 : index
      %get3A_224 = vector.load %arg7[%get3A_222, %get3A_223] : memref<1x256xf32, #tpu.memory_space<vmem>>, vector<1x256xf32>
      %add3A_225 = vector.broadcast %get3A_224 : vector<1x256xf32> to vector<512x256xf32>
      %add3A_226 = arith.addf %dot_general3A_221, %add3A_225 : vector<512x256xf32>
      %max3A_227 = arith.constant 0.000000e+00 : f32
      %max3A_228 = vector.broadcast %max3A_227 : f32 to vector<512x256xf32>
      %max3A_229 = arith.maximumf %add3A_226, %max3A_228 : vector<512x256xf32>
      %get3A_230 = arith.constant 0 : index
      %get3A_231 = arith.constant 0 : index
      %get3A_232 = vector.load %arg8[%get3A_230, %get3A_231] : memref<256x128xf32, #tpu.memory_space<vmem>>, vector<256x128xf32>
      %dot_general3A_233 = arith.constant dense<0.000000e+00> : vector<512x128xf32>
      %dot_general3A_234 = tpu.matmul %max3A_229, %get3A_232, %dot_general3A_233 {dimension_numbers = #tpu.dot_dimension_numbers<[1], [0], [0], [1], [0, 0, 1, 1], [], []>, transpose_lhs_hint = false} : vector<512x256xf32>, vector<256x128xf32>, vector<512x128xf32> -> vector<512x128xf32>
      %get3A_235 = arith.constant 0 : index
      %get3A_236 = arith.constant 0 : index
      %get3A_237 = vector.load %arg9[%get3A_235, %get3A_236] : memref<1x128xf32, #tpu.memory_space<vmem>>, vector<1x128xf32>
      %add3A_238 = vector.broadcast %get3A_237 : vector<1x128xf32> to vector<512x128xf32>
      %add3A_239 = arith.addf %dot_general3A_234, %add3A_238 : vector<512x128xf32>
      %iota3A_240 = tpu.iota {dimensions = array<i32: 1>} : vector<1x512xi32>
      %lt3A_241 = vector.broadcast %get3A_197 : i32 to vector<1x512xi32>
      %lt3A_242 = arith.cmpi slt, %iota3A_240, %lt3A_241 : vector<1x512xi32>
      %get3A_243 = arith.index_cast %rem3A_195 : i32 to index
      %get3A_244 = arith.constant 0 : index
      %get3A_245 = arith.constant 0 : index
      %get3A_246 = vector.load %arg31[%get3A_243, %get3A_244, %get3A_245] : memref<2x1x512xi32, #tpu.memory_space<vmem>>, vector<1x1x512xi32>
      %get3A_247 = vector.shape_cast %get3A_246 : vector<1x1x512xi32> to vector<1x512xi32>
      %jit3A_248 = arith.constant 1000 : i32
      %broadcast_in_dim3A_249 = vector.broadcast %jit3A_248 : i32 to vector<1x512xi32>
      %select_n3A_250 = arith.select %lt3A_242, %get3A_247, %broadcast_in_dim3A_249 : vector<1x512xi1>, vector<1x512xi32>
      %iota3A_251 = tpu.iota {dimensions = array<i32: 0>} : vector<1000x512xi32>
      %eq3A = vector.broadcast %select_n3A_250 : vector<1x512xi32> to vector<1000x512xi32>
      %eq3A_252 = arith.cmpi eq, %iota3A_251, %eq3A : vector<1000x512xi32>
      %convert_element_type3A_253 = arith.extui %eq3A_252 : vector<1000x512xi1> to vector<1000x512xi32>
      %convert_element_type3A_254 = arith.sitofp %convert_element_type3A_253 : vector<1000x512xi32> to vector<1000x512xf32>
      %convert_element_type3A_255 = arith.truncf %add3A_239 : vector<512x128xf32> to vector<512x128xbf16>
      %convert_element_type3A_256 = arith.extf %convert_element_type3A_255 : vector<512x128xbf16> to vector<512x128xf32>
      %sub3A = arith.subf %add3A_239, %convert_element_type3A_256 : vector<512x128xf32>
      %get3A_257 = arith.constant 0 : index
      %get3A_258 = arith.constant 0 : index
      %get3A_259 = vector.load %arg32[%get3A_257, %get3A_258] : memref<1000x128xf32, #tpu.memory_space<vmem>>, vector<1000x128xf32>
      %dot_general3A_260 = arith.constant dense<0.000000e+00> : vector<1000x128xf32>
      %dot_general3A_261 = tpu.matmul %convert_element_type3A_254, %convert_element_type3A_256, %dot_general3A_260 {dimension_numbers = #tpu.dot_dimension_numbers<[1], [0], [0], [1], [0, 0, 1, 1], [], []>, transpose_lhs_hint = false} : vector<1000x512xf32>, vector<512x128xf32>, vector<1000x128xf32> -> vector<1000x128xf32>
      %add3A_262 = arith.addf %get3A_259, %dot_general3A_261 : vector<1000x128xf32>
      %dot_general3A_263 = arith.constant dense<0.000000e+00> : vector<1000x128xf32>
      %dot_general3A_264 = tpu.matmul %convert_element_type3A_254, %sub3A, %dot_general3A_263 {dimension_numbers = #tpu.dot_dimension_numbers<[1], [0], [0], [1], [0, 0, 1, 1], [], []>, transpose_lhs_hint = false} : vector<1000x512xf32>, vector<512x128xf32>, vector<1000x128xf32> -> vector<1000x128xf32>
      %add3A_265 = arith.addf %add3A_262, %dot_general3A_264 : vector<1000x128xf32>
      %swap3A_266 = arith.constant 0 : index
      %swap3A_267 = arith.constant 0 : index
      %swap3A_268 = vector.load %arg32[%swap3A_266, %swap3A_267] : memref<1000x128xf32, #tpu.memory_space<vmem>>, vector<1000x128xf32>
      tpu.vector_store %arg32[%swap3A_266, %swap3A_267], %add3A_265 {strides = array<i32>} : memref<1000x128xf32, #tpu.memory_space<vmem>>, vector<1000x128xf32>,
    }
    %while3A_19 = arith.constant 1 : i32
    scf.for %while3A_156 = %while3A_17 to %while3A_13 step %while3A_19  : i32 {
      %add3A_157 = arith.constant 1 : i32
      %add3A_158 = arith.addi %while3A_156, %add3A_157 : i32
      %lt3A = arith.cmpi slt, %add3A_158, %scan3A_7 : i32
      %convert_element_type3A_159 = arith.extui %lt3A : i1 to i32
      %cond3A_160 = arith.constant 0 : i32
      %cond3A_161 = arith.cmpi ne, %convert_element_type3A_159, %cond3A_160 : i32
      scf.if %cond3A_161 {
        %add3A_269 = arith.constant 1 : i32
        %add3A_270 = arith.addi %while3A_156, %add3A_269 : i32
        %rem3A_271 = arith.constant 2 : i32
        %rem3A_272 = arith.remsi %add3A_270, %rem3A_271 : i32
        %get3A_273 = arith.index_cast %add3A_270 : i32 to index
        %get3A_274 = memref.load %arg33[%get3A_273] : memref<640xi32, #tpu.memory_space<smem>>
        %multiple_of3A = tpu.assume_multiple %get3A_274, 512 : i32
        %get3A_275 = arith.index_cast %add3A_270 : i32 to index
        %get3A_276 = memref.load %arg34[%get3A_275] : memref<640xi32, #tpu.memory_space<smem>>
        %dma_start3A = arith.constant 0 : i32
        %dma_start3A_277 = tpu.memref_slice %arg36[%rem3A_272, %dma_start3A] : memref<2x3x!tpu.dma_semaphore, #tpu.memory_space<semaphore_mem>> -> memref<1x1x!tpu.dma_semaphore, #tpu.memory_space<semaphore_mem>>
        %dma_start3A_278 = tpu.memref_squeeze %dma_start3A_277 : memref<1x1x!tpu.dma_semaphore, #tpu.memory_space<semaphore_mem>> -> memref<!tpu.dma_semaphore, #tpu.memory_space<semaphore_mem>>
        %dma_start3A_279 = arith.constant 0 : i32
        %dma_start3A_280 = arith.constant 0 : i32
        %dma_start3A_281 = tpu.memref_slice %arg29[%rem3A_272, %dma_start3A_279, %dma_start3A_280] : memref<2x512x256xf32, #tpu.memory_space<vmem>> -> memref<1x512x256xf32, #tpu.memory_space<vmem>>
        %dma_start3A_282 = tpu.memref_squeeze %dma_start3A_281 : memref<1x512x256xf32, #tpu.memory_space<vmem>> -> memref<512x256xf32, #tpu.memory_space<vmem>>
        %dma_start3A_283 = arith.constant 0 : i32
        %dma_start3A_284 = tpu.memref_slice %arg1[%multiple_of3A, %dma_start3A_283] : memref<327680x256xf32, #tpu.memory_space<any>> -> memref<512x256xf32, #tpu.memory_space<any>>
        tpu.enqueue_dma source(%dma_start3A_284 : memref<512x256xf32, #tpu.memory_space<any>>) target(%dma_start3A_282 : memref<512x256xf32, #tpu.memory_space<vmem>>) target_semaphore(%dma_start3A_278 : memref<!tpu.dma_semaphore, #tpu.memory_space<semaphore_mem>>)
        %dma_start3A_285 = arith.constant 1 : i32
        %dma_start3A_286 = tpu.memref_slice %arg36[%rem3A_272, %dma_start3A_285] : memref<2x3x!tpu.dma_semaphore, #tpu.memory_space<semaphore_mem>> -> memref<1x1x!tpu.dma_semaphore, #tpu.memory_space<semaphore_mem>>
        %dma_start3A_287 = tpu.memref_squeeze %dma_start3A_286 : memref<1x1x!tpu.dma_semaphore, #tpu.memory_space<semaphore_mem>> -> memref<!tpu.dma_semaphore, #tpu.memory_space<semaphore_mem>>
        %dma_start3A_288 = arith.constant 0 : i32
        %dma_start3A_289 = arith.constant 0 : i32
        %dma_start3A_290 = tpu.memref_slice %arg30[%rem3A_272, %dma_start3A_288, %dma_start3A_289] : memref<2x512x256xf32, #tpu.memory_space<vmem>> -> memref<1x512x256xf32, #tpu.memory_space<vmem>>
        %dma_start3A_291 = tpu.memref_squeeze %dma_start3A_290 : memref<1x512x256xf32, #tpu.memory_space<vmem>> -> memref<512x256xf32, #tpu.memory_space<vmem>>
        %dma_start3A_292 = arith.constant 0 : i32
        %dma_start3A_293 = tpu.memref_slice %arg2[%multiple_of3A, %dma_start3A_292] : memref<327680x256xf32, #tpu.memory_space<any>> -> memref<512x256xf32, #tpu.memory_space<any>>
        tpu.enqueue_dma source(%dma_start3A_293 : memref<512x256xf32, #tpu.memory_space<any>>) target(%dma_start3A_291 : memref<512x256xf32, #tpu.memory_space<vmem>>) target_semaphore(%dma_start3A_287 : memref<!tpu.dma_semaphore, #tpu.memory_space<semaphore_mem>>)
        %dma_start3A_294 = arith.constant 2 : i32
        %dma_start3A_295 = tpu.memref_slice %arg36[%rem3A_272, %dma_start3A_294] : memref<2x3x!tpu.dma_semaphore, #tpu.memory_space<semaphore_mem>> -> memref<1x1x!tpu.dma_semaphore, #tpu.memory_space<semaphore_mem>>
        %dma_start3A_296 = tpu.memref_squeeze %dma_start3A_295 : memref<1x1x!tpu.dma_semaphore, #tpu.memory_space<semaphore_mem>> -> memref<!tpu.dma_semaphore, #tpu.memory_space<semaphore_mem>>
        %dma_start3A_297 = arith.constant 0 : i32
        %dma_start3A_298 = arith.constant 0 : i32
        %dma_start3A_299 = tpu.memref_slice %arg31[%rem3A_272, %dma_start3A_297, %dma_start3A_298] : memref<2x1x512xi32, #tpu.memory_space<vmem>> -> memref<1x1x512xi32, #tpu.memory_space<vmem>>
        %dma_start3A_300 = tpu.memref_squeeze %dma_start3A_299 : memref<1x1x512xi32, #tpu.memory_space<vmem>> -> memref<1x512xi32, #tpu.memory_space<vmem>>
        %dma_start3A_301 = arith.constant 0 : i32
        %dma_start3A_302 = arith.constant 0 : i32
        %dma_start3A_303 = tpu.memref_slice %arg3[%get3A_276, %dma_start3A_301, %dma_start3A_302] : memref<640x1x512xi32, #tpu.memory_space<any>> -> memref<1x1x512xi32, #tpu.memory_space<any>>
        %dma_start3A_304 = tpu.memref_squeeze %dma_start3A_303 : memref<1x1x512xi32, #tpu.memory_space<any>> -> memref<1x512xi32, #tpu.memory_space<any>>
        tpu.enqueue_dma source(%dma_start3A_304 : memref<1x512xi32, #tpu.memory_space<any>>) target(%dma_start3A_300 : memref<1x512xi32, #tpu.memory_space<vmem>>) target_semaphore(%dma_start3A_296 : memref<!tpu.dma_semaphore, #tpu.memory_space<semaphore_mem>>)
      } else {
      }
      %rem3A = arith.constant 2 : i32
      %rem3A_162 = arith.remsi %while3A_156, %rem3A : i32
      %dma_wait3A = arith.constant 0 : i32
      %dma_wait3A_163 = tpu.memref_slice %arg36[%rem3A_162, %dma_wait3A] : memref<2x3x!tpu.dma_semaphore, #tpu.memory_space<semaphore_mem>> -> memref<1x1x!tpu.dma_semaphore, #tpu.memory_space<semaphore_mem>>
      %dma_wait3A_164 = tpu.memref_squeeze %dma_wait3A_163 : memref<1x1x!tpu.dma_semaphore, #tpu.memory_space<semaphore_mem>> -> memref<!tpu.dma_semaphore, #tpu.memory_space<semaphore_mem>>
      %dma_wait3A_165 = arith.constant 0 : i32
      %dma_wait3A_166 = arith.constant 0 : i32
      %dma_wait3A_167 = tpu.memref_slice %arg29[%rem3A_162, %dma_wait3A_165, %dma_wait3A_166] : memref<2x512x256xf32, #tpu.memory_space<vmem>> -> memref<1x512x256xf32, #tpu.memory_space<vmem>>
      %dma_wait3A_168 = tpu.memref_squeeze %dma_wait3A_167 : memref<1x512x256xf32, #tpu.memory_space<vmem>> -> memref<512x256xf32, #tpu.memory_space<vmem>>
      %dma_wait3A_169 = arith.constant 0 : i32
      %dma_wait3A_170 = arith.constant 0 : i32
      %dma_wait3A_171 = tpu.memref_slice %arg1[%dma_wait3A_169, %dma_wait3A_170] : memref<327680x256xf32, #tpu.memory_space<any>> -> memref<512x256xf32, #tpu.memory_space<any>>
      tpu.wait_dma2 semaphore(%dma_wait3A_164 : memref<!tpu.dma_semaphore, #tpu.memory_space<semaphore_mem>>) src(%dma_wait3A_171 : memref<512x256xf32, #tpu.memory_space<any>>) dst(%dma_wait3A_168 : memref<512x256xf32, #tpu.memory_space<vmem>>)
      %dma_wait3A_172 = arith.constant 1 : i32
      %dma_wait3A_173 = tpu.memref_slice %arg36[%rem3A_162, %dma_wait3A_172] : memref<2x3x!tpu.dma_semaphore, #tpu.memory_space<semaphore_mem>> -> memref<1x1x!tpu.dma_semaphore, #tpu.memory_space<semaphore_mem>>
      %dma_wait3A_174 = tpu.memref_squeeze %dma_wait3A_173 : memref<1x1x!tpu.dma_semaphore, #tpu.memory_space<semaphore_mem>> -> memref<!tpu.dma_semaphore, #tpu.memory_space<semaphore_mem>>
      %dma_wait3A_175 = arith.constant 0 : i32
      %dma_wait3A_176 = arith.constant 0 : i32
      %dma_wait3A_177 = tpu.memref_slice %arg30[%rem3A_162, %dma_wait3A_175, %dma_wait3A_176] : memref<2x512x256xf32, #tpu.memory_space<vmem>> -> memref<1x512x256xf32, #tpu.memory_space<vmem>>
      %dma_wait3A_178 = tpu.memref_squeeze %dma_wait3A_177 : memref<1x512x256xf32, #tpu.memory_space<vmem>> -> memref<512x256xf32, #tpu.memory_space<vmem>>
      %dma_wait3A_179 = arith.constant 0 : i32
      %dma_wait3A_180 = arith.constant 0 : i32
      %dma_wait3A_181 = tpu.memref_slice %arg2[%dma_wait3A_179, %dma_wait3A_180] : memref<327680x256xf32, #tpu.memory_space<any>> -> memref<512x256xf32, #tpu.memory_space<any>>
      tpu.wait_dma2 semaphore(%dma_wait3A_174 : memref<!tpu.dma_semaphore, #tpu.memory_space<semaphore_mem>>) src(%dma_wait3A_181 : memref<512x256xf32, #tpu.memory_space<any>>) dst(%dma_wait3A_178 : memref<512x256xf32, #tpu.memory_space<vmem>>)
      %dma_wait3A_182 = arith.constant 0 : i32
      %dma_wait3A_183 = arith.constant 2 : i32
      %dma_wait3A_184 = tpu.memref_slice %arg36[%rem3A_162, %dma_wait3A_183] : memref<2x3x!tpu.dma_semaphore, #tpu.memory_space<semaphore_mem>> -> memref<1x1x!tpu.dma_semaphore, #tpu.memory_space<semaphore_mem>>
      %dma_wait3A_185 = tpu.memref_squeeze %dma_wait3A_184 : memref<1x1x!tpu.dma_semaphore, #tpu.memory_space<semaphore_mem>> -> memref<!tpu.dma_semaphore, #tpu.memory_space<semaphore_mem>>
      %dma_wait3A_186 = arith.constant 0 : i32
      %dma_wait3A_187 = arith.constant 0 : i32
      %dma_wait3A_188 = tpu.memref_slice %arg31[%rem3A_162, %dma_wait3A_186, %dma_wait3A_187] : memref<2x1x512xi32, #tpu.memory_space<vmem>> -> memref<1x1x512xi32, #tpu.memory_space<vmem>>
      %dma_wait3A_189 = tpu.memref_squeeze %dma_wait3A_188 : memref<1x1x512xi32, #tpu.memory_space<vmem>> -> memref<1x512xi32, #tpu.memory_space<vmem>>
      %dma_wait3A_190 = arith.constant 0 : i32
      %dma_wait3A_191 = arith.constant 0 : i32
      %dma_wait3A_192 = tpu.memref_slice %arg3[%dma_wait3A_182, %dma_wait3A_190, %dma_wait3A_191] : memref<640x1x512xi32, #tpu.memory_space<any>> -> memref<1x1x512xi32, #tpu.memory_space<any>>
      %dma_wait3A_193 = tpu.memref_squeeze %dma_wait3A_192 : memref<1x1x512xi32, #tpu.memory_space<any>> -> memref<1x512xi32, #tpu.memory_space<any>>
      tpu.wait_dma2 semaphore(%dma_wait3A_185 : memref<!tpu.dma_semaphore, #tpu.memory_space<semaphore_mem>>) src(%dma_wait3A_193 : memref<1x512xi32, #tpu.memory_space<any>>) dst(%dma_wait3A_189 : memref<1x512xi32, #tpu.memory_space<vmem>>)
      %rem3A_194 = arith.constant 2 : i32
      %rem3A_195 = arith.remsi %while3A_156, %rem3A_194 : i32
      %get3A_196 = arith.index_cast %while3A_156 : i32 to index
      %get3A_197 = memref.load %arg35[%get3A_196] : memref<640xi32, #tpu.memory_space<smem>>
      %iota3A = tpu.iota {dimensions = array<i32: 0>} : vector<512x1xi32>
      %lt3A_198 = vector.broadcast %get3A_197 : i32 to vector<512x1xi32>
      %lt3A_199 = arith.cmpi slt, %iota3A, %lt3A_198 : vector<512x1xi32>
      %get3A_200 = arith.index_cast %rem3A_195 : i32 to index
      %get3A_201 = arith.constant 0 : index
      %get3A_202 = arith.constant 0 : index
      %get3A_203 = vector.load %arg29[%get3A_200, %get3A_201, %get3A_202] : memref<2x512x256xf32, #tpu.memory_space<vmem>>, vector<1x512x256xf32>
      %get3A_204 = vector.shape_cast %get3A_203 : vector<1x512x256xf32> to vector<512x256xf32>
      %get3A_205 = arith.index_cast %rem3A_195 : i32 to index
      %get3A_206 = arith.constant 0 : index
      %get3A_207 = arith.constant 0 : index
      %get3A_208 = vector.load %arg30[%get3A_205, %get3A_206, %get3A_207] : memref<2x512x256xf32, #tpu.memory_space<vmem>>, vector<1x512x256xf32>
      %get3A_209 = vector.shape_cast %get3A_208 : vector<1x512x256xf32> to vector<512x256xf32>
      %add3A_210 = arith.addf %get3A_204, %get3A_209 : vector<512x256xf32>
      %max3A_211 = arith.constant 0.000000e+00 : f32
      %max3A_212 = vector.broadcast %max3A_211 : f32 to vector<512x256xf32>
      %max3A_213 = arith.maximumf %add3A_210, %max3A_212 : vector<512x256xf32>
      %jit3A = arith.constant 0.000000e+00 : f32
      %broadcast_in_dim3A_214 = vector.shape_cast %lt3A_199 : vector<512x1xi1> to vector<512x1xi1>
      %broadcast_in_dim3A_215 = vector.broadcast %broadcast_in_dim3A_214 : vector<512x1xi1> to vector<512x256xi1>
      %broadcast_in_dim3A_216 = vector.broadcast %jit3A : f32 to vector<512x256xf32>
      %select_n3A = arith.select %broadcast_in_dim3A_215, %max3A_213, %broadcast_in_dim3A_216 : vector<512x256xi1>, vector<512x256xf32>
      %get3A_217 = arith.constant 0 : index
      %get3A_218 = arith.constant 0 : index
      %get3A_219 = vector.load %arg6[%get3A_217, %get3A_218] : memref<256x256xf32, #tpu.memory_space<vmem>>, vector<256x256xf32>
      %dot_general3A_220 = arith.constant dense<0.000000e+00> : vector<512x256xf32>
      %dot_general3A_221 = tpu.matmul %select_n3A, %get3A_219, %dot_general3A_220 {dimension_numbers = #tpu.dot_dimension_numbers<[1], [0], [0], [1], [0, 0, 1, 1], [], []>, transpose_lhs_hint = false} : vector<512x256xf32>, vector<256x256xf32>, vector<512x256xf32> -> vector<512x256xf32>
      %get3A_222 = arith.constant 0 : index
      %get3A_223 = arith.constant 0 : index
      %get3A_224 = vector.load %arg7[%get3A_222, %get3A_223] : memref<1x256xf32, #tpu.memory_space<vmem>>, vector<1x256xf32>
      %add3A_225 = vector.broadcast %get3A_224 : vector<1x256xf32> to vector<512x256xf32>
      %add3A_226 = arith.addf %dot_general3A_221, %add3A_225 : vector<512x256xf32>
      %max3A_227 = arith.constant 0.000000e+00 : f32
      %max3A_228 = vector.broadcast %max3A_227 : f32 to vector<512x256xf32>
      %max3A_229 = arith.maximumf %add3A_226, %max3A_228 : vector<512x256xf32>
      %get3A_230 = arith.constant 0 : index
      %get3A_231 = arith.constant 0 : index
      %get3A_232 = vector.load %arg8[%get3A_230, %get3A_231] : memref<256x128xf32, #tpu.memory_space<vmem>>, vector<256x128xf32>
      %dot_general3A_233 = arith.constant dense<0.000000e+00> : vector<512x128xf32>
      %dot_general3A_234 = tpu.matmul %max3A_229, %get3A_232, %dot_general3A_233 {dimension_numbers = #tpu.dot_dimension_numbers<[1], [0], [0], [1], [0, 0, 1, 1], [], []>, transpose_lhs_hint = false} : vector<512x256xf32>, vector<256x128xf32>, vector<512x128xf32> -> vector<512x128xf32>
      %get3A_235 = arith.constant 0 : index
      %get3A_236 = arith.constant 0 : index
      %get3A_237 = vector.load %arg9[%get3A_235, %get3A_236] : memref<1x128xf32, #tpu.memory_space<vmem>>, vector<1x128xf32>
      %add3A_238 = vector.broadcast %get3A_237 : vector<1x128xf32> to vector<512x128xf32>
      %add3A_239 = arith.addf %dot_general3A_234, %add3A_238 : vector<512x128xf32>
      %iota3A_240 = tpu.iota {dimensions = array<i32: 1>} : vector<1x512xi32>
      %lt3A_241 = vector.broadcast %get3A_197 : i32 to vector<1x512xi32>
      %lt3A_242 = arith.cmpi slt, %iota3A_240, %lt3A_241 : vector<1x512xi32>
      %get3A_243 = arith.index_cast %rem3A_195 : i32 to index
      %get3A_244 = arith.constant 0 : index
      %get3A_245 = arith.constant 0 : index
      %get3A_246 = vector.load %arg31[%get3A_243, %get3A_244, %get3A_245] : memref<2x1x512xi32, #tpu.memory_space<vmem>>, vector<1x1x512xi32>
      %get3A_247 = vector.shape_cast %get3A_246 : vector<1x1x512xi32> to vector<1x512xi32>
      %jit3A_248 = arith.constant 1000 : i32
      %broadcast_in_dim3A_249 = vector.broadcast %jit3A_248 : i32 to vector<1x512xi32>
      %select_n3A_250 = arith.select %lt3A_242, %get3A_247, %broadcast_in_dim3A_249 : vector<1x512xi1>, vector<1x512xi32>
      %iota3A_251 = tpu.iota {dimensions = array<i32: 0>} : vector<1000x512xi32>
      %eq3A = vector.broadcast %select_n3A_250 : vector<1x512xi32> to vector<1000x512xi32>
      %eq3A_252 = arith.cmpi eq, %iota3A_251, %eq3A : vector<1000x512xi32>
      %convert_element_type3A_253 = arith.extui %eq3A_252 : vector<1000x512xi1> to vector<1000x512xi32>
      %convert_element_type3A_254 = arith.sitofp %convert_element_type3A_253 : vector<1000x512xi32> to vector<1000x512xf32>
      %convert_element_type3A_255 = arith.truncf %add3A_239 : vector<512x128xf32> to vector<512x128xbf16>
      %convert_element_type3A_256 = arith.extf %convert_element_type3A_255 : vector<512x128xbf16> to vector<512x128xf32>
      %sub3A = arith.subf %add3A_239, %convert_element_type3A_256 : vector<512x128xf32>
      %get3A_257 = arith.constant 0 : index
      %get3A_258 = arith.constant 0 : index
      %get3A_259 = vector.load %arg32[%get3A_257, %get3A_258] : memref<1000x128xf32, #tpu.memory_space<vmem>>, vector<1000x128xf32>
      %dot_general3A_260 = arith.constant dense<0.000000e+00> : vector<1000x128xf32>
      %dot_general3A_261 = tpu.matmul %convert_element_type3A_254, %convert_element_type3A_256, %dot_general3A_260 {dimension_numbers = #tpu.dot_dimension_numbers<[1], [0], [0], [1], [0, 0, 1, 1], [], []>, transpose_lhs_hint = false} : vector<1000x512xf32>, vector<512x128xf32>, vector<1000x128xf32> -> vector<1000x128xf32>
      %add3A_262 = arith.addf %get3A_259, %dot_general3A_261 : vector<1000x128xf32>
      %dot_general3A_263 = arith.constant dense<0.000000e+00> : vector<1000x128xf32>
      %dot_general3A_264 = tpu.matmul %convert_element_type3A_254, %sub3A, %dot_general3A_263 {dimension_numbers = #tpu.dot_dimension_numbers<[1], [0], [0], [1], [0, 0, 1, 1], [], []>, transpose_lhs_hint = false} : vector<1000x512xf32>, vector<512x128xf32>, vector<1000x128xf32> -> vector<1000x128xf32>
      %add3A_265 = arith.addf %add3A_262, %dot_general3A_264 : vector<1000x128xf32>
      %swap3A_266 = arith.constant 0 : index
      %swap3A_267 = arith.constant 0 : index
      %swap3A_268 = vector.load %arg32[%swap3A_266, %swap3A_267] : memref<1000x128xf32, #tpu.memory_space<vmem>>, vector<1000x128xf32>
      tpu.vector_store %arg32[%swap3A_266, %swap3A_267], %add3A_265 {strides = array<i32>} : memref<1000x128xf32, #tpu.memory_space<vmem>>, vector<1000x128xf32>,
    }
    %get3A = arith.constant 0 : index
    %get3A_20 = arith.constant 0 : index
    %get3A_21 = vector.load %arg32[%get3A, %get3A_20] : memref<1000x128xf32, #tpu.memory_space<vmem>>, vector<1000x128xf32>
    %get3A_22 = arith.constant 0 : index
    %get3A_23 = arith.constant 0 : index
    %get3A_24 = vector.load %arg10[%get3A_22, %get3A_23] : memref<128x128xf32, #tpu.memory_space<vmem>>, vector<128x128xf32>
    %dot_general3A = arith.constant dense<0.000000e+00> : vector<1000x128xf32>
    %dot_general3A_25 = tpu.matmul %get3A_21, %get3A_24, %dot_general3A {dimension_numbers = #tpu.dot_dimension_numbers<[1], [0], [0], [1], [0, 0, 1, 1], [], []>, transpose_lhs_hint = false} : vector<1000x128xf32>, vector<128x128xf32>, vector<1000x128xf32> -> vector<1000x128xf32>
    %get3A_26 = arith.constant 0 : index
    %get3A_27 = arith.constant 0 : index
    %get3A_28 = vector.load %arg11[%get3A_26, %get3A_27] : memref<1x128xf32, #tpu.memory_space<vmem>>, vector<1x128xf32>
    %add3A = vector.broadcast %get3A_28 : vector<1x128xf32> to vector<1000x128xf32>
    %add3A_29 = arith.addf %dot_general3A_25, %add3A : vector<1000x128xf32>
    %max3A = arith.constant 0.000000e+00 : f32
    %max3A_30 = vector.broadcast %max3A : f32 to vector<1000x128xf32>
    %max3A_31 = arith.maximumf %add3A_29, %max3A_30 : vector<1000x128xf32>
    %get3A_32 = arith.constant 0 : index
    %get3A_33 = arith.constant 0 : index
    %get3A_34 = vector.load %arg12[%get3A_32, %get3A_33] : memref<128x128xf32, #tpu.memory_space<vmem>>, vector<128x128xf32>
    %dot_general3A_35 = arith.constant dense<0.000000e+00> : vector<1000x128xf32>
    %dot_general3A_36 = tpu.matmul %max3A_31, %get3A_34, %dot_general3A_35 {dimension_numbers = #tpu.dot_dimension_numbers<[1], [0], [0], [1], [0, 0, 1, 1], [], []>, transpose_lhs_hint = false} : vector<1000x128xf32>, vector<128x128xf32>, vector<1000x128xf32> -> vector<1000x128xf32>
    %get3A_37 = arith.constant 0 : index
    %get3A_38 = arith.constant 0 : index
    %get3A_39 = vector.load %arg13[%get3A_37, %get3A_38] : memref<1x128xf32, #tpu.memory_space<vmem>>, vector<1x128xf32>
    %add3A_40 = vector.broadcast %get3A_39 : vector<1x128xf32> to vector<1000x128xf32>
    %add3A_41 = arith.addf %dot_general3A_36, %add3A_40 : vector<1000x128xf32>
    %max3A_42 = arith.constant 0.000000e+00 : f32
    %max3A_43 = vector.broadcast %max3A_42 : f32 to vector<1000x128xf32>
    %max3A_44 = arith.maximumf %add3A_41, %max3A_43 : vector<1000x128xf32>
    %get3A_45 = arith.constant 0 : index
    %get3A_46 = arith.constant 0 : index
    %get3A_47 = vector.load %arg4[%get3A_45, %get3A_46] : memref<1000x128xf32, #tpu.memory_space<vmem>>, vector<1000x128xf32>
    %get3A_48 = arith.constant 0 : index
    %get3A_49 = arith.constant 0 : index
    %get3A_50 = vector.load %arg14[%get3A_48, %get3A_49] : memref<256x256xf32, #tpu.memory_space<vmem>>, vector<128x256xf32>
    %dot_general3A_51 = arith.constant dense<0.000000e+00> : vector<1000x256xf32>
    %dot_general3A_52 = tpu.matmul %get3A_47, %get3A_50, %dot_general3A_51 {dimension_numbers = #tpu.dot_dimension_numbers<[1], [0], [0], [1], [0, 0, 1, 1], [], []>, transpose_lhs_hint = false} : vector<1000x128xf32>, vector<128x256xf32>, vector<1000x256xf32> -> vector<1000x256xf32>
    %get3A_53 = arith.constant 128 : index
    %get3A_54 = arith.constant 0 : index
    %get3A_55 = vector.load %arg14[%get3A_53, %get3A_54] : memref<256x256xf32, #tpu.memory_space<vmem>>, vector<128x256xf32>
    %dot_general3A_56 = arith.constant dense<0.000000e+00> : vector<1000x256xf32>
    %dot_general3A_57 = tpu.matmul %max3A_44, %get3A_55, %dot_general3A_56 {dimension_numbers = #tpu.dot_dimension_numbers<[1], [0], [0], [1], [0, 0, 1, 1], [], []>, transpose_lhs_hint = false} : vector<1000x128xf32>, vector<128x256xf32>, vector<1000x256xf32> -> vector<1000x256xf32>
    %add3A_58 = arith.addf %dot_general3A_52, %dot_general3A_57 : vector<1000x256xf32>
    %get3A_59 = arith.constant 0 : index
    %get3A_60 = arith.constant 0 : index
    %get3A_61 = vector.load %arg15[%get3A_59, %get3A_60] : memref<1x256xf32, #tpu.memory_space<vmem>>, vector<1x256xf32>
    %add3A_62 = vector.broadcast %get3A_61 : vector<1x256xf32> to vector<1000x256xf32>
    %add3A_63 = arith.addf %add3A_58, %add3A_62 : vector<1000x256xf32>
    %max3A_64 = arith.constant 0.000000e+00 : f32
    %max3A_65 = vector.broadcast %max3A_64 : f32 to vector<1000x256xf32>
    %max3A_66 = arith.maximumf %add3A_63, %max3A_65 : vector<1000x256xf32>
    %get3A_67 = arith.constant 0 : index
    %get3A_68 = arith.constant 0 : index
    %get3A_69 = vector.load %arg16[%get3A_67, %get3A_68] : memref<256x256xf32, #tpu.memory_space<vmem>>, vector<256x256xf32>
    %dot_general3A_70 = arith.constant dense<0.000000e+00> : vector<1000x256xf32>
    %dot_general3A_71 = tpu.matmul %max3A_66, %get3A_69, %dot_general3A_70 {dimension_numbers = #tpu.dot_dimension_numbers<[1], [0], [0], [1], [0, 0, 1, 1], [], []>, transpose_lhs_hint = false} : vector<1000x256xf32>, vector<256x256xf32>, vector<1000x256xf32> -> vector<1000x256xf32>
    %get3A_72 = arith.constant 0 : index
    %get3A_73 = arith.constant 0 : index
    %get3A_74 = vector.load %arg17[%get3A_72, %get3A_73] : memref<1x256xf32, #tpu.memory_space<vmem>>, vector<1x256xf32>
    %add3A_75 = vector.broadcast %get3A_74 : vector<1x256xf32> to vector<1000x256xf32>
    %add3A_76 = arith.addf %dot_general3A_71, %add3A_75 : vector<1000x256xf32>
    %max3A_77 = arith.constant 0.000000e+00 : f32
    %max3A_78 = vector.broadcast %max3A_77 : f32 to vector<1000x256xf32>
    %max3A_79 = arith.maximumf %add3A_76, %max3A_78 : vector<1000x256xf32>
    %get3A_80 = arith.constant 0 : index
    %get3A_81 = arith.constant 0 : index
    %get3A_82 = vector.load %arg18[%get3A_80, %get3A_81] : memref<256x128xf32, #tpu.memory_space<vmem>>, vector<256x128xf32>
    %dot_general3A_83 = arith.constant dense<0.000000e+00> : vector<1000x128xf32>
    %dot_general3A_84 = tpu.matmul %max3A_79, %get3A_82, %dot_general3A_83 {dimension_numbers = #tpu.dot_dimension_numbers<[1], [0], [0], [1], [0, 0, 1, 1], [], []>, transpose_lhs_hint = false} : vector<1000x256xf32>, vector<256x128xf32>, vector<1000x128xf32> -> vector<1000x128xf32>
    %get3A_85 = arith.constant 0 : index
    %get3A_86 = arith.constant 0 : index
    %get3A_87 = vector.load %arg19[%get3A_85, %get3A_86] : memref<1x128xf32, #tpu.memory_space<vmem>>, vector<1x128xf32>
    %add3A_88 = vector.broadcast %get3A_87 : vector<1x128xf32> to vector<1000x128xf32>
    %add3A_89 = arith.addf %dot_general3A_84, %add3A_88 : vector<1000x128xf32>
    %get3A_90 = arith.constant 0 : index
    %get3A_91 = arith.constant 0 : index
    %get3A_92 = vector.load %arg5[%get3A_90, %get3A_91] : memref<1000x8xf32, #tpu.memory_space<vmem>>, vector<1000x8xf32>
    %get3A_93 = arith.constant 0 : index
    %get3A_94 = arith.constant 0 : index
    %get3A_95 = vector.load %arg20[%get3A_93, %get3A_94] : memref<8x128xf32, #tpu.memory_space<vmem>>, vector<8x128xf32>
    %dot_general3A_96 = arith.constant dense<0.000000e+00> : vector<1000x128xf32>
    %dot_general3A_97 = tpu.matmul %get3A_92, %get3A_95, %dot_general3A_96 {dimension_numbers = #tpu.dot_dimension_numbers<[1], [0], [0], [1], [0, 0, 1, 1], [], []>, transpose_lhs_hint = false} : vector<1000x8xf32>, vector<8x128xf32>, vector<1000x128xf32> -> vector<1000x128xf32>
    %get3A_98 = arith.constant 0 : index
    %get3A_99 = arith.constant 0 : index
    %get3A_100 = vector.load %arg21[%get3A_98, %get3A_99] : memref<1x128xf32, #tpu.memory_space<vmem>>, vector<1x128xf32>
    %add3A_101 = vector.broadcast %get3A_100 : vector<1x128xf32> to vector<1000x128xf32>
    %add3A_102 = arith.addf %dot_general3A_97, %add3A_101 : vector<1000x128xf32>
    %max3A_103 = arith.constant 0.000000e+00 : f32
    %max3A_104 = vector.broadcast %max3A_103 : f32 to vector<1000x128xf32>
    %max3A_105 = arith.maximumf %add3A_102, %max3A_104 : vector<1000x128xf32>
    %get3A_106 = arith.constant 0 : index
    %get3A_107 = arith.constant 0 : index
    %get3A_108 = vector.load %arg22[%get3A_106, %get3A_107] : memref<256x256xf32, #tpu.memory_space<vmem>>, vector<128x256xf32>
    %dot_general3A_109 = arith.constant dense<0.000000e+00> : vector<1000x256xf32>
    %dot_general3A_110 = tpu.matmul %add3A_89, %get3A_108, %dot_general3A_109 {dimension_numbers = #tpu.dot_dimension_numbers<[1], [0], [0], [1], [0, 0, 1, 1], [], []>, transpose_lhs_hint = false} : vector<1000x128xf32>, vector<128x256xf32>, vector<1000x256xf32> -> vector<1000x256xf32>
    %get3A_111 = arith.constant 128 : index
    %get3A_112 = arith.constant 0 : index
    %get3A_113 = vector.load %arg22[%get3A_111, %get3A_112] : memref<256x256xf32, #tpu.memory_space<vmem>>, vector<128x256xf32>
    %dot_general3A_114 = arith.constant dense<0.000000e+00> : vector<1000x256xf32>
    %dot_general3A_115 = tpu.matmul %max3A_105, %get3A_113, %dot_general3A_114 {dimension_numbers = #tpu.dot_dimension_numbers<[1], [0], [0], [1], [0, 0, 1, 1], [], []>, transpose_lhs_hint = false} : vector<1000x128xf32>, vector<128x256xf32>, vector<1000x256xf32> -> vector<1000x256xf32>
    %add3A_116 = arith.addf %dot_general3A_110, %dot_general3A_115 : vector<1000x256xf32>
    %get3A_117 = arith.constant 0 : index
    %get3A_118 = arith.constant 0 : index
    %get3A_119 = vector.load %arg23[%get3A_117, %get3A_118] : memref<1x256xf32, #tpu.memory_space<vmem>>, vector<1x256xf32>
    %add3A_120 = vector.broadcast %get3A_119 : vector<1x256xf32> to vector<1000x256xf32>
    %add3A_121 = arith.addf %add3A_116, %add3A_120 : vector<1000x256xf32>
    %max3A_122 = arith.constant 0.000000e+00 : f32
    %max3A_123 = vector.broadcast %max3A_122 : f32 to vector<1000x256xf32>
    %max3A_124 = arith.maximumf %add3A_121, %max3A_123 : vector<1000x256xf32>
    %get3A_125 = arith.constant 0 : index
    %get3A_126 = arith.constant 0 : index
    %get3A_127 = vector.load %arg24[%get3A_125, %get3A_126] : memref<256x256xf32, #tpu.memory_space<vmem>>, vector<256x256xf32>
    %dot_general3A_128 = arith.constant dense<0.000000e+00> : vector<1000x256xf32>
    %dot_general3A_129 = tpu.matmul %max3A_124, %get3A_127, %dot_general3A_128 {dimension_numbers = #tpu.dot_dimension_numbers<[1], [0], [0], [1], [0, 0, 1, 1], [], []>, transpose_lhs_hint = false} : vector<1000x256xf32>, vector<256x256xf32>, vector<1000x256xf32> -> vector<1000x256xf32>
    %get3A_130 = arith.constant 0 : index
    %get3A_131 = arith.constant 0 : index
    %get3A_132 = vector.load %arg25[%get3A_130, %get3A_131] : memref<1x256xf32, #tpu.memory_space<vmem>>, vector<1x256xf32>
    %add3A_133 = vector.broadcast %get3A_132 : vector<1x256xf32> to vector<1000x256xf32>
    %add3A_134 = arith.addf %dot_general3A_129, %add3A_133 : vector<1000x256xf32>
    %max3A_135 = arith.constant 0.000000e+00 : f32
    %max3A_136 = vector.broadcast %max3A_135 : f32 to vector<1000x256xf32>
    %max3A_137 = arith.maximumf %add3A_134, %max3A_136 : vector<1000x256xf32>
    %convert_element_type3A_138 = arith.truncf %max3A_137 : vector<1000x256xf32> to vector<1000x256xbf16>
    %convert_element_type3A_139 = arith.extf %convert_element_type3A_138 : vector<1000x256xbf16> to vector<1000x256xf32>
    %get3A_140 = arith.constant 0 : index
    %get3A_141 = arith.constant 0 : index
    %get3A_142 = vector.load %arg26[%get3A_140, %get3A_141] : memref<1x256xf32, #tpu.memory_space<vmem>>, vector<1x256xf32>
    %convert_element_type3A_143 = arith.truncf %get3A_142 : vector<1x256xf32> to vector<1x256xbf16>
    %convert_element_type3A_144 = arith.extf %convert_element_type3A_143 : vector<1x256xbf16> to vector<1x256xf32>
    %mul3A = vector.broadcast %convert_element_type3A_144 : vector<1x256xf32> to vector<1000x256xf32>
    %mul3A_145 = arith.mulf %convert_element_type3A_139, %mul3A : vector<1000x256xf32>
    %reduce_sum3A = arith.constant dense<0.000000e+00> : vector<1000xf32>
    %reduce_sum3A_146 = vector.multi_reduction <add>, %mul3A_145, %reduce_sum3A [1] : vector<1000x256xf32> to vector<1000xf32>
    %broadcast_in_dim3A_147 = vector.shape_cast %reduce_sum3A_146 : vector<1000xf32> to vector<1000x1xf32>
    %get3A_148 = arith.constant 0 : index
    %get3A_149 = arith.constant 0 : index
    %get3A_150 = vector.load %arg27[%get3A_148, %get3A_149] : memref<1x1xf32, #tpu.memory_space<vmem>>, vector<1x1xf32>
    %add3A_151 = vector.broadcast %get3A_150 : vector<1x1xf32> to vector<1000x1xf32>
    %add3A_152 = arith.addf %broadcast_in_dim3A_147, %add3A_151 : vector<1000x1xf32>
    %swap3A_153 = arith.constant 0 : index
    %swap3A_154 = arith.constant 0 : index
    %swap3A_155 = vector.load %arg28[%swap3A_153, %swap3A_154] : memref<1000x1xf32, #tpu.memory_space<vmem>>, vector<1000x1xf32>
    tpu.vector_store %arg28[%swap3A_153, %swap3A_154], %add3A_152 {strides = array<i32>} : memref<1000x1xf32, #tpu.memory_space<vmem>>, vector<1000x1xf32>,
    return
  }
}

module attributes {stable_mosaic.version = 14 : i64} {
  func.func @_stage1_body(%arg0: memref<10000x128xf32, #tpu.memory_space<vmem>>, %arg1: memref<256x256xf32, #tpu.memory_space<vmem>>, %arg2: memref<1x256xf32, #tpu.memory_space<vmem>>, %arg3: memref<10000x256xf32, #tpu.memory_space<vmem>>, %arg4: memref<1000x256xf32, #tpu.memory_space<vmem>>) attributes {dimension_semantics = [], scalar_prefetch = 0 : i64, scratch_operands = 0 : i64, tpu.core_type = #tpu.core_type<tc>} {
    %get3A = arith.constant 0 : index
    %get3A_0 = arith.constant 0 : index
    %get3A_1 = vector.load %arg0[%get3A, %get3A_0] : memref<10000x128xf32, #tpu.memory_space<vmem>>, vector<10000x128xf32>
    %get3A_2 = arith.constant 0 : index
    %get3A_3 = arith.constant 0 : index
    %get3A_4 = vector.load %arg1[%get3A_2, %get3A_3] : memref<256x256xf32, #tpu.memory_space<vmem>>, vector<128x256xf32>
    %dot_general3A = arith.constant dense<0.000000e+00> : vector<10000x256xf32>
    %dot_general3A_5 = tpu.matmul %get3A_1, %get3A_4, %dot_general3A {dimension_numbers = #tpu.dot_dimension_numbers<[1], [0], [0], [1], [0, 0, 1, 1], [], []>, transpose_lhs_hint = false} : vector<10000x128xf32>, vector<128x256xf32>, vector<10000x256xf32> -> vector<10000x256xf32>
    %swap3A = arith.constant 0 : index
    %swap3A_6 = arith.constant 0 : index
    %swap3A_7 = vector.load %arg3[%swap3A, %swap3A_6] : memref<10000x256xf32, #tpu.memory_space<vmem>>, vector<10000x256xf32>
    tpu.vector_store %arg3[%swap3A, %swap3A_6], %dot_general3A_5 {strides = array<i32>} : memref<10000x256xf32, #tpu.memory_space<vmem>>, vector<10000x256xf32>,
    %get3A_8 = arith.constant 0 : index
    %get3A_9 = arith.constant 0 : index
    %get3A_10 = vector.load %arg0[%get3A_8, %get3A_9] : memref<10000x128xf32, #tpu.memory_space<vmem>>, vector<1000x128xf32>
    %get3A_11 = arith.constant 128 : index
    %get3A_12 = arith.constant 0 : index
    %get3A_13 = vector.load %arg1[%get3A_11, %get3A_12] : memref<256x256xf32, #tpu.memory_space<vmem>>, vector<128x256xf32>
    %dot_general3A_14 = arith.constant dense<0.000000e+00> : vector<1000x256xf32>
    %dot_general3A_15 = tpu.matmul %get3A_10, %get3A_13, %dot_general3A_14 {dimension_numbers = #tpu.dot_dimension_numbers<[1], [0], [0], [1], [0, 0, 1, 1], [], []>, transpose_lhs_hint = false} : vector<1000x128xf32>, vector<128x256xf32>, vector<1000x256xf32> -> vector<1000x256xf32>
    %get3A_16 = arith.constant 0 : index
    %get3A_17 = arith.constant 0 : index
    %get3A_18 = vector.load %arg2[%get3A_16, %get3A_17] : memref<1x256xf32, #tpu.memory_space<vmem>>, vector<1x256xf32>
    %add3A = vector.broadcast %get3A_18 : vector<1x256xf32> to vector<1000x256xf32>
    %add3A_19 = arith.addf %dot_general3A_15, %add3A : vector<1000x256xf32>
    %swap3A_20 = arith.constant 0 : index
    %swap3A_21 = arith.constant 0 : index
    %swap3A_22 = vector.load %arg4[%swap3A_20, %swap3A_21] : memref<1000x256xf32, #tpu.memory_space<vmem>>, vector<1000x256xf32>
    tpu.vector_store %arg4[%swap3A_20, %swap3A_21], %add3A_19 {strides = array<i32>} : memref<1000x256xf32, #tpu.memory_space<vmem>>, vector<1000x256xf32>,
    return
  }
}

</mosaic_0001>

<sc_bundles>
// kernel: kernel.5.cloned.1.call-start
scs
__scs_entry_jumppad:
0x0: {  	(pc) =	sbr.rel $0x88, $3  }
0x1: {  	(tag) =	ssettag $0x0;
	lr =	simm.s32 $0x1  }
0x2: {  	[smem:$0x3F86] =	sst lr;
	_ =	strace $0xD0000000  }
0x3: {  	_ = 	snop  }
0x4: {  	_ = 	snop  }
0x5: {  	_ = 	snop  }
0x6: {  	_ = 	snop  }
0x7: {  	_ = 	snop  }
__scs_overlays_trampoline_lowered:
0x8: {  	[smem:$0x3F95] =	sst s0  }
0x9: {  	[smem:$0x3F96] =	sst s1  }
0xa: {  	[smem:$0x3F97] =	sst s2  }
0xb: {  	[smem:$0x3F98] =	sst s3  }
0xc: {  	[smem:$0x3F99] =	sst s4  }
0xd: {  	[smem:$0x3F9A] =	sst s5  }
0xe: {  	[smem:$0x3F9B] =	sst s6  }
0xf: {  	[smem:$0x3F9C] =	sst s7  }
0x10: {  	[smem:$0x3F9D] =	sst s8  }
0x11: {  	[smem:$0x3F9E] =	sst s9;
	s0 =	simm.s32 @!p0 $0x0  }
0x12: {  	s1 =	sld [smem:$0x3F84];
	s0 =	simm.s32 @p0 $0x1  }
0x13: {  	[smem:$0x3F9F] =	sst s0;
	s0 =	simm.s32 @!p1 $0x0  }
0x14: {  	s2 =	sld [smem:$0x3F83];
	s0 =	simm.s32 @p1 $0x1  }
0x15: {  	[smem:$0x3FA0] =	sst s0;
	s0 =	simm.s32 @!p2 $0x0  }
0x16: {  	s3 =	sld [smem:$0x3FDB];
	s0 =	simm.s32 @p2 $0x1  }
0x17: {  	s4 =	simm.s32 $0x1BF5;
	[smem:$0x3FA2] =	sst s0  }
0x18: {  	s0 =	sld [smem:$0x3F85];
	_ =	swait.ge [sflag:s4], $0x0  }
0x19: {  	s7 =	sld [smem:$0x3F86]  }
0x1a: {  	s8 =	sadd.s32 $0xFFFFE003, lr  }
0x1b: {  	s9 =	sadd.s32 $0xFFFFFEF7, lr;
	s5 =	simm.s32 $0xFFFFFFFF;
	p2 =	slt.u32 s8, $0xFFFFF086  }
0x1c: {  	p1 =	slt.u32 s9, $0xF7A;
	s5 =	simm.s32 @!p2 $0x0  }
0x1d: {  	s5 =	simm.s32 @p1 $0x1;
	p0 =	seq.s32 s7, s2  }
0x1e: {  	s7 =	smul.u32 @!p0 $0xF7A, s2;
	p2 =	seq.s32 @!p0 s5, $0x0  }
0x1f: {  	s9 =	smul.u32 $0xF7A, s1;
	s8 =	simm.s32 @!p0 $0x1BF5;
	p2 =	por !p2, p0  }
0x20: {  	[sflag:s8] =	ssyncset.s32 @!p0 $0xFFFFF086;
	s6 =	sadd.s32 @!p0 s3, s7;
	s7 =	simm.s32 @!p0 $0x108  }
0x21: {  	s3 =	sadd.s32 s3, s9;
	s6 =	sadd.s32 @!p0 $0x88, s6;
	s7 =	simm.s32 @p2 $0x1082  }
0x22: {  	[simem:s7], [sflag:s8] =	dma.local @!p0 [hbm:s6], $0xF7A  }
0x23: {  	s9 =	sor.u32 $0xD0000000, s2;
	s6 =	simm.s32 $0x108;
	_ =	swait.ge @!p0 [sflag:s8], $0x0  }
0x24: {  	s3 =	sadd.s32 $0x88, s3;
	s6 =	simm.s32 @!p1 $0x1082;
	[sflag:s4] =	ssyncset.s32 $0xFFFFF086  }
0x25: {  	[simem:s6], [sflag:s4] =	dma.local [hbm:s3], $0xF7A  }
0x26: {  	[smem:$0x3F86] =	sst s1;
	(tag) =	ssettag s2;
	_ =	strace s9  }
0x27: {  	s1 =	sld [smem:$0x3F96]  }
0x28: {  	s2 =	sld [smem:$0x3F97]  }
0x29: {  	s4 =	sld [smem:$0x3F99]  }
0x2a: {  	p0 =	seq.s32 s5, $0x0;
	s5 =	sld [smem:$0x3F9A]  }
0x2b: {  	s6 =	sld [smem:$0x3F9B]  }
0x2c: {  	s7 =	sld [smem:$0x3F9C]  }
0x2d: {  	s3 =	simm.s32 $0x108;
	s8 =	sld [smem:$0x3F9D]  }
0x2e: {  	s3 =	simm.s32 @!p0 $0x1082;
	s9 =	sld [smem:$0x3F9E]  }
0x2f: {  	lr =	sadd.s32 s0, s3;
	s0 =	sld [smem:$0x3F95]  }
0x30: {  	s3 =	sld [smem:$0x3F98]  }
0x31: {  	[smem:$0x3FA1] =	sst s10  }
0x32: {  	s10 =	sld [smem:$0x3F9F];
	_ =	sdelay $0x3  }
0x33: {  	p0 =	seq.s32 s10, $0x1;
	s10 =	sld [smem:$0x3FA1];
	_ =	sdelay $0x3  }
0x34: {  	[smem:$0x3FA1] =	sst s10  }
0x35: {  	s10 =	sld [smem:$0x3FA0];
	_ =	sdelay $0x3  }
0x36: {  	p1 =	seq.s32 s10, $0x1;
	s10 =	sld [smem:$0x3FA1];
	_ =	sdelay $0x3  }
0x37: {  	[smem:$0x3FA1] =	sst s10  }
0x38: {  	s10 =	sld [smem:$0x3FA2]  }
0x39: {  	_ = 	snop;
	(pc) =	sbr.ind lr, $3  }
0x3a: {  	_ = 	snop  }
0x3b: {  	_ = 	snop  }
0x3c: {  	p2 =	seq.s32 s10, $0x1;
	s10 =	sld [smem:$0x3FA1]  }
0x3d: {  	_ =	shalt  }
0x3e: {  	_ =	shalt  }
0x3f: {  	_ =	shalt  }
0x40: {  	_ =	shalt  }
0x41: {  	_ =	shalt  }
0x42: {  	_ =	shalt  }
0x43: {  	_ =	shalt  }
0x44: {  	_ =	shalt  }
0x45: {  	_ =	shalt  }
0x46: {  	_ =	shalt  }
0x47: {  	_ =	shalt  }
0x48: {  	_ =	shalt  }
0x49: {  	_ =	shalt  }
0x4a: {  	_ =	shalt  }
0x4b: {  	_ =	shalt  }
0x4c: {  	_ =	shalt  }
0x4d: {  	_ =	shalt  }
0x4e: {  	_ =	shalt  }
0x4f: {  	_ =	shalt  }
0x50: {  	_ =	shalt  }
0x51: {  	_ =	shalt  }
0x52: {  	_ =	shalt  }
0x53: {  	_ =	shalt  }
0x54: {  	_ =	shalt  }
0x55: {  	_ =	shalt  }
0x56: {  	_ =	shalt  }
0x57: {  	_ =	shalt  }
0x58: {  	_ =	shalt  }
0x59: {  	_ =	shalt  }
0x5a: {  	_ =	shalt  }
0x5b: {  	_ =	shalt  }
0x5c: {  	_ =	shalt  }
0x5d: {  	_ =	shalt  }
0x5e: {  	_ =	shalt  }
0x5f: {  	_ =	shalt  }
0x60: {  	_ =	shalt  }
0x61: {  	_ =	shalt  }
0x62: {  	_ =	shalt  }
0x63: {  	_ =	shalt  }
0x64: {  	_ =	shalt  }
0x65: {  	_ =	shalt  }
0x66: {  	_ =	shalt  }
0x67: {  	_ =	shalt  }
0x68: {  	_ =	shalt  }
0x69: {  	_ =	shalt  }
0x6a: {  	_ =	shalt  }
0x6b: {  	_ =	shalt  }
0x6c: {  	_ =	shalt  }
0x6d: {  	_ =	shalt  }
0x6e: {  	_ =	shalt  }
0x6f: {  	_ =	shalt  }
0x70: {  	_ =	shalt  }
0x71: {  	_ =	shalt  }
0x72: {  	_ =	shalt  }
0x73: {  	_ =	shalt  }
0x74: {  	_ =	shalt  }
0x75: {  	_ =	shalt  }
0x76: {  	_ =	shalt  }
0x77: {  	_ =	shalt  }
0x78: {  	_ =	shalt  }
0x79: {  	_ =	shalt  }
0x7a: {  	_ =	shalt  }
0x7b: {  	_ =	shalt  }
0x7c: {  	_ =	shalt  }
0x7d: {  	_ =	shalt  }
0x7e: {  	_ =	shalt  }
0x7f: {  	_ =	shalt  }
0x80: {  	_ =	shalt  }
0x81: {  	_ =	shalt  }
0x82: {  	_ =	shalt  }
0x83: {  	_ =	shalt  }
0x84: {  	_ =	shalt  }
0x85: {  	_ =	shalt  }
0x86: {  	_ =	shalt  }
0x87: {  	_ =	shalt  }
.Lfunc_end0:
.L_simem_size_0:
called_computation_lowered:
.L_overlay_start_0:
0x88: {  	s2 =	sld [smem:$0x3FD9]  }
0x89: {  	s3 =	sld [smem:$0x3FFE];
	_ =	sdelay $0x1  }
0x8a: {  	s1 =	srdreg.scid  }
0x8b: {  	s0 =	sand.u32 $0x1, s1  }
0x8c: {  	s16 =	sshll.u32 s0, $0xA;
	s2 =	sadd.s32 s3, s2  }
0x8d: {  	s2 =	sadd.s32 s2, s16  }
0x8e: {  	[smem:$0x3FAD] =	sst s2  }
0x8f: {  	_ = 	snop  }
0x90: {  	(tm) =	ssettm $0x1  }
0x91: {  	s17 =	sld [smem:$0x3FFB];
	_ =	sdelay $0x3  }
0x92: {  	_ =	strace s17  }
0x93: {  	s2 =	sld [smem:$0x3FFC];
	_ =	sdelay $0x3  }
0x94: {  	_ =	strace s2  }
0x95: {  	s2 =	sld [smem:$0x3FFD];
	_ =	sdelay $0x3  }
0x96: {  	_ =	strace s2  }
0x97: {  	_ =	strace $0x8FFFFFFF  }
0x98: {  	s18 =	sld [smem:$0x3FDB];
	_ =	sdelay $0x1  }
0x99: {  	s19 =	simm.s32 $_scs_section_size  }
0x9a: {  	s4 =	simm.s32 $_size__tile_overlayer_lowered;
	s5 =	simm.s32 $_tile_overlayer_lowered  }
0x9b: {  	s22 =	simm.s32 $0x1BFF;
	s21 =	sshll.u32 s5, $0x1;
	s2 =	sadd.s32 s19, s18  }
0x9c: {  	s6 =	simm.s32 $0x0;
	s20 =	sshll.u32 s4, $0x1;
	s4 =	sadd.s32 s21, s2  }
0x9d: {  	[timem:s6], [sflag:s22] =	dma.local [hbm:s4], s20  }
0x9e: {  	_ =	swait.ge [sflag:s22], s20  }
0x9f: {  	s3 =	ssub.s32 $0x0, s20;
	[sflag:s22] =	ssyncset.done $0x0  }
0xa0: {  	[sflag:s22] =	ssyncadd.s32 s3;
	_ =	sdelay $0x1  }
0xa1: {  	s23 =	simm.s32 $0x1B8B  }
0xa2: {  	_ =	swait.ge [sflag:s23], $0x1  }
0xa3: {  	[sflag:s23] =	ssyncset.done $0x0  }
0xa4: {  	s25 =	simm.s32 $0x1B8E;
	s24 =	sld [smem:$0x3FFE];
	[sflag:s23] =	ssyncadd.s32 $0xFFFFFFFF  }
0xa5: {  	s26 =	simm.s32 $execute0_lowered;
	[smem:$0x3FD2] =	sst s25  }
0xa6: {  	s4 =	sshll.u32 s26, $0x1;
	_ =	strace $0x80000046;
	[dreg:$0x1] =	wrdreg $0xFFFFFFFF  }
0xa7: {  	s28 =	simm.s32 $_size_execute0_lowered;
	s2 =	sadd.s32 s2, s4;
	[dreg:$0x0] =	wrdreg $0x0  }
0xa8: {  	s4 =	sshll.u32 s28, $0x1;
	[dreg:$0x2] =	wrdreg s2  }
0xa9: {  	[dreg:$0x3] =	wrdreg s4  }
0xaa: {  	[dreg:$0x4] =	wrdreg $0xC0  }
0xab: {  	_ =	task [dreg:s6], $0x5FFFF  }
0xac: {  	[dreg:$0x1] =	wrdreg $0xFFFFFFFF  }
0xad: {  	[dreg:$0x0] =	wrdreg $0x60  }
0xae: {  	[dreg:$0x2] =	wrdreg s24  }
0xaf: {  	[dreg:$0x3] =	wrdreg $0x9  }
0xb0: {  	_ =	task.clear_ibuf [dreg:s6], $0x4FFFF;
	_ =	strace $0x90000046  }
0xb1: {  	s29 =	simm.s32 $0x9;
	_ =	strace $0x80000048  }
0xb2: {  	_ =	swait.ge [sflag:s29], $0x1  }
0xb3: {  	[sflag:s29] =	ssyncadd.s32 $0xFFFFFFFF  }
0xb4: {  	_ =	strace $0x90000048  }
0xb5: {  	_ =	sfence  }
0xb6: {  	s30 =	sld [smem:$0x0];
	_ =	sdelay $0x2  }
0xb7: {  	s31 =	sshll.u32 s1, $0xD;
	s1 =	sshrl.u32 s1, $0x2  }
0xb8: {  	s3 =	sand.u32 $0x4000, s31;
	s1 =	sadd.s32 s1, s30  }
0xb9: {  	s0 =	sor.u32 s3, s0;
	s1 =	sshll.u32 s1, $0x11  }
0xba: {  	s0 =	sor.u32 s1, s0  }
0xbb: {  	s0 =	sadd.s32 $0x8F2B, s0  }
0xbc: {  	[sflag:s0] =	ssyncadd.remote.s32 $0x1  }
0xbd: {  	_ =	sfence.sel $0xFFFF  }
0xbe: {  	[dreg:$0x0] =	wrdreg $0xFFFFFFFF;
	(pc) =	sbr.abs _section_cstart, $3  }
0xbf: {  	[dreg:$0x1] =	wrdreg $0xFFFFFFFF  }
0xc0: {  	_ =	task.clear_ibuf [dreg:s6], $0x2FFFF;
	_ =	strace $0x9FFFFFFF  }
0xc1: {  	(tm) =	ssettm $0x7FFFFFFF  }
tec
execute0_lowered:
.L_overlay_start_1:
0x0: {  	(tag) =	ssettag $0x1  }
0x1: {  	s0 =	srdreg.scid;
	s13 =	stileid.u32  }
0x2: {  	s8 =	rddreg [dreg:$0x0];
	s2 =	simm.s32 $0x0;
	s14 =	simm.s32 $0x5  }
0x3: {  	s18 =	simm.s32 $0x4F00;
	s19 =	simm.s32 $0x7700;
	s21 =	simm.s32 $0x1  }
0x4: {  	s22 =	simm.s32 $0x9F00;
	s23 =	simm.s32 $0xDF00;
	s0 =	sand.u32 $0x1, s0  }
0x5: {  	s1 =	sshll.u32 s13, $0x1;
	[smem:$0x7FF] =	sst s2;
	s12 =	smul.u32 $0x5000, s13  }
0x6: {  	s4 =	sadd.s32 $0x65C00, s8;
	s5 =	sadd.s32 $0x77C00, s8;
	s13 =	smul.u32 $0xA0000, s13  }
0x7: {  	s6 =	sadd.s32 $0xA77C00, s8;
	s7 =	sadd.s32 $0x6DA00, s8;
	s25 =	smul.u32 $0x50000, s0  }
0x8: {  	s1 =	sor.u32 s0, s1;
	s10 =	ssub.s32 $0x2, s0;
	s0 =	smul.u32 $0x2800, s0  }
0x9: {  	_ =	strace $0x80000047;
	s3 =	smul.u32 $0x2710, s1;
	s1 =	sshll.u32 s1, $0x4  }
0xa: {  	s11 =	sshrl.u32 s10, $0x1;
	s26 =	sadd.s32 s13, s5;
	s29 =	sadd.s32 s13, s6  }
0xb: {  	s1 =	sadd.s32 s1, s8;
	s10 =	ssub.s32 s10, s11;
	s11 =	sadd.s32 $0x6DA08, s8  }
0xc: {  	s13 =	sadd.s32 s0, s12;
	s31 =	sadd.s32 s25, s29;
	s12 =	simm.s32 $0x0  }
0xd: {  	s3 =	sshrl.u32 s3, $0x3;
	s1 =	sadd.s32 $0x77A00, s1;
	s28 =	smax.u32 s10, $0x1  }
0xe: {  	s0 =	sadd.s32 $0x800, s31;
	s10 =	simm.s32 $0x4;
	[dreg:$0x4] =	wrdreg s1  }
.Ltmp0:
0xf: {  	s9 =	sadd.s32 s3, s8;
	[dreg:$0x5] =	wrdreg s28;
	(pc) =	sbr.rel .LBB2_1-.Ltmp0, $4  }
0x10: {  	s3 =	sadd.s32 $0x17A00, s8;
	[dreg:$0x7] =	wrdreg s0;
	s24 =	sadd.s32 $0x4000, s9  }
0x11: {  	v3 =	vlaneseq.u32;
	s8 =	sadd.s32 s25, s26;
	s9 =	sadd.s32 $0xDC40, s9;
	[dreg:$0x2] =	wrdreg s24  }
0x12: {  	v0 =	vimm.s32 $0x0;
	vm0 =	vmmov $0xffff;
	v2 =	vshrl.u32 v3, $0x3;
	s30 =	sadd.s32 $0x800, s8;
	s8 =	simm.s32 $0x18F00;
	[dreg:$0x3] =	wrdreg s9  }
0x13: {  	v1 =	vand.u32 $0x7, v3;
	v3 =	vor.u32 $0x8, v3;
	v2 =	vmul.u32 $0x8, v2;
	[dreg:$0x6] =	wrdreg s30;
	s24 =	simm.s32 $0x3;
	s9 =	simm.s32 $0x19700  }
.LBB2_13:
0x14: {  	s0 =	sand.u32 $0x1, s16  }
0x15: {  	p2 =	seq.s32 s0, $0x1  }
0x16: {  	p0 =	por !p2, p0  }
0x17: {  	s0 =	simm.s32 @!p0 $0x3  }
0x18: {  	_ =	swait.ge @!p0 [sflag:s0], $0x4000  }
0x19: {  	[sflag:s0] =	ssyncset.done @!p0 $0x0  }
0x1a: {  	[sflag:s0] =	ssyncadd.s32 @!p0 $0xFFFFC000  }
0x1b: {  	_ =	swait.ge @!p0 [sflag:s0], $0x4000  }
0x1c: {  	[sflag:s0] =	ssyncset.done @!p0 $0x0  }
0x1d: {  	[sflag:s0] =	ssyncadd.s32 @!p0 $0xFFFFC000  }
0x1e: {  	_ =	swait.ge @!p0 [sflag:s0], $0x40  }
0x1f: {  	[sflag:s0] =	ssyncset.done @!p0 $0x0  }
0x20: {  	[sflag:s0] =	ssyncadd.s32 @!p0 $0xFFFFFFC0;
	s0 =	simm.s32 @p1 $0x4  }
0x21: {  	_ =	swait.ge @p1 [sflag:s0], $0x4000  }
0x22: {  	[sflag:s0] =	ssyncset.done @p1 $0x0  }
0x23: {  	[sflag:s0] =	ssyncadd.s32 @p1 $0xFFFFC000  }
0x24: {  	_ =	swait.ge @p1 [sflag:s0], $0x4000  }
0x25: {  	[sflag:s0] =	ssyncset.done @p1 $0x0  }
0x26: {  	[sflag:s0] =	ssyncadd.s32 @p1 $0xFFFFC000  }
0x27: {  	_ =	swait.ge @p1 [sflag:s0], $0x40  }
0x28: {  	p0 =	por p2, !p1;
	[sflag:s0] =	ssyncset.done @p1 $0x0  }
0x29: {  	[sflag:s0] =	ssyncadd.s32 @p1 $0xFFFFFFC0;
	s0 =	simm.s32 @!p0 $0x3  }
0x2a: {  	_ =	swait.ge @!p0 [sflag:s0], $0x4000  }
0x2b: {  	[sflag:s0] =	ssyncset.done @!p0 $0x0  }
0x2c: {  	[sflag:s0] =	ssyncadd.s32 @!p0 $0xFFFFC000  }
0x2d: {  	_ =	swait.ge @!p0 [sflag:s0], $0x4000  }
0x2e: {  	[sflag:s0] =	ssyncset.done @!p0 $0x0  }
0x2f: {  	[sflag:s0] =	ssyncadd.s32 @!p0 $0xFFFFC000  }
0x30: {  	_ =	swait.ge @!p0 [sflag:s0], $0x40  }
0x31: {  	s12 =	sadd.s32 $0x1, s12;
	s1 =	rddreg [dreg:$0x5]  }
0x32: {  	p1 =	sne.s32 s12, s1  }
.Ltmp1:
0x33: {  	_ = 	snop;
	(pc) =	sbr.rel @!p1 .LBB2_14-.Ltmp1, $3  }
0x34: {  	_ =	sdelay $0x1  }
0x35: {  	[sflag:s0] =	ssyncset.done @!p0 $0x0  }
0x36: {  	s14 =	simm.s32 $0x5;
	[sflag:s0] =	ssyncadd.s32 @!p0 $0xFFFFFFC0  }
.LBB2_1:
0x37: {  	s0 =	rddreg [dreg:$0x2]  }
0x38: {  	[tilespmem:s2], [sflag:$0x5] =	stream.linear.gather [hbm4b:s0+s2], $0x2710, $0x38;
	[tilespmem:$0x19F80] =	vst v63  }
0x39: {  	_ =	swait.ge [sflag:s14], $0x2710  }
0x3a: {  	[sflag:s14] =	ssyncset.done $0x0  }
0x3b: {  	s1 =	simm.s32 $0x2780;
	s29 =	rddreg [dreg:$0x3];
	[sflag:s14] =	ssyncadd.s32 $0xFFFFD8F0  }
0x3c: {  	[tilespmem:s1], [sflag:$0x5] =	stream.linear.gather [hbm4b:s29+s2], $0x2710, $0x38;
	[tilespmem:$0x19F80] =	vst v63  }
0x3d: {  	_ =	swait.ge [sflag:s14], $0x2710  }
0x3e: {  	[sflag:s14] =	ssyncset.done $0x0  }
0x3f: {  	s30 =	simm.s32 $0x0;
	[sflag:s14] =	ssyncadd.s32 $0xFFFFD8F0  }
0x40: {  	v4 =	vld [tilespmem:s30+$0x2780];
	_ =	sdelay $0x4  }
0x41: {  	vm1 =	vlt.s32 v4, $0x3E8  }
0x42: {  	v5 =	vsel vm1, $0x1, v0  }
0x43: {  	(xrf0) =	vadd.scan.msk.s32 $0xffff, v5;
	_ =	sdelay $0x2  }
0x44: {  	v5 =	vmov s2  }
0x45: {  	v5 =	vadd.s32 $0xFFFFFFFF, v5  }
0x46: {  	v5 =	vbroadcast v5, $0x0  }
0x47: {  	v6, _, _ =	vpop (xrf0)  }
0x48: {  	v7 =	vld [tilespmem:s30+$0x0];
	v5 =	vadd.s32 v6, v5;
	(v2sf) =	vpush v6, $0xF;
	_ =	sdelay $0x4  }
0x49: {  	[tilespmem:v5+s18+$0x0] =	vst.idx.msk vm1, v7  }
0x4a: {  	[tilespmem:v5+s19+$0x0] =	vst.idx.msk vm1, v4  }
0x4b: {  	v4 =	vld [tilespmem:s30+$0x2790];
	_ =	sdelay $0x4  }
0x4c: {  	vm1 =	vlt.s32 v4, $0x3E8  }
0x4d: {  	v5 =	vsel vm1, $0x1, v0  }
0x4e: {  	(xrf0) =	vadd.scan.msk.s32 $0xffff, v5  }
0x4f: {  	s16 =	spop (v2sf)  }
0x50: {  	s16 =	sadd.s32 $0x0, s16  }
0x51: {  	v5 =	vmov s16  }
0x52: {  	v5 =	vadd.s32 $0xFFFFFFFF, v5  }
0x53: {  	v5 =	vbroadcast v5, $0x0  }
0x54: {  	v6, _, _ =	vpop (xrf0)  }
0x55: {  	v7 =	vld [tilespmem:s30+$0x10];
	v5 =	vadd.s32 v6, v5;
	(v2sf) =	vpush v6, $0xF;
	_ =	sdelay $0x4  }
0x56: {  	[tilespmem:v5+s18+$0x0] =	vst.idx.msk vm1, v7  }
0x57: {  	[tilespmem:v5+s19+$0x0] =	vst.idx.msk vm1, v4  }
0x58: {  	v4 =	vld [tilespmem:s30+$0x27A0];
	_ =	sdelay $0x4  }
0x59: {  	vm1 =	vlt.s32 v4, $0x3E8  }
0x5a: {  	v5 =	vsel vm1, $0x1, v0  }
0x5b: {  	(xrf0) =	vadd.scan.msk.s32 $0xffff, v5  }
0x5c: {  	s25 =	spop (v2sf)  }
0x5d: {  	s16 =	sadd.s32 s16, s25  }
0x5e: {  	v5 =	vmov s16  }
0x5f: {  	v5 =	vadd.s32 $0xFFFFFFFF, v5  }
0x60: {  	v5 =	vbroadcast v5, $0x0  }
0x61: {  	v6, _, _ =	vpop (xrf0)  }
0x62: {  	v7 =	vld [tilespmem:s30+$0x20];
	v5 =	vadd.s32 v6, v5  }
0x63: {  	(v2sf) =	vpush v6, $0xF;
	_ =	sdelay $0x3  }
0x64: {  	[tilespmem:v5+s18+$0x0] =	vst.idx.msk vm1, v7  }
0x65: {  	[tilespmem:v5+s19+$0x0] =	vst.idx.msk vm1, v4  }
0x66: {  	v4 =	vld [tilespmem:s30+$0x27B0];
	_ =	sdelay $0x4  }
0x67: {  	vm1 =	vlt.s32 v4, $0x3E8  }
0x68: {  	v5 =	vsel vm1, $0x1, v0  }
0x69: {  	(xrf0) =	vadd.scan.msk.s32 $0xffff, v5;
	_ =	sdelay $0x1  }
0x6a: {  	s31 =	spop (v2sf)  }
0x6b: {  	s26 =	sadd.s32 s16, s31  }
0x6c: {  	v5 =	vmov s26  }
0x6d: {  	v5 =	vadd.s32 $0xFFFFFFFF, v5  }
0x6e: {  	v5 =	vbroadcast v5, $0x0;
	v6, _, _ =	vpop (xrf0)  }
0x6f: {  	(v2sf) =	vpush v6, $0xF  }
0x70: {  	v7 =	vld [tilespmem:s30+$0x30];
	v5 =	vadd.s32 v6, v5;
	_ =	sdelay $0x4  }
0x71: {  	[tilespmem:v5+s18+$0x0] =	vst.idx.msk vm1, v7  }
0x72: {  	s1 =	simm.s32 $0x40;
	[tilespmem:v5+s19+$0x0] =	vst.idx.msk vm1, v4  }
0x73: {  	v4 =	vld [tilespmem:s1+$0x2780];
	_ =	sdelay $0x4  }
0x74: {  	vm1 =	vlt.s32 v4, $0x3E8  }
0x75: {  	v5 =	vsel vm1, $0x1, v0  }
0x76: {  	s16 =	simm.s32 $0x200;
	(xrf0) =	vadd.scan.msk.s32 $0xffff, v5;
	s25 =	spop (v2sf)  }
.LBB2_2:
0x77: {  	p0 =	sne.s32 s16, $0x9B00  }
0x78: {  	s26 =	sadd.s32 s26, s25;
	s25 =	smov.u32 s16;
	s16 =	sadd.s32 $0x100, s16  }
0x79: {  	v5 =	vmov s26  }
0x7a: {  	v5 =	vadd.s32 $0xFFFFFFFF, v5  }
0x7b: {  	v5 =	vbroadcast v5, $0x0  }
0x7c: {  	v6, _, _ =	vpop (xrf0)  }
0x7d: {  	v7 =	vld [tilespmem:s1+$0x0];
	v5 =	vadd.s32 v6, v5;
	(v2sf) =	vpush v6, $0xF;
	_ =	sdelay $0x4  }
0x7e: {  	[tilespmem:v5+s18+$0x0] =	vst.idx.msk vm1, v7  }
0x7f: {  	[tilespmem:v5+s19+$0x0] =	vst.idx.msk vm1, v4  }
0x80: {  	v4 =	vld [tilespmem:s1+$0x2790];
	_ =	sdelay $0x4  }
0x81: {  	vm1 =	vlt.s32 v4, $0x3E8  }
0x82: {  	v5 =	vsel vm1, $0x1, v0  }
0x83: {  	(xrf0) =	vadd.scan.msk.s32 $0xffff, v5  }
0x84: {  	s28 =	spop (v2sf)  }
0x85: {  	s26 =	sadd.s32 s26, s28  }
0x86: {  	v5 =	vmov s26  }
0x87: {  	v5 =	vadd.s32 $0xFFFFFFFF, v5  }
0x88: {  	v5 =	vbroadcast v5, $0x0  }
0x89: {  	v6, _, _ =	vpop (xrf0)  }
0x8a: {  	v7 =	vld [tilespmem:s1+$0x10];
	v5 =	vadd.s32 v6, v5;
	(v2sf) =	vpush v6, $0xF;
	_ =	sdelay $0x4  }
0x8b: {  	[tilespmem:v5+s18+$0x0] =	vst.idx.msk vm1, v7  }
0x8c: {  	[tilespmem:v5+s19+$0x0] =	vst.idx.msk vm1, v4  }
0x8d: {  	v4 =	vld [tilespmem:s1+$0x27A0];
	_ =	sdelay $0x4  }
0x8e: {  	vm1 =	vlt.s32 v4, $0x3E8  }
0x8f: {  	v5 =	vsel vm1, $0x1, v0  }
0x90: {  	(xrf0) =	vadd.scan.msk.s32 $0xffff, v5  }
0x91: {  	s28 =	spop (v2sf)  }
0x92: {  	s26 =	sadd.s32 s26, s28  }
0x93: {  	v5 =	vmov s26  }
0x94: {  	v5 =	vadd.s32 $0xFFFFFFFF, v5  }
0x95: {  	v5 =	vbroadcast v5, $0x0  }
0x96: {  	v6, _, _ =	vpop (xrf0)  }
0x97: {  	v7 =	vld [tilespmem:s1+$0x20];
	v5 =	vadd.s32 v6, v5;
	(v2sf) =	vpush v6, $0xF;
	_ =	sdelay $0x4  }
0x98: {  	[tilespmem:v5+s18+$0x0] =	vst.idx.msk vm1, v7  }
0x99: {  	[tilespmem:v5+s19+$0x0] =	vst.idx.msk vm1, v4  }
0x9a: {  	v4 =	vld [tilespmem:s1+$0x27B0]  }
0x9b: {  	v5 =	vld [tilespmem:s1+$0x30];
	_ =	sdelay $0x3  }
0x9c: {  	vm1 =	vlt.s32 v4, $0x3E8  }
0x9d: {  	v6 =	vsel vm1, $0x1, v0  }
0x9e: {  	(xrf0) =	vadd.scan.msk.s32 $0xffff, v6  }
0x9f: {  	s1 =	spop (v2sf)  }
0xa0: {  	s26 =	sadd.s32 s26, s1  }
0xa1: {  	v6 =	vmov s26  }
0xa2: {  	v6 =	vadd.s32 $0xFFFFFFFF, v6  }
0xa3: {  	v6 =	vbroadcast v6, $0x0  }
0xa4: {  	v7, _, _ =	vpop (xrf0)  }
0xa5: {  	v6 =	vadd.s32 v7, v6;
	(v2sf) =	vpush v7, $0xF;
	_ =	sdelay $0x4  }
0xa6: {  	[tilespmem:v6+s18+$0x0] =	vst.idx.msk vm1, v5  }
0xa7: {  	s1 =	sshra.s32 s25, $0x2;
	[tilespmem:v6+s19+$0x0] =	vst.idx.msk vm1, v4  }
0xa8: {  	v4 =	vld [tilespmem:s1+$0x2780];
	_ =	sdelay $0x3  }
.Ltmp2:
0xa9: {  	(pc) =	sbr.rel @p0 .LBB2_2-.Ltmp2, $4  }
0xaa: {  	vm1 =	vlt.s32 v4, $0x3E8  }
0xab: {  	v5 =	vsel vm1, $0x1, v0  }
0xac: {  	(xrf0) =	vadd.scan.msk.s32 $0xffff, v5  }
0xad: {  	s25 =	spop (v2sf)  }
0xae: {  	s16 =	sadd.s32 s26, s25  }
0xaf: {  	v5 =	vmov s16  }
0xb0: {  	v5 =	vadd.s32 $0xFFFFFFFF, v5  }
0xb1: {  	v5 =	vbroadcast v5, $0x0  }
0xb2: {  	v6, _, _ =	vpop (xrf0)  }
0xb3: {  	v7 =	vld [tilespmem:s1+$0x0];
	v5 =	vadd.s32 v6, v5;
	(v2sf) =	vpush v6, $0xF;
	_ =	sdelay $0x4  }
0xb4: {  	[tilespmem:v5+s18+$0x0] =	vst.idx.msk vm1, v7  }
0xb5: {  	[tilespmem:v5+s19+$0x0] =	vst.idx.msk vm1, v4  }
0xb6: {  	v4 =	vld [tilespmem:s1+$0x2790];
	_ =	sdelay $0x4  }
0xb7: {  	vm1 =	vlt.s32 v4, $0x3E8  }
0xb8: {  	v5 =	vsel vm1, $0x1, v0  }
0xb9: {  	(xrf0) =	vadd.scan.msk.s32 $0xffff, v5  }
0xba: {  	s15 =	spop (v2sf)  }
0xbb: {  	s16 =	sadd.s32 s16, s15  }
0xbc: {  	v5 =	vmov s16  }
0xbd: {  	v5 =	vadd.s32 $0xFFFFFFFF, v5  }
0xbe: {  	v5 =	vbroadcast v5, $0x0  }
0xbf: {  	v60, _, _ =	vpop (xrf0)  }
0xc0: {  	v7 =	vld [tilespmem:s1+$0x10];
	v5 =	vadd.s32 v60, v5;
	(v2sf) =	vpush v60, $0xF;
	_ =	sdelay $0x4  }
0xc1: {  	[tilespmem:v5+s18+$0x0] =	vst.idx.msk vm1, v7  }
0xc2: {  	[tilespmem:v5+s19+$0x0] =	vst.idx.msk vm1, v4  }
0xc3: {  	v4 =	vld [tilespmem:s1+$0x27A0];
	_ =	sdelay $0x4  }
0xc4: {  	vm1 =	vlt.s32 v4, $0x3E8  }
0xc5: {  	v5 =	vsel vm1, $0x1, v0  }
0xc6: {  	(xrf0) =	vadd.scan.msk.s32 $0xffff, v5  }
0xc7: {  	s17 =	spop (v2sf)  }
0xc8: {  	s16 =	sadd.s32 s16, s17  }
0xc9: {  	v5 =	vmov s16  }
0xca: {  	v5 =	vadd.s32 $0xFFFFFFFF, v5  }
0xcb: {  	v5 =	vbroadcast v5, $0x0  }
0xcc: {  	v61, _, _ =	vpop (xrf0)  }
0xcd: {  	v7 =	vld [tilespmem:s1+$0x20];
	v5 =	vadd.s32 v61, v5;
	(v2sf) =	vpush v61, $0xF;
	_ =	sdelay $0x4  }
0xce: {  	[tilespmem:v5+s18+$0x0] =	vst.idx.msk vm1, v7  }
0xcf: {  	[tilespmem:v5+s19+$0x0] =	vst.idx.msk vm1, v4  }
0xd0: {  	v4 =	vld [tilespmem:s1+$0x27B0];
	_ =	sdelay $0x4  }
0xd1: {  	vm1 =	vlt.s32 v4, $0x3E8  }
0xd2: {  	v5 =	vsel vm1, $0x1, v0  }
0xd3: {  	(xrf0) =	vadd.scan.msk.s32 $0xffff, v5  }
0xd4: {  	s20 =	spop (v2sf)  }
0xd5: {  	s16 =	sadd.s32 s16, s20  }
0xd6: {  	v5 =	vmov s16  }
0xd7: {  	v5 =	vadd.s32 $0xFFFFFFFF, v5  }
0xd8: {  	v5 =	vbroadcast v5, $0x0  }
0xd9: {  	v62, _, _ =	vpop (xrf0)  }
0xda: {  	v7 =	vld [tilespmem:s1+$0x30];
	v5 =	vadd.s32 v62, v5;
	_ =	sdelay $0x4  }
0xdb: {  	[tilespmem:v5+s18+$0x0] =	vst.idx.msk vm1, v7  }
0xdc: {  	[tilespmem:v5+s19+$0x0] =	vst.idx.msk vm1, v4  }
0xdd: {  	v4 =	vld [tilespmem:$0x4E80];
	_ =	sdelay $0x2  }
0xde: {  	(v2sf) =	vpush v62, $0xF;
	_ =	sdelay $0x1  }
0xdf: {  	vm1 =	vlt.s32 v4, $0x3E8  }
0xe0: {  	v5 =	vsel vm1, $0x1, v0  }
0xe1: {  	(xrf0) =	vadd.scan.msk.s32 $0xffff, v5;
	_ =	sdelay $0x5  }
0xe2: {  	v5, _, _ =	vpop (xrf0)  }
0xe3: {  	(v2sf) =	vpush v5, $0xF;
	_ =	sdelay $0x3  }
0xe4: {  	s26 =	spop (v2sf)  }
0xe5: {  	s1 =	sadd.s32 s16, s26  }
0xe6: {  	v63 =	vmov s1  }
0xe7: {  	v6 =	vadd.s32 $0xFFFFFFFF, v63  }
0xe8: {  	v6 =	vbroadcast v6, $0x0;
	_ =	sdelay $0x1  }
0xe9: {  	v7 =	vld [tilespmem:$0x2700];
	v5 =	vadd.s32 v5, v6;
	_ =	sdelay $0x4  }
0xea: {  	[tilespmem:v5+s18+$0x0] =	vst.idx.msk vm1, v7;
	s28 =	spop (v2sf)  }
0xeb: {  	[tilespmem:v5+s19+$0x0] =	vst.idx.msk vm1, v4;
	s1 =	sadd.s32 s1, s28  }
0xec: {  	[tilespmem:s1+$0x4F00] =	vst v0  }
0xed: {  	[tilespmem:s1+$0x7700] =	vst v0  }
0xee: {  	[tilespmem:s1+$0x4F10] =	vst v0  }
0xef: {  	[tilespmem:s1+$0x7710] =	vst v0  }
0xf0: {  	[tilespmem:s1+$0x4F20] =	vst v0  }
0xf1: {  	[tilespmem:s1+$0x7720] =	vst v0  }
0xf2: {  	[tilespmem:s1+$0x4F30] =	vst v0  }
0xf3: {  	[tilespmem:s1+$0x7730] =	vst v0;
	v4 =	vmov s1;
	s1 =	sadd.s32 $0x3F, s1  }
0xf4: {  	s0 =	rddreg [dreg:$0x4];
	s15 =	simm.s32 $0x19F00;
	[tilespmem:$0x19F00] =	vst v4;
	s29 =	sand.u32 $0x3F, s1  }
0xf5: {  	[hbm4b:s0+s2] =	stream.linear.scatter [tilespmem:s15], [sflag:$0x5], $0x80, $0x38;
	[tilespmem:$0x19F80] =	vst v63  }
0xf6: {  	s30 =	sshra.s32 s1, $0x1F;
	p0 =	slt.s32 s1, $0x1;
	p1 =	sne.s32 s29, $0x0  }
0xf7: {  	s31 =	sshrl.u32 s30, $0x1A;
	p0 =	por !p0, !p1  }
0xf8: {  	s16 =	simm.s32 $0x1;
	s1 =	sadd.s32 s31, s1;
	p0 =	por !p0, !p0  }
0xf9: {  	_ =	swait.ge [sflag:s14], $0x80;
	s1 =	sshra.s32 s1, $0x6;
	s16 =	simm.s32 @!p0 $0x0  }
0xfa: {  	[sflag:s14] =	ssyncset.done $0x0;
	s16 =	ssub.s32 s1, s16  }
0xfb: {  	[sflag:s14] =	ssyncadd.s32 $0xFFFFFF80;
	p0 =	slt.s32 s16, $0x1  }
0xfc: {  	v4 =	vld @!p0 [tilespmem:$0x4F00];
	_ =	sdelay $0x4  }
0xfd: {  	v5 =	vshll.u32 @!p0 v4, $0x1  }
0xfe: {  	v6 =	vlaneseq.u32 @!p0;
	v4 =	vand.u32 @!p0 $0x7, v4;
	v5 =	vand.u32 @!p0 $0xFFFFFFF0, v5  }
0xff: {  	v7 =	vshrl.u32 @!p0 v6, $0x3;
	v4 =	vor.u32 @!p0 v4, v5;
	v5 =	vand.u32 @!p0 $0x7, v6  }
0x100: {  	v7 =	vmul.u32 @!p0 $0x8, v7;
	v8 =	vperm.xlane @!p0 v4, v5  }
0x101: {  	v6 =	vor.u32 @!p0 $0x8, v6  }
0x102: {  	v4 =	vperm.xlane @!p0 v4, v6;
	v8 =	vadd.s32 @!p0 v7, v8;
	_ =	sdelay $0x1  }
0x103: {  	v4 =	vadd.s32 @!p0 v7, v4;
	_ =	sdelay $0x1  }
0x104: {  	vm1 =	vmmov @!p0 $0xffff;
	s1 =	simm.s32 @!p0 $0x0;
	s25 =	simm.s32 @!p0 $0x9F00  }
0x105: {  	[tilespmem:s25], [sflag:$0x1] =	stream.indirect_vreg.gather @!p0 [hbm4b:s3+s1], $0x80, v8, vm1, $0xb8;
	[tilespmem:$0x19F80] =	vst v63  }
0x106: {  	s25 =	simm.s32 @!p0 $0xA700  }
0x107: {  	[tilespmem:s25], [sflag:$0x1] =	stream.indirect_vreg.gather @!p0 [hbm4b:s3+s1], $0x80, v4, vm1, $0xb8;
	[tilespmem:$0x19F80] =	vst v63  }
0x108: {  	v4 =	vld @!p0 [tilespmem:$0x4F10];
	_ =	sdelay $0x4  }
0x109: {  	v8 =	vshll.u32 @!p0 v4, $0x1  }
0x10a: {  	v4 =	vand.u32 @!p0 $0x7, v4;
	v8 =	vand.u32 @!p0 $0xFFFFFFF0, v8  }
0x10b: {  	v4 =	vor.u32 @!p0 v4, v8  }
0x10c: {  	v8 =	vperm.xlane @!p0 v4, v5;
	_ =	sdelay $0x1  }
0x10d: {  	v4 =	vperm.xlane @!p0 v4, v6;
	v8 =	vadd.s32 @!p0 v7, v8;
	_ =	sdelay $0x1  }
0x10e: {  	v4 =	vadd.s32 @!p0 v7, v4;
	_ =	sdelay $0x1  }
0x10f: {  	s25 =	simm.s32 @!p0 $0xAF00  }
0x110: {  	[tilespmem:s25], [sflag:$0x1] =	stream.indirect_vreg.gather @!p0 [hbm4b:s3+s1], $0x80, v8, vm1, $0xb8;
	[tilespmem:$0x19F80] =	vst v63  }
0x111: {  	s25 =	simm.s32 @!p0 $0xB700  }
0x112: {  	[tilespmem:s25], [sflag:$0x1] =	stream.indirect_vreg.gather @!p0 [hbm4b:s3+s1], $0x80, v4, vm1, $0xb8;
	[tilespmem:$0x19F80] =	vst v63  }
0x113: {  	v4 =	vld @!p0 [tilespmem:$0x4F20];
	_ =	sdelay $0x4  }
0x114: {  	v8 =	vshll.u32 @!p0 v4, $0x1  }
0x115: {  	v4 =	vand.u32 @!p0 $0x7, v4;
	v8 =	vand.u32 @!p0 $0xFFFFFFF0, v8  }
0x116: {  	v4 =	vor.u32 @!p0 v4, v8  }
0x117: {  	v8 =	vperm.xlane @!p0 v4, v5;
	_ =	sdelay $0x1  }
0x118: {  	v4 =	vperm.xlane @!p0 v4, v6;
	v8 =	vadd.s32 @!p0 v7, v8;
	_ =	sdelay $0x1  }
0x119: {  	v4 =	vadd.s32 @!p0 v7, v4;
	_ =	sdelay $0x1  }
0x11a: {  	s25 =	simm.s32 @!p0 $0xBF00  }
0x11b: {  	[tilespmem:s25], [sflag:$0x1] =	stream.indirect_vreg.gather @!p0 [hbm4b:s3+s1], $0x80, v8, vm1, $0xb8;
	[tilespmem:$0x19F80] =	vst v63  }
0x11c: {  	s25 =	simm.s32 @!p0 $0xC700  }
0x11d: {  	[tilespmem:s25], [sflag:$0x1] =	stream.indirect_vreg.gather @!p0 [hbm4b:s3+s1], $0x80, v4, vm1, $0xb8;
	[tilespmem:$0x19F80] =	vst v63  }
0x11e: {  	v4 =	vld @!p0 [tilespmem:$0x4F30];
	_ =	sdelay $0x4  }
0x11f: {  	v8 =	vshll.u32 @!p0 v4, $0x1  }
0x120: {  	v4 =	vand.u32 @!p0 $0x7, v4;
	v8 =	vand.u32 @!p0 $0xFFFFFFF0, v8  }
0x121: {  	v4 =	vor.u32 @!p0 v4, v8  }
0x122: {  	v8 =	vperm.xlane @!p0 v4, v5;
	_ =	sdelay $0x1  }
0x123: {  	v4 =	vperm.xlane @!p0 v4, v6;
	v8 =	vadd.s32 @!p0 v7, v8;
	_ =	sdelay $0x1  }
0x124: {  	v4 =	vadd.s32 @!p0 v7, v4;
	_ =	sdelay $0x1  }
0x125: {  	s25 =	simm.s32 @!p0 $0xCF00  }
0x126: {  	[tilespmem:s25], [sflag:$0x1] =	stream.indirect_vreg.gather @!p0 [hbm4b:s3+s1], $0x80, v8, vm1, $0xb8;
	[tilespmem:$0x19F80] =	vst v63  }
0x127: {  	s25 =	simm.s32 @!p0 $0xD700  }
0x128: {  	[tilespmem:s25], [sflag:$0x1] =	stream.indirect_vreg.gather @!p0 [hbm4b:s3+s1], $0x80, v4, vm1, $0xb8;
	[tilespmem:$0x19F80] =	vst v63  }
0x129: {  	v4 =	vld @!p0 [tilespmem:$0x7700];
	_ =	sdelay $0x4  }
0x12a: {  	v8 =	vshll.u32 @!p0 v4, $0x1  }
0x12b: {  	v4 =	vand.u32 @!p0 $0x7, v4;
	v8 =	vand.u32 @!p0 $0xFFFFFFF0, v8  }
0x12c: {  	v4 =	vor.u32 @!p0 v4, v8  }
0x12d: {  	v8 =	vperm.xlane @!p0 v4, v5;
	_ =	sdelay $0x1  }
0x12e: {  	v4 =	vperm.xlane @!p0 v4, v6;
	v8 =	vadd.s32 @!p0 v7, v8;
	_ =	sdelay $0x1  }
0x12f: {  	v4 =	vadd.s32 @!p0 v7, v4;
	_ =	sdelay $0x1  }
0x130: {  	s25 =	simm.s32 @!p0 $0xDF00  }
0x131: {  	[tilespmem:s25], [sflag:$0x1] =	stream.indirect_vreg.gather @!p0 [hbm4b:s4+s1], $0x80, v8, vm1, $0xb8;
	[tilespmem:$0x19F80] =	vst v63  }
0x132: {  	s25 =	simm.s32 @!p0 $0xE700  }
0x133: {  	[tilespmem:s25], [sflag:$0x1] =	stream.indirect_vreg.gather @!p0 [hbm4b:s4+s1], $0x80, v4, vm1, $0xb8;
	[tilespmem:$0x19F80] =	vst v63  }
0x134: {  	v4 =	vld @!p0 [tilespmem:$0x7710];
	_ =	sdelay $0x4  }
0x135: {  	v8 =	vshll.u32 @!p0 v4, $0x1  }
0x136: {  	v4 =	vand.u32 @!p0 $0x7, v4;
	v8 =	vand.u32 @!p0 $0xFFFFFFF0, v8  }
0x137: {  	v4 =	vor.u32 @!p0 v4, v8  }
0x138: {  	v8 =	vperm.xlane @!p0 v4, v5;
	_ =	sdelay $0x1  }
0x139: {  	v4 =	vperm.xlane @!p0 v4, v6;
	v8 =	vadd.s32 @!p0 v7, v8;
	_ =	sdelay $0x1  }
0x13a: {  	v4 =	vadd.s32 @!p0 v7, v4;
	_ =	sdelay $0x1  }
0x13b: {  	s25 =	simm.s32 @!p0 $0xEF00  }
0x13c: {  	[tilespmem:s25], [sflag:$0x1] =	stream.indirect_vreg.gather @!p0 [hbm4b:s4+s1], $0x80, v8, vm1, $0xb8;
	[tilespmem:$0x19F80] =	vst v63  }
0x13d: {  	s25 =	simm.s32 @!p0 $0xF700  }
0x13e: {  	[tilespmem:s25], [sflag:$0x1] =	stream.indirect_vreg.gather @!p0 [hbm4b:s4+s1], $0x80, v4, vm1, $0xb8;
	[tilespmem:$0x19F80] =	vst v63  }
0x13f: {  	v4 =	vld @!p0 [tilespmem:$0x7720];
	_ =	sdelay $0x4  }
0x140: {  	v8 =	vshll.u32 @!p0 v4, $0x1  }
0x141: {  	v4 =	vand.u32 @!p0 $0x7, v4;
	v8 =	vand.u32 @!p0 $0xFFFFFFF0, v8  }
0x142: {  	v4 =	vor.u32 @!p0 v4, v8  }
0x143: {  	v8 =	vperm.xlane @!p0 v4, v5;
	_ =	sdelay $0x1  }
0x144: {  	v4 =	vperm.xlane @!p0 v4, v6;
	v8 =	vadd.s32 @!p0 v7, v8;
	_ =	sdelay $0x1  }
0x145: {  	v4 =	vadd.s32 @!p0 v7, v4;
	_ =	sdelay $0x1  }
0x146: {  	s25 =	simm.s32 @!p0 $0xFF00  }
0x147: {  	[tilespmem:s25], [sflag:$0x1] =	stream.indirect_vreg.gather @!p0 [hbm4b:s4+s1], $0x80, v8, vm1, $0xb8;
	[tilespmem:$0x19F80] =	vst v63  }
0x148: {  	s25 =	simm.s32 @!p0 $0x10700  }
0x149: {  	[tilespmem:s25], [sflag:$0x1] =	stream.indirect_vreg.gather @!p0 [hbm4b:s4+s1], $0x80, v4, vm1, $0xb8;
	[tilespmem:$0x19F80] =	vst v63  }
0x14a: {  	v4 =	vld @!p0 [tilespmem:$0x7730];
	_ =	sdelay $0x4  }
0x14b: {  	v8 =	vshll.u32 @!p0 v4, $0x1  }
0x14c: {  	v4 =	vand.u32 @!p0 $0x7, v4;
	v8 =	vand.u32 @!p0 $0xFFFFFFF0, v8  }
0x14d: {  	v4 =	vor.u32 @!p0 v4, v8  }
0x14e: {  	v5 =	vperm.xlane @!p0 v4, v5;
	_ =	sdelay $0x1  }
0x14f: {  	v4 =	vperm.xlane @!p0 v4, v6;
	v5 =	vadd.s32 @!p0 v7, v5  }
0x150: {  	p1 =	seq.s32 @!p0 s16, $0x1  }
0x151: {  	p1 =	por p0, p1;
	v4 =	vadd.s32 @!p0 v7, v4  }
.Ltmp3:
0x152: {  	_ = 	snop;
	(pc) =	sbr.rel @!p1 .LBB2_5-.Ltmp3, $4  }
0x153: {  	s25 =	simm.s32 @!p0 $0x10F00  }
0x154: {  	[tilespmem:s25], [sflag:$0x1] =	stream.indirect_vreg.gather @!p0 [hbm4b:s4+s1], $0x80, v5, vm1, $0xb8;
	[tilespmem:$0x19F80] =	vst v63  }
0x155: {  	s25 =	simm.s32 @!p0 $0x11700  }
0x156: {  	[tilespmem:s25], [sflag:$0x1] =	stream.indirect_vreg.gather @!p0 [hbm4b:s4+s1], $0x80, v4, vm1, $0xb8;
	[tilespmem:$0x19F80] =	vst v63  }
.Ltmp4:
0x157: {  	(pc) =	sbr.rel .LBB2_6-.Ltmp4, $3  }
0x158: {  	_ =	sdelay $0x1  }
0x159: {  	p2 =	por @!p0 $0x0, $0x0;
	p1 =	por $0x0, $0x0  }
0x15a: {  	p1 =	por @!p0 p2, p2  }
.LBB2_5:
0x15b: {  	v4 =	vld [tilespmem:$0x4F40];
	_ =	sdelay $0x4  }
0x15c: {  	v5 =	vshll.u32 v4, $0x1  }
0x15d: {  	v4 =	vand.u32 $0x7, v4;
	v5 =	vand.u32 $0xFFFFFFF0, v5  }
0x15e: {  	v4 =	vor.u32 v4, v5  }
0x15f: {  	v5 =	vperm.xlane v4, v1;
	_ =	sdelay $0x1  }
0x160: {  	v4 =	vperm.xlane v4, v3;
	v5 =	vadd.s32 v2, v5;
	_ =	sdelay $0x1  }
0x161: {  	v4 =	vadd.s32 v2, v4;
	_ =	sdelay $0x1  }
0x162: {  	s0 =	simm.s32 $0x11F00  }
0x163: {  	[tilespmem:s0], [sflag:$0x2] =	stream.indirect_vreg.gather [hbm4b:s3+s2], $0x80, v5, vm0, $0xb8;
	[tilespmem:$0x19F80] =	vst v63  }
0x164: {  	s30 =	simm.s32 $0x12700  }
0x165: {  	[tilespmem:s30], [sflag:$0x2] =	stream.indirect_vreg.gather [hbm4b:s3+s2], $0x80, v4, vm0, $0xb8;
	[tilespmem:$0x19F80] =	vst v63  }
0x166: {  	v4 =	vld [tilespmem:$0x4F50];
	_ =	sdelay $0x4  }
0x167: {  	v5 =	vshll.u32 v4, $0x1  }
0x168: {  	v4 =	vand.u32 $0x7, v4;
	v5 =	vand.u32 $0xFFFFFFF0, v5  }
0x169: {  	v4 =	vor.u32 v4, v5  }
0x16a: {  	v5 =	vperm.xlane v4, v1;
	_ =	sdelay $0x1  }
0x16b: {  	v4 =	vperm.xlane v4, v3;
	v5 =	vadd.s32 v2, v5;
	_ =	sdelay $0x1  }
0x16c: {  	v4 =	vadd.s32 v2, v4;
	_ =	sdelay $0x1  }
0x16d: {  	s31 =	simm.s32 $0x12F00  }
0x16e: {  	[tilespmem:s31], [sflag:$0x2] =	stream.indirect_vreg.gather [hbm4b:s3+s2], $0x80, v5, vm0, $0xb8;
	[tilespmem:$0x19F80] =	vst v63  }
0x16f: {  	s1 =	simm.s32 $0x13700  }
0x170: {  	[tilespmem:s1], [sflag:$0x2] =	stream.indirect_vreg.gather [hbm4b:s3+s2], $0x80, v4, vm0, $0xb8;
	[tilespmem:$0x19F80] =	vst v63  }
0x171: {  	v4 =	vld [tilespmem:$0x4F60];
	_ =	sdelay $0x4  }
0x172: {  	v5 =	vshll.u32 v4, $0x1  }
0x173: {  	v4 =	vand.u32 $0x7, v4;
	v5 =	vand.u32 $0xFFFFFFF0, v5  }
0x174: {  	v4 =	vor.u32 v4, v5  }
0x175: {  	v5 =	vperm.xlane v4, v1;
	_ =	sdelay $0x1  }
0x176: {  	v4 =	vperm.xlane v4, v3;
	v5 =	vadd.s32 v2, v5;
	_ =	sdelay $0x1  }
0x177: {  	v4 =	vadd.s32 v2, v4;
	_ =	sdelay $0x1  }
0x178: {  	s14 =	simm.s32 $0x13F00  }
0x179: {  	[tilespmem:s14], [sflag:$0x2] =	stream.indirect_vreg.gather [hbm4b:s3+s2], $0x80, v5, vm0, $0xb8;
	[tilespmem:$0x19F80] =	vst v63  }
0x17a: {  	s15 =	simm.s32 $0x14700  }
0x17b: {  	[tilespmem:s15], [sflag:$0x2] =	stream.indirect_vreg.gather [hbm4b:s3+s2], $0x80, v4, vm0, $0xb8;
	[tilespmem:$0x19F80] =	vst v63  }
0x17c: {  	v4 =	vld [tilespmem:$0x4F70];
	_ =	sdelay $0x4  }
0x17d: {  	v5 =	vshll.u32 v4, $0x1  }
0x17e: {  	v4 =	vand.u32 $0x7, v4;
	v5 =	vand.u32 $0xFFFFFFF0, v5  }
0x17f: {  	v4 =	vor.u32 v4, v5  }
0x180: {  	v5 =	vperm.xlane v4, v1;
	_ =	sdelay $0x1  }
0x181: {  	v4 =	vperm.xlane v4, v3;
	v5 =	vadd.s32 v2, v5;
	_ =	sdelay $0x1  }
0x182: {  	v4 =	vadd.s32 v2, v4;
	_ =	sdelay $0x1  }
0x183: {  	s17 =	simm.s32 $0x14F00  }
0x184: {  	[tilespmem:s17], [sflag:$0x2] =	stream.indirect_vreg.gather [hbm4b:s3+s2], $0x80, v5, vm0, $0xb8;
	[tilespmem:$0x19F80] =	vst v63  }
0x185: {  	s20 =	simm.s32 $0x15700  }
0x186: {  	[tilespmem:s20], [sflag:$0x2] =	stream.indirect_vreg.gather [hbm4b:s3+s2], $0x80, v4, vm0, $0xb8;
	[tilespmem:$0x19F80] =	vst v63  }
0x187: {  	v4 =	vld [tilespmem:$0x7740];
	_ =	sdelay $0x4  }
0x188: {  	v5 =	vshll.u32 v4, $0x1  }
0x189: {  	v4 =	vand.u32 $0x7, v4;
	v5 =	vand.u32 $0xFFFFFFF0, v5  }
0x18a: {  	v4 =	vor.u32 v4, v5  }
0x18b: {  	v5 =	vperm.xlane v4, v1;
	_ =	sdelay $0x1  }
0x18c: {  	v4 =	vperm.xlane v4, v3;
	v5 =	vadd.s32 v2, v5;
	_ =	sdelay $0x1  }
0x18d: {  	v4 =	vadd.s32 v2, v4;
	_ =	sdelay $0x1  }
0x18e: {  	s25 =	simm.s32 $0x15F00  }
0x18f: {  	[tilespmem:s25], [sflag:$0x2] =	stream.indirect_vreg.gather [hbm4b:s4+s2], $0x80, v5, vm0, $0xb8;
	[tilespmem:$0x19F80] =	vst v63  }
0x190: {  	s26 =	simm.s32 $0x16700  }
0x191: {  	[tilespmem:s26], [sflag:$0x2] =	stream.indirect_vreg.gather [hbm4b:s4+s2], $0x80, v4, vm0, $0xb8;
	[tilespmem:$0x19F80] =	vst v63  }
0x192: {  	v4 =	vld [tilespmem:$0x7750];
	_ =	sdelay $0x4  }
0x193: {  	v5 =	vshll.u32 v4, $0x1  }
0x194: {  	v4 =	vand.u32 $0x7, v4;
	v5 =	vand.u32 $0xFFFFFFF0, v5  }
0x195: {  	v4 =	vor.u32 v4, v5  }
0x196: {  	v5 =	vperm.xlane v4, v1;
	_ =	sdelay $0x1  }
0x197: {  	v4 =	vperm.xlane v4, v3;
	v5 =	vadd.s32 v2, v5;
	_ =	sdelay $0x1  }
0x198: {  	v4 =	vadd.s32 v2, v4;
	_ =	sdelay $0x1  }
0x199: {  	s28 =	simm.s32 $0x16F00  }
0x19a: {  	[tilespmem:s28], [sflag:$0x2] =	stream.indirect_vreg.gather [hbm4b:s4+s2], $0x80, v5, vm0, $0xb8;
	[tilespmem:$0x19F80] =	vst v63  }
0x19b: {  	s29 =	simm.s32 $0x17700  }
0x19c: {  	[tilespmem:s29], [sflag:$0x2] =	stream.indirect_vreg.gather [hbm4b:s4+s2], $0x80, v4, vm0, $0xb8;
	[tilespmem:$0x19F80] =	vst v63  }
0x19d: {  	v4 =	vld [tilespmem:$0x7760];
	_ =	sdelay $0x4  }
0x19e: {  	v5 =	vshll.u32 v4, $0x1  }
0x19f: {  	v4 =	vand.u32 $0x7, v4;
	v5 =	vand.u32 $0xFFFFFFF0, v5  }
0x1a0: {  	v4 =	vor.u32 v4, v5  }
0x1a1: {  	v5 =	vperm.xlane v4, v1;
	_ =	sdelay $0x1  }
0x1a2: {  	v4 =	vperm.xlane v4, v3;
	v5 =	vadd.s32 v2, v5;
	_ =	sdelay $0x1  }
0x1a3: {  	v4 =	vadd.s32 v2, v4;
	_ =	sdelay $0x1  }
0x1a4: {  	s30 =	simm.s32 $0x17F00  }
0x1a5: {  	[tilespmem:s30], [sflag:$0x2] =	stream.indirect_vreg.gather [hbm4b:s4+s2], $0x80, v5, vm0, $0xb8;
	[tilespmem:$0x19F80] =	vst v63  }
0x1a6: {  	s31 =	simm.s32 $0x18700  }
0x1a7: {  	[tilespmem:s31], [sflag:$0x2] =	stream.indirect_vreg.gather [hbm4b:s4+s2], $0x80, v4, vm0, $0xb8;
	[tilespmem:$0x19F80] =	vst v63  }
0x1a8: {  	v4 =	vld [tilespmem:$0x7770];
	_ =	sdelay $0x4  }
0x1a9: {  	v5 =	vshll.u32 v4, $0x1  }
0x1aa: {  	v4 =	vand.u32 $0x7, v4;
	v5 =	vand.u32 $0xFFFFFFF0, v5  }
0x1ab: {  	v4 =	vor.u32 v4, v5  }
0x1ac: {  	v5 =	vperm.xlane v4, v1;
	_ =	sdelay $0x1  }
0x1ad: {  	v4 =	vperm.xlane v4, v3;
	v5 =	vadd.s32 v2, v5;
	_ =	sdelay $0x1  }
0x1ae: {  	v4 =	vadd.s32 v2, v4;
	_ =	sdelay $0x2  }
0x1af: {  	[tilespmem:s8], [sflag:$0x2] =	stream.indirect_vreg.gather [hbm4b:s4+s2], $0x80, v5, vm0, $0xb8;
	[tilespmem:$0x19F80] =	vst v63  }
0x1b0: {  	p1 =	por $0x1, $0x1  }
0x1b1: {  	[tilespmem:s9], [sflag:$0x2] =	stream.indirect_vreg.gather [hbm4b:s4+s2], $0x80, v4, vm0, $0xb8;
	[tilespmem:$0x19F80] =	vst v63  }
.LBB2_6:
0x1b2: {  	s1 =	sadd.s32 $0x1, s16  }
0x1b3: {  	s25 =	sand.u32 $0x1, s1  }
0x1b4: {  	p2 =	slt.s32 s16, $0x0;
	p3 =	seq.s32 s25, $0x1  }
0x1b5: {  	s31 =	sshrl.u32 s1, $0x1F;
	p2 =	por !p2, !p3  }
0x1b6: {  	s1 =	sadd.s32 s31, s1;
	s25 =	simm.s32 $0x1;
	p2 =	por !p2, !p2  }
0x1b7: {  	s1 =	sshra.s32 s1, $0x1;
	s25 =	simm.s32 @!p2 $0x0  }
0x1b8: {  	s25 =	ssub.s32 s1, s25  }
0x1b9: {  	p2 =	slt.s32 s25, $0x1  }
.Ltmp5:
0x1ba: {  	_ = 	snop;
	(pc) =	sbr.rel @p2 .LBB2_13-.Ltmp5, $1  }
0x1bb: {  	_ =	sdelay $0x3  }
.Ltmp6:
0x1bc: {  	(pc) =	sbr.rel .LBB2_8-.Ltmp6, $3  }
0x1bd: {  	_ =	sdelay $0x1  }
0x1be: {  	s26 =	simm.s32 $0x0;
	s29 =	rddreg [dreg:$0x7]  }
0x1bf: {  	s28 =	simm.s32 $0x1;
	s30 =	rddreg [dreg:$0x6];
	s31 =	simm.s32 $0x0  }
.LBB2_12:
0x1c0: {  	s25 =	sadd.s32 $0xFFFFFFFF, s25  }
0x1c1: {  	p2 =	sne.s32 s25, $0x0  }
.Ltmp7:
0x1c2: {  	_ = 	snop;
	(pc) =	sbr.rel @!p2 .LBB2_13-.Ltmp7, $3  }
0x1c3: {  	_ =	sdelay $0x1  }
0x1c4: {  	s31 =	sadd.s32 $0x80, s31  }
0x1c5: {  	s26 =	sadd.s32 $0x200, s26;
	s30 =	sadd.s32 $0x1000, s30;
	s29 =	sadd.s32 $0x1000, s29  }
.LBB2_8:
0x1c6: {  	_ =	swait.ge [sflag:s21], $0x4000  }
0x1c7: {  	[sflag:s21] =	ssyncset.done $0x0  }
0x1c8: {  	[sflag:s21] =	ssyncadd.s32 $0xFFFFC000  }
0x1c9: {  	s1 =	sadd.s32 s31, s13;
	_ =	swait.ge [sflag:s21], $0x4000  }
0x1ca: {  	s0 =	sshll.u32 s1, $0x5;
	[sflag:s21] =	ssyncset.done $0x0  }
0x1cb: {  	s17 =	sadd.s32 s5, s0;
	[sflag:s21] =	ssyncadd.s32 $0xFFFFC000  }
0x1cc: {  	[hbm4b:s17+s2] =	stream.linear.scatter [tilespmem:s22], [sflag:$0x3], $0x4000, $0x38;
	[tilespmem:$0x19F80] =	vst v63  }
0x1cd: {  	s20 =	sshra.s32 s1, $0x1F;
	s0 =	sadd.s32 s6, s0  }
0x1ce: {  	[hbm4b:s0+s2] =	stream.linear.scatter [tilespmem:s23], [sflag:$0x3], $0x4000, $0x38;
	[tilespmem:$0x19F80] =	vst v63  }
0x1cf: {  	s0 =	sshrl.u32 s20, $0x17  }
0x1d0: {  	s0 =	sadd.s32 s0, s1  }
0x1d1: {  	s14 =	sand.u32 $0xFFFFFE00, s0  }
0x1d2: {  	p2 =	slt.s32 s1, $0x1;
	p3 =	sne.s32 s1, s14  }
0x1d3: {  	p2 =	por !p2, !p3  }
0x1d4: {  	s17 =	simm.s32 $0x1;
	p2 =	por !p2, !p2  }
0x1d5: {  	s0 =	sshrl.u32 s0, $0x9;
	s17 =	simm.s32 @!p2 $0x0  }
0x1d6: {  	s0 =	ssub.s32 s0, s17  }
0x1d7: {  	s1 =	sand.u32 $0x180, s1;
	s0 =	sshll.u32 s0, $0x9  }
0x1d8: {  	s0 =	sor.u32 s1, s0  }
0x1d9: {  	s1 =	sshra.s32 s26, $0x2;
	s0 =	sshrl.u32 s0, $0x3  }
0x1da: {  	p2 =	sge.s32 s28, s16;
	s15 =	sadd.s32 $0x7700, s1;
	s0 =	sadd.s32 s7, s0  }
0x1db: {  	[hbm4b:s0+s2] =	stream.linear.scatter [tilespmem:s15], [sflag:$0x3], $0x40, $0x38;
	[tilespmem:$0x19F80] =	vst v63  }
0x1dc: {  	s0 =	simm.s32 @!p2 $0x2  }
0x1dd: {  	_ =	swait.ge @!p2 [sflag:s0], $0x4000  }
0x1de: {  	[sflag:s0] =	ssyncset.done @!p2 $0x0  }
0x1df: {  	[sflag:s0] =	ssyncadd.s32 @!p2 $0xFFFFC000  }
0x1e0: {  	_ =	swait.ge @!p2 [sflag:s0], $0x4000  }
0x1e1: {  	s17 =	simm.s32 @!p2 $0x0;
	[sflag:s0] =	ssyncset.done @!p2 $0x0  }
0x1e2: {  	s20 =	simm.s32 @!p2 $0x11F00;
	[sflag:s0] =	ssyncadd.s32 @!p2 $0xFFFFC000;
	s0 =	sadd.s32 @!p2 $0x40, s31  }
0x1e3: {  	[hbm4b:s30+s17] =	stream.linear.scatter @!p2 [tilespmem:s20], [sflag:$0x4], $0x4000, $0x38;
	[tilespmem:$0x19F80] =	vst v63  }
0x1e4: {  	s14 =	simm.s32 @!p2 $0x15F00;
	s20 =	sadd.s32 @!p2 s13, s0  }
0x1e5: {  	[hbm4b:s29+s17] =	stream.linear.scatter @!p2 [tilespmem:s14], [sflag:$0x4], $0x4000, $0x38;
	[tilespmem:$0x19F80] =	vst v63  }
0x1e6: {  	s14 =	sshra.s32 @!p2 s20, $0x1F  }
0x1e7: {  	s15 =	sshrl.u32 @!p2 s14, $0x17  }
0x1e8: {  	s15 =	sadd.s32 @!p2 s15, s20  }
0x1e9: {  	s15 =	sshrl.u32 @!p2 s15, $0x9  }
0x1ea: {  	s14 =	sadd.s32 @!p2 s14, s15  }
0x1eb: {  	s0 =	sand.u32 @!p2 $0x180, s0;
	s14 =	sshll.u32 @!p2 s14, $0x9  }
0x1ec: {  	s0 =	sor.u32 @!p2 s0, s14  }
0x1ed: {  	s14 =	sshra.s32 @!p2 s26, $0x2;
	s0 =	sshrl.u32 @!p2 s0, $0x3  }
0x1ee: {  	s20 =	sadd.s32 $0x1, s28;
	s14 =	sadd.s32 @!p2 $0x7740, s14;
	s0 =	sadd.s32 @!p2 s0, s11  }
0x1ef: {  	[hbm4b:s0+s17] =	stream.linear.scatter @!p2 [tilespmem:s14], [sflag:$0x4], $0x40, $0x38;
	[tilespmem:$0x19F80] =	vst v63  }
0x1f0: {  	p2 =	sge.s32 s20, s16  }
.Ltmp8:
0x1f1: {  	_ = 	snop;
	(pc) =	sbr.rel @p2 .LBB2_10-.Ltmp8, $1  }
0x1f2: {  	_ =	sdelay $0x3  }
0x1f3: {  	_ =	swait.ge [sflag:s24], $0x4000  }
0x1f4: {  	[sflag:s24] =	ssyncset.done $0x0  }
0x1f5: {  	[sflag:s24] =	ssyncadd.s32 $0xFFFFC000  }
0x1f6: {  	_ =	swait.ge [sflag:s24], $0x4000  }
0x1f7: {  	[sflag:s24] =	ssyncset.done $0x0  }
0x1f8: {  	[sflag:s24] =	ssyncadd.s32 $0xFFFFC000  }
0x1f9: {  	_ =	swait.ge [sflag:s24], $0x40  }
0x1fa: {  	[sflag:s24] =	ssyncset.done $0x0  }
0x1fb: {  	[sflag:s24] =	ssyncadd.s32 $0xFFFFFFC0  }
0x1fc: {  	v4 =	vld [tilespmem:s1+$0x4F80];
	_ =	sdelay $0x4  }
0x1fd: {  	v5 =	vshll.u32 v4, $0x1  }
0x1fe: {  	v4 =	vand.u32 $0x7, v4;
	v5 =	vand.u32 $0xFFFFFFF0, v5  }
0x1ff: {  	v4 =	vor.u32 v4, v5  }
0x200: {  	v5 =	vperm.xlane v4, v1;
	_ =	sdelay $0x1  }
0x201: {  	v4 =	vperm.xlane v4, v3;
	v5 =	vadd.s32 v2, v5;
	_ =	sdelay $0x1  }
0x202: {  	v4 =	vadd.s32 v2, v4;
	_ =	sdelay $0x2  }
0x203: {  	[tilespmem:s22], [sflag:$0x1] =	stream.indirect_vreg.gather [hbm4b:s3+s2], $0x80, v5, vm0, $0xb8;
	[tilespmem:$0x19F80] =	vst v63  }
0x204: {  	s0 =	simm.s32 $0xA700  }
0x205: {  	[tilespmem:s0], [sflag:$0x1] =	stream.indirect_vreg.gather [hbm4b:s3+s2], $0x80, v4, vm0, $0xb8;
	[tilespmem:$0x19F80] =	vst v63  }
0x206: {  	v4 =	vld [tilespmem:s1+$0x4F90];
	_ =	sdelay $0x4  }
0x207: {  	v5 =	vshll.u32 v4, $0x1  }
0x208: {  	v4 =	vand.u32 $0x7, v4;
	v5 =	vand.u32 $0xFFFFFFF0, v5  }
0x209: {  	v4 =	vor.u32 v4, v5  }
0x20a: {  	v5 =	vperm.xlane v4, v1;
	_ =	sdelay $0x1  }
0x20b: {  	v4 =	vperm.xlane v4, v3;
	v5 =	vadd.s32 v2, v5;
	_ =	sdelay $0x1  }
0x20c: {  	v4 =	vadd.s32 v2, v4;
	_ =	sdelay $0x1  }
0x20d: {  	s20 =	simm.s32 $0xAF00  }
0x20e: {  	[tilespmem:s20], [sflag:$0x1] =	stream.indirect_vreg.gather [hbm4b:s3+s2], $0x80, v5, vm0, $0xb8;
	[tilespmem:$0x19F80] =	vst v63  }
0x20f: {  	s14 =	simm.s32 $0xB700  }
0x210: {  	[tilespmem:s14], [sflag:$0x1] =	stream.indirect_vreg.gather [hbm4b:s3+s2], $0x80, v4, vm0, $0xb8;
	[tilespmem:$0x19F80] =	vst v63  }
0x211: {  	v4 =	vld [tilespmem:s1+$0x4FA0];
	_ =	sdelay $0x4  }
0x212: {  	v5 =	vshll.u32 v4, $0x1  }
0x213: {  	v4 =	vand.u32 $0x7, v4;
	v5 =	vand.u32 $0xFFFFFFF0, v5  }
0x214: {  	v4 =	vor.u32 v4, v5  }
0x215: {  	v5 =	vperm.xlane v4, v1;
	_ =	sdelay $0x1  }
0x216: {  	v4 =	vperm.xlane v4, v3;
	v5 =	vadd.s32 v2, v5;
	_ =	sdelay $0x1  }
0x217: {  	v4 =	vadd.s32 v2, v4;
	_ =	sdelay $0x1  }
0x218: {  	s15 =	simm.s32 $0xBF00  }
0x219: {  	[tilespmem:s15], [sflag:$0x1] =	stream.indirect_vreg.gather [hbm4b:s3+s2], $0x80, v5, vm0, $0xb8;
	[tilespmem:$0x19F80] =	vst v63  }
0x21a: {  	s17 =	simm.s32 $0xC700  }
0x21b: {  	[tilespmem:s17], [sflag:$0x1] =	stream.indirect_vreg.gather [hbm4b:s3+s2], $0x80, v4, vm0, $0xb8;
	[tilespmem:$0x19F80] =	vst v63  }
0x21c: {  	v4 =	vld [tilespmem:s1+$0x4FB0];
	_ =	sdelay $0x4  }
0x21d: {  	v5 =	vshll.u32 v4, $0x1  }
0x21e: {  	v4 =	vand.u32 $0x7, v4;
	v5 =	vand.u32 $0xFFFFFFF0, v5  }
0x21f: {  	v4 =	vor.u32 v4, v5  }
0x220: {  	v5 =	vperm.xlane v4, v1;
	_ =	sdelay $0x1  }
0x221: {  	v4 =	vperm.xlane v4, v3;
	v5 =	vadd.s32 v2, v5;
	_ =	sdelay $0x1  }
0x222: {  	v4 =	vadd.s32 v2, v4;
	_ =	sdelay $0x1  }
0x223: {  	s20 =	simm.s32 $0xCF00  }
0x224: {  	[tilespmem:s20], [sflag:$0x1] =	stream.indirect_vreg.gather [hbm4b:s3+s2], $0x80, v5, vm0, $0xb8;
	[tilespmem:$0x19F80] =	vst v63  }
0x225: {  	s14 =	simm.s32 $0xD700  }
0x226: {  	[tilespmem:s14], [sflag:$0x1] =	stream.indirect_vreg.gather [hbm4b:s3+s2], $0x80, v4, vm0, $0xb8;
	[tilespmem:$0x19F80] =	vst v63  }
0x227: {  	v4 =	vld [tilespmem:s1+$0x7780];
	_ =	sdelay $0x4  }
0x228: {  	v5 =	vshll.u32 v4, $0x1  }
0x229: {  	v4 =	vand.u32 $0x7, v4;
	v5 =	vand.u32 $0xFFFFFFF0, v5  }
0x22a: {  	v4 =	vor.u32 v4, v5  }
0x22b: {  	v5 =	vperm.xlane v4, v1;
	_ =	sdelay $0x1  }
0x22c: {  	v4 =	vperm.xlane v4, v3;
	v5 =	vadd.s32 v2, v5;
	_ =	sdelay $0x1  }
0x22d: {  	v4 =	vadd.s32 v2, v4;
	_ =	sdelay $0x2  }
0x22e: {  	[tilespmem:s23], [sflag:$0x1] =	stream.indirect_vreg.gather [hbm4b:s4+s2], $0x80, v5, vm0, $0xb8;
	[tilespmem:$0x19F80] =	vst v63  }
0x22f: {  	s15 =	simm.s32 $0xE700  }
0x230: {  	[tilespmem:s15], [sflag:$0x1] =	stream.indirect_vreg.gather [hbm4b:s4+s2], $0x80, v4, vm0, $0xb8;
	[tilespmem:$0x19F80] =	vst v63  }
0x231: {  	v4 =	vld [tilespmem:s1+$0x7790];
	_ =	sdelay $0x4  }
0x232: {  	v5 =	vshll.u32 v4, $0x1  }
0x233: {  	v4 =	vand.u32 $0x7, v4;
	v5 =	vand.u32 $0xFFFFFFF0, v5  }
0x234: {  	v4 =	vor.u32 v4, v5  }
0x235: {  	v5 =	vperm.xlane v4, v1;
	_ =	sdelay $0x1  }
0x236: {  	v4 =	vperm.xlane v4, v3;
	v5 =	vadd.s32 v2, v5;
	_ =	sdelay $0x1  }
0x237: {  	v4 =	vadd.s32 v2, v4;
	_ =	sdelay $0x1  }
0x238: {  	s17 =	simm.s32 $0xEF00  }
0x239: {  	[tilespmem:s17], [sflag:$0x1] =	stream.indirect_vreg.gather [hbm4b:s4+s2], $0x80, v5, vm0, $0xb8;
	[tilespmem:$0x19F80] =	vst v63  }
0x23a: {  	s20 =	simm.s32 $0xF700  }
0x23b: {  	[tilespmem:s20], [sflag:$0x1] =	stream.indirect_vreg.gather [hbm4b:s4+s2], $0x80, v4, vm0, $0xb8;
	[tilespmem:$0x19F80] =	vst v63  }
0x23c: {  	v4 =	vld [tilespmem:s1+$0x77A0];
	_ =	sdelay $0x4  }
0x23d: {  	v5 =	vshll.u32 v4, $0x1  }
0x23e: {  	v4 =	vand.u32 $0x7, v4;
	v5 =	vand.u32 $0xFFFFFFF0, v5  }
0x23f: {  	v4 =	vor.u32 v4, v5  }
0x240: {  	v5 =	vperm.xlane v4, v1;
	_ =	sdelay $0x1  }
0x241: {  	v4 =	vperm.xlane v4, v3;
	v5 =	vadd.s32 v2, v5;
	_ =	sdelay $0x1  }
0x242: {  	v4 =	vadd.s32 v2, v4;
	_ =	sdelay $0x1  }
0x243: {  	s14 =	simm.s32 $0xFF00  }
0x244: {  	[tilespmem:s14], [sflag:$0x1] =	stream.indirect_vreg.gather [hbm4b:s4+s2], $0x80, v5, vm0, $0xb8;
	[tilespmem:$0x19F80] =	vst v63  }
0x245: {  	s15 =	simm.s32 $0x10700  }
0x246: {  	[tilespmem:s15], [sflag:$0x1] =	stream.indirect_vreg.gather [hbm4b:s4+s2], $0x80, v4, vm0, $0xb8;
	[tilespmem:$0x19F80] =	vst v63  }
0x247: {  	v4 =	vld [tilespmem:s1+$0x77B0];
	_ =	sdelay $0x4  }
0x248: {  	v5 =	vshll.u32 v4, $0x1  }
0x249: {  	v4 =	vand.u32 $0x7, v4;
	v5 =	vand.u32 $0xFFFFFFF0, v5  }
0x24a: {  	v4 =	vor.u32 v4, v5  }
0x24b: {  	v5 =	vperm.xlane v4, v1;
	_ =	sdelay $0x1  }
0x24c: {  	v4 =	vperm.xlane v4, v3;
	v5 =	vadd.s32 v2, v5;
	_ =	sdelay $0x1  }
0x24d: {  	v4 =	vadd.s32 v2, v4;
	_ =	sdelay $0x1  }
0x24e: {  	s17 =	simm.s32 $0x10F00  }
0x24f: {  	[tilespmem:s17], [sflag:$0x1] =	stream.indirect_vreg.gather [hbm4b:s4+s2], $0x80, v5, vm0, $0xb8;
	[tilespmem:$0x19F80] =	vst v63  }
0x250: {  	s20 =	simm.s32 $0x11700  }
0x251: {  	[tilespmem:s20], [sflag:$0x1] =	stream.indirect_vreg.gather [hbm4b:s4+s2], $0x80, v4, vm0, $0xb8;
	[tilespmem:$0x19F80] =	vst v63  }
.LBB2_10:
0x252: {  	s28 =	sadd.s32 $0x2, s28  }
0x253: {  	p2 =	sge.s32 s28, s16  }
.Ltmp9:
0x254: {  	_ = 	snop;
	(pc) =	sbr.rel @p2 .LBB2_12-.Ltmp9, $1  }
0x255: {  	_ =	sdelay $0x3  }
0x256: {  	_ =	swait.ge [sflag:s10], $0x4000  }
0x257: {  	[sflag:s10] =	ssyncset.done $0x0  }
0x258: {  	[sflag:s10] =	ssyncadd.s32 $0xFFFFC000  }
0x259: {  	_ =	swait.ge [sflag:s10], $0x4000  }
0x25a: {  	[sflag:s10] =	ssyncset.done $0x0  }
0x25b: {  	[sflag:s10] =	ssyncadd.s32 $0xFFFFC000  }
0x25c: {  	_ =	swait.ge [sflag:s10], $0x40  }
0x25d: {  	[sflag:s10] =	ssyncset.done $0x0  }
0x25e: {  	[sflag:s10] =	ssyncadd.s32 $0xFFFFFFC0  }
0x25f: {  	v4 =	vld [tilespmem:s1+$0x4FC0];
	_ =	sdelay $0x4  }
0x260: {  	v5 =	vshll.u32 v4, $0x1  }
0x261: {  	v4 =	vand.u32 $0x7, v4;
	v5 =	vand.u32 $0xFFFFFFF0, v5  }
0x262: {  	v4 =	vor.u32 v4, v5  }
0x263: {  	v5 =	vperm.xlane v4, v1;
	_ =	sdelay $0x1  }
0x264: {  	v4 =	vperm.xlane v4, v3;
	v5 =	vadd.s32 v2, v5;
	_ =	sdelay $0x1  }
0x265: {  	v4 =	vadd.s32 v2, v4;
	_ =	sdelay $0x1  }
0x266: {  	s0 =	simm.s32 $0x11F00  }
0x267: {  	[tilespmem:s0], [sflag:$0x2] =	stream.indirect_vreg.gather [hbm4b:s3+s2], $0x80, v5, vm0, $0xb8;
	[tilespmem:$0x19F80] =	vst v63  }
0x268: {  	s20 =	simm.s32 $0x12700  }
0x269: {  	[tilespmem:s20], [sflag:$0x2] =	stream.indirect_vreg.gather [hbm4b:s3+s2], $0x80, v4, vm0, $0xb8;
	[tilespmem:$0x19F80] =	vst v63  }
0x26a: {  	v4 =	vld [tilespmem:s1+$0x4FD0];
	_ =	sdelay $0x4  }
0x26b: {  	v5 =	vshll.u32 v4, $0x1  }
0x26c: {  	v4 =	vand.u32 $0x7, v4;
	v5 =	vand.u32 $0xFFFFFFF0, v5  }
0x26d: {  	v4 =	vor.u32 v4, v5  }
0x26e: {  	v5 =	vperm.xlane v4, v1;
	_ =	sdelay $0x1  }
0x26f: {  	v4 =	vperm.xlane v4, v3;
	v5 =	vadd.s32 v2, v5;
	_ =	sdelay $0x1  }
0x270: {  	v4 =	vadd.s32 v2, v4;
	_ =	sdelay $0x1  }
0x271: {  	s14 =	simm.s32 $0x12F00  }
0x272: {  	[tilespmem:s14], [sflag:$0x2] =	stream.indirect_vreg.gather [hbm4b:s3+s2], $0x80, v5, vm0, $0xb8;
	[tilespmem:$0x19F80] =	vst v63  }
0x273: {  	s15 =	simm.s32 $0x13700  }
0x274: {  	[tilespmem:s15], [sflag:$0x2] =	stream.indirect_vreg.gather [hbm4b:s3+s2], $0x80, v4, vm0, $0xb8;
	[tilespmem:$0x19F80] =	vst v63  }
0x275: {  	v4 =	vld [tilespmem:s1+$0x4FE0];
	_ =	sdelay $0x4  }
0x276: {  	v5 =	vshll.u32 v4, $0x1  }
0x277: {  	v4 =	vand.u32 $0x7, v4;
	v5 =	vand.u32 $0xFFFFFFF0, v5  }
0x278: {  	v4 =	vor.u32 v4, v5  }
0x279: {  	v5 =	vperm.xlane v4, v1;
	_ =	sdelay $0x1  }
0x27a: {  	v4 =	vperm.xlane v4, v3;
	v5 =	vadd.s32 v2, v5;
	_ =	sdelay $0x1  }
0x27b: {  	v4 =	vadd.s32 v2, v4;
	_ =	sdelay $0x1  }
0x27c: {  	s17 =	simm.s32 $0x13F00  }
0x27d: {  	[tilespmem:s17], [sflag:$0x2] =	stream.indirect_vreg.gather [hbm4b:s3+s2], $0x80, v5, vm0, $0xb8;
	[tilespmem:$0x19F80] =	vst v63  }
0x27e: {  	s20 =	simm.s32 $0x14700  }
0x27f: {  	[tilespmem:s20], [sflag:$0x2] =	stream.indirect_vreg.gather [hbm4b:s3+s2], $0x80, v4, vm0, $0xb8;
	[tilespmem:$0x19F80] =	vst v63  }
0x280: {  	v4 =	vld [tilespmem:s1+$0x4FF0];
	_ =	sdelay $0x4  }
0x281: {  	v5 =	vshll.u32 v4, $0x1  }
0x282: {  	v4 =	vand.u32 $0x7, v4;
	v5 =	vand.u32 $0xFFFFFFF0, v5  }
0x283: {  	v4 =	vor.u32 v4, v5  }
0x284: {  	v5 =	vperm.xlane v4, v1;
	_ =	sdelay $0x1  }
0x285: {  	v4 =	vperm.xlane v4, v3;
	v5 =	vadd.s32 v2, v5;
	_ =	sdelay $0x1  }
0x286: {  	v4 =	vadd.s32 v2, v4;
	_ =	sdelay $0x1  }
0x287: {  	s14 =	simm.s32 $0x14F00  }
0x288: {  	[tilespmem:s14], [sflag:$0x2] =	stream.indirect_vreg.gather [hbm4b:s3+s2], $0x80, v5, vm0, $0xb8;
	[tilespmem:$0x19F80] =	vst v63  }
0x289: {  	s15 =	simm.s32 $0x15700  }
0x28a: {  	[tilespmem:s15], [sflag:$0x2] =	stream.indirect_vreg.gather [hbm4b:s3+s2], $0x80, v4, vm0, $0xb8;
	[tilespmem:$0x19F80] =	vst v63  }
0x28b: {  	v4 =	vld [tilespmem:s1+$0x77C0];
	_ =	sdelay $0x4  }
0x28c: {  	v5 =	vshll.u32 v4, $0x1  }
0x28d: {  	v4 =	vand.u32 $0x7, v4;
	v5 =	vand.u32 $0xFFFFFFF0, v5  }
0x28e: {  	v4 =	vor.u32 v4, v5  }
0x28f: {  	v5 =	vperm.xlane v4, v1;
	_ =	sdelay $0x1  }
0x290: {  	v4 =	vperm.xlane v4, v3;
	v5 =	vadd.s32 v2, v5;
	_ =	sdelay $0x1  }
0x291: {  	v4 =	vadd.s32 v2, v4;
	_ =	sdelay $0x1  }
0x292: {  	s17 =	simm.s32 $0x15F00  }
0x293: {  	[tilespmem:s17], [sflag:$0x2] =	stream.indirect_vreg.gather [hbm4b:s4+s2], $0x80, v5, vm0, $0xb8;
	[tilespmem:$0x19F80] =	vst v63  }
0x294: {  	s20 =	simm.s32 $0x16700  }
0x295: {  	[tilespmem:s20], [sflag:$0x2] =	stream.indirect_vreg.gather [hbm4b:s4+s2], $0x80, v4, vm0, $0xb8;
	[tilespmem:$0x19F80] =	vst v63  }
0x296: {  	v4 =	vld [tilespmem:s1+$0x77D0];
	_ =	sdelay $0x4  }
0x297: {  	v5 =	vshll.u32 v4, $0x1  }
0x298: {  	v4 =	vand.u32 $0x7, v4;
	v5 =	vand.u32 $0xFFFFFFF0, v5  }
0x299: {  	v4 =	vor.u32 v4, v5  }
0x29a: {  	v5 =	vperm.xlane v4, v1;
	_ =	sdelay $0x1  }
0x29b: {  	v4 =	vperm.xlane v4, v3;
	v5 =	vadd.s32 v2, v5;
	_ =	sdelay $0x1  }
0x29c: {  	v4 =	vadd.s32 v2, v4;
	_ =	sdelay $0x1  }
0x29d: {  	s14 =	simm.s32 $0x16F00  }
0x29e: {  	[tilespmem:s14], [sflag:$0x2] =	stream.indirect_vreg.gather [hbm4b:s4+s2], $0x80, v5, vm0, $0xb8;
	[tilespmem:$0x19F80] =	vst v63  }
0x29f: {  	s15 =	simm.s32 $0x17700  }
0x2a0: {  	[tilespmem:s15], [sflag:$0x2] =	stream.indirect_vreg.gather [hbm4b:s4+s2], $0x80, v4, vm0, $0xb8;
	[tilespmem:$0x19F80] =	vst v63  }
0x2a1: {  	v4 =	vld [tilespmem:s1+$0x77E0];
	_ =	sdelay $0x4  }
0x2a2: {  	v5 =	vshll.u32 v4, $0x1  }
0x2a3: {  	v4 =	vand.u32 $0x7, v4;
	v5 =	vand.u32 $0xFFFFFFF0, v5  }
0x2a4: {  	v4 =	vor.u32 v4, v5  }
0x2a5: {  	v5 =	vperm.xlane v4, v1;
	_ =	sdelay $0x1  }
0x2a6: {  	v4 =	vperm.xlane v4, v3;
	v5 =	vadd.s32 v2, v5;
	_ =	sdelay $0x1  }
0x2a7: {  	v4 =	vadd.s32 v2, v4;
	_ =	sdelay $0x1  }
0x2a8: {  	s17 =	simm.s32 $0x17F00  }
0x2a9: {  	[tilespmem:s17], [sflag:$0x2] =	stream.indirect_vreg.gather [hbm4b:s4+s2], $0x80, v5, vm0, $0xb8;
	[tilespmem:$0x19F80] =	vst v63  }
0x2aa: {  	s20 =	simm.s32 $0x18700  }
0x2ab: {  	[tilespmem:s20], [sflag:$0x2] =	stream.indirect_vreg.gather [hbm4b:s4+s2], $0x80, v4, vm0, $0xb8;
	[tilespmem:$0x19F80] =	vst v63  }
0x2ac: {  	v4 =	vld [tilespmem:s1+$0x77F0];
	_ =	sdelay $0x4  }
0x2ad: {  	v5 =	vshll.u32 v4, $0x1  }
0x2ae: {  	v4 =	vand.u32 $0x7, v4;
	v5 =	vand.u32 $0xFFFFFFF0, v5  }
0x2af: {  	v4 =	vor.u32 v4, v5  }
0x2b0: {  	v5 =	vperm.xlane v4, v1;
	_ =	sdelay $0x1  }
0x2b1: {  	v4 =	vperm.xlane v4, v3;
	v5 =	vadd.s32 v2, v5;
	_ =	sdelay $0x1  }
0x2b2: {  	v4 =	vadd.s32 v2, v4  }
.Ltmp10:
0x2b3: {  	_ = 	snop;
	(pc) =	sbr.rel .LBB2_12-.Ltmp10, $4  }
0x2b4: {  	_ = 	snop  }
0x2b5: {  	[tilespmem:s8], [sflag:$0x2] =	stream.indirect_vreg.gather [hbm4b:s4+s2], $0x80, v5, vm0, $0xb8;
	[tilespmem:$0x19F80] =	vst v63  }
0x2b6: {  	_ = 	snop  }
0x2b7: {  	[tilespmem:s9], [sflag:$0x2] =	stream.indirect_vreg.gather [hbm4b:s4+s2], $0x80, v4, vm0, $0xb8;
	[tilespmem:$0x19F80] =	vst v63  }
.LBB2_14:
0x2b8: {  	_ =	sfence.sel $0x180000  }
0x2b9: {  	[bflag:$0x0] =	sbarrier.arrive $0xFFFF  }
0x2ba: {  	_ =	strace $0x90000047  }
0x2bb: {  	s0 =	stileid.u32;
	[bflag:$0x2] =	sbarrier.arrive $0xFFFF  }
0x2bc: {  	p0 =	sne.s32 s0, $0x0;
	s0 =	rddreg [dreg:$0x1]  }
0x2bd: {  	s0 =	sadd.s32 @!p0 $0x100000, s0  }
0x2be: {  	[sflag:s0] =	ssyncadd.tile.s32 @!p0 $0x1;
	_ =	shalt  }
.Lfunc_end2:
_tile_overlayer_lowered:
.L_overlay_start_2:
0x2bf: {  	(tag) =	ssettag $0x2  }
0x2c0: {  	s0 =	rddreg [dreg:$0x0];
	s2 =	stileid.u32  }
0x2c1: {  	s1 =	rddreg [dreg:$0x1];
	p0 =	sne.s32 s2, $0x0  }
0x2c2: {  	s3 =	rddreg [dreg:$0x2];
	[bflag:$0x3] =	sbarrier.arrive $0xFFFF;
	s2 =	simm.s32 @!p0 $0x1C05  }
0x2c3: {  	[timem:s3], [sflag:s2] =	dma.local @!p0 [hbm:s0], s1  }
0x2c4: {  	s0 =	simm.s32 @!p0 $0x5  }
0x2c5: {  	_ =	swait.ge @!p0 [sflag:s0], s1  }
0x2c6: {  	s1 =	ssub.s32 @!p0 $0x0, s1;
	[sflag:s0] =	ssyncset.done @!p0 $0x0  }
0x2c7: {  	[sflag:s0] =	ssyncadd.s32 @!p0 s1  }
0x2c8: {  	[bflag:$0x3] =	sbarrier.arrive $0xFFFF  }
0x2c9: {  	_ =	shalt  }

</sc_bundles>
